<compile_context>
chip_gen: v7x
topology: tpu7x:2x2x1
jax: 0.10.2.dev20260603
libtpu: 0.0.44.dev20260713+nightly
codegen_flags: <defaults>
</compile_context>

<pallas_src>
import functools

import jax
import jax.numpy as jnp
from jax import lax
from jax.experimental import pallas as pl
from jax.experimental.pallas import tpu as pltpu
from jax.experimental.pallas import tpu_sc as plsc

_NC = 2
_NS = 16
_L = 16
_NBUF = 8
_CHUNK = 32


def _fm_body(F, FP, K, BPW, cat_hbm, emb_hbm, lin_hbm, bias_hbm, out_hbm,
             idx_v, out_v, bias_v, *bufs):
  ebufs = bufs[:_NBUF]
  lbufs = bufs[_NBUF:2 * _NBUF]
  esems = bufs[2 * _NBUF:3 * _NBUF]
  lsems = bufs[3 * _NBUF:4 * _NBUF]
  KG = K // _L

  wid = lax.axis_index("s") * _NC + lax.axis_index("c")
  base = wid * BPW

  pltpu.sync_copy(cat_hbm.at[pl.ds(base, _CHUNK)], idx_v.at[pl.ds(0, _CHUNK)])
  pltpu.sync_copy(bias_hbm, bias_v)
  bias0 = bias_v[...][0]

  def _islot(j):
    return lax.bitwise_and(lax.shift_right_logical(j, 5), 1) * _CHUNK + \
        lax.bitwise_and(j, _CHUNK - 1)

  def _fire(j, b):
    row = idx_v.at[_islot(j)]
    pltpu.async_copy(emb_hbm.at[row], ebufs[b], esems[b])
    pltpu.async_copy(lin_hbm.at[row], lbufs[b], lsems[b])

  for b in range(_NBUF):
    _fire(jnp.int32(b), b)

  zero = jnp.zeros((_L,), jnp.float32)
  lane_iota = lax.iota(jnp.int32, _L)

  def _gstep(g, resvec):
    c = lax.div(g, _CHUNK // _NBUF)

    @pl.when((lax.rem(g, _CHUNK // _NBUF) == 0) & (c < BPW // _CHUNK - 1))
    def _():
      dst = lax.bitwise_and(c + 1, 1) * _CHUNK
      pltpu.sync_copy(cat_hbm.at[pl.ds(base + (c + 1) * _CHUNK, _CHUNK)],
                      idx_v.at[pl.ds(dst, _CHUNK)])

    for b in range(_NBUF):
      j = g * _NBUF + b
      row = idx_v.at[_islot(j)]
      pltpu.make_async_copy(emb_hbm.at[row], ebufs[b], esems[b]).wait()
      pltpu.make_async_copy(lin_hbm.at[row], lbufs[b], lsems[b]).wait()

      def _accum(f, carry):
        ss = carry[:KG]
        qq = carry[KG:2 * KG]
        ls = carry[2 * KG]
        new_ss = []
        new_qq = []
        for g2 in range(KG // 2):
          pk = ebufs[b][f, pl.ds(g2 * 2 * _L, 2 * _L)]
          ea, eb = plsc.unpack(pk, format=plsc.PackFormat.INTERLEAVED,
                               preferred_element_type=jnp.float32)
          for gg, e in ((2 * g2, ea), (2 * g2 + 1, eb)):
            new_ss.append(ss[gg] + e)
            new_qq.append(qq[gg] + e * e)
        return (*new_ss, *new_qq, ls + lbufs[b][f])

      res = lax.fori_loop(0, F, _accum, (zero,) * (2 * KG + 1))
      ss = res[:KG]
      qq = res[KG:2 * KG]
      ls = res[2 * KG]
      r = zero
      for gg in range(KG):
        r = r + (ss[gg] * ss[gg] - qq[gg])
      v = 0.5 * r + ls
      total = bias0
      for lane_i in range(_L):
        total = total + v[lane_i]
      lane = lax.rem(j, _L)
      resvec = jnp.where(lane_iota == lane, total, resvec)
      if (b + 1) % _L == 0 or _NBUF < _L and b == _NBUF - 1:

        @pl.when(lane == _L - 1)
        def _():
          out_v[pl.ds(j - (_L - 1), _L)] = resvec

      nj = j + _NBUF

      @pl.when(nj < BPW)
      def _():
        _fire(nj, b)

    return resvec

  lax.fori_loop(0, BPW // _NBUF, _gstep, zero)
  pltpu.sync_copy(out_v, out_hbm.at[pl.ds(base, BPW)])


def kernel(cat_features, emb_table, lin_table, bias):
  B, F = cat_features.shape
  V, K = emb_table.shape
  NW = _NC * _NS
  BPW = B // NW
  FP = -(-F // 8) * 8

  cat_pad = jnp.pad(cat_features, ((0, 0), (0, FP - F)))
  lin_pad = jnp.pad(lin_table, ((0, 0), (0, _L - lin_table.shape[1])))
  bias_pad = jnp.pad(bias, (0, _L - bias.shape[0]))

  mesh = plsc.VectorSubcoreMesh(core_axis_name="c", subcore_axis_name="s")
  scratch = [
      pltpu.VMEM((2 * _CHUNK, FP), jnp.int32),
      pltpu.VMEM((BPW,), jnp.float32),
      pltpu.VMEM((_L,), jnp.float32),
  ]
  scratch += [pltpu.VMEM((FP, K), jnp.bfloat16) for _ in range(_NBUF)]
  scratch += [pltpu.VMEM((FP, _L), jnp.float32) for _ in range(_NBUF)]
  scratch += [pltpu.SemaphoreType.DMA for _ in range(2 * _NBUF)]

  body = functools.partial(_fm_body, F, FP, K, BPW)
  out = pl.kernel(
      body,
      out_type=jax.ShapeDtypeStruct((B,), jnp.float32),
      mesh=mesh,
      scratch_types=scratch,
      compiler_params=pltpu.CompilerParams(
          use_tc_tiling_on_sc=False, needs_layout_passes=False),
  )(cat_pad, emb_table.astype(jnp.bfloat16), lin_pad, bias_pad)
  return out.reshape(B, 1)

# --- scband reference (transcript-rebuilt; emitter-appended) ---
"""Pipeline reference for scband-fm-57234734186673 (READ-ONLY COPY).

The authoritative reference and input builder live on the scoring server;
editing this copy changes nothing except your own understanding.
"""

import jax, jax.numpy as jnp
import numpy as np

V = 100001  # sum(categorical_dims) + 1
K = 128
B = 16384
F = 100

def setup_inputs(seed: int = 0) -> dict:
    key = jax.random.key(seed)
    k1, k2, k3 = jax.random.split(key, 3)
    cat_features = jax.random.randint(k1, (B, F), 0, 100000, dtype=jnp.int32)
    emb_table = jax.random.normal(k2, (V, K), dtype=jnp.float32) * 0.01
    lin_table = jax.random.normal(k3, (V, 1), dtype=jnp.float32) * 0.01
    bias = jnp.zeros((1,), dtype=jnp.float32)
    return {"cat_features": cat_features, "emb_table": emb_table, "lin_table": lin_table, "bias": bias}

def reference(cat_features, emb_table, lin_table, bias):
    # FeatureEmbedding: gather
    embds = jnp.take(emb_table, cat_features, axis=0)  # [B, F, K]
    # FactorizationMachine
    sum_of_square = jnp.sum(embds ** 2, axis=1)          # [B, K]
    square_of_sum = jnp.sum(embds, axis=1) ** 2          # [B, K]
    fm_term = 0.5 * jnp.sum(square_of_sum - sum_of_square, axis=1, keepdims=True)  # [B, 1]
    # LinearModel
    linear_weights = jnp.take(lin_table, cat_features, axis=0)  # [B, F, 1]
    linear_term = jnp.sum(linear_weights, axis=1) + bias          # [B, 1]
    return fm_term + linear_term

if __name__ == "__main__":
    import jax
    _d = setup_inputs()
    print(jax.jit(kernel)(*tuple(_d.values())))

</pallas_src>

<mosaic_0001>
#map = affine_map<(d0, d1) -> (0, 0)>
#map1 = affine_map<(d0, d1) -> (0)>
module attributes {stable_mosaic.version = 14 : i64} {
  func.func @_fm_body(%arg0: i32, %arg1: i32, %arg2: memref<16384x104xi32, #tpu.memory_space<hbm>>, %arg3: memref<100001x128xbf16, #tpu.memory_space<hbm>>, %arg4: memref<100001x16xf32, #tpu.memory_space<hbm>>, %arg5: memref<16xf32, #tpu.memory_space<hbm>>, %arg6: memref<16384xf32, #tpu.memory_space<hbm>>, %arg7: memref<64x104xi32, #tpu.memory_space<vmem>>, %arg8: memref<512xf32, #tpu.memory_space<vmem>>, %arg9: memref<16xf32, #tpu.memory_space<vmem>>, %arg10: memref<104x128xbf16, #tpu.memory_space<vmem>>, %arg11: memref<104x128xbf16, #tpu.memory_space<vmem>>, %arg12: memref<104x128xbf16, #tpu.memory_space<vmem>>, %arg13: memref<104x128xbf16, #tpu.memory_space<vmem>>, %arg14: memref<104x128xbf16, #tpu.memory_space<vmem>>, %arg15: memref<104x128xbf16, #tpu.memory_space<vmem>>, %arg16: memref<104x128xbf16, #tpu.memory_space<vmem>>, %arg17: memref<104x128xbf16, #tpu.memory_space<vmem>>, %arg18: memref<104x16xf32, #tpu.memory_space<vmem>>, %arg19: memref<104x16xf32, #tpu.memory_space<vmem>>, %arg20: memref<104x16xf32, #tpu.memory_space<vmem>>, %arg21: memref<104x16xf32, #tpu.memory_space<vmem>>, %arg22: memref<104x16xf32, #tpu.memory_space<vmem>>, %arg23: memref<104x16xf32, #tpu.memory_space<vmem>>, %arg24: memref<104x16xf32, #tpu.memory_space<vmem>>, %arg25: memref<104x16xf32, #tpu.memory_space<vmem>>, %arg26: memref<!tpu.dma_semaphore, #tpu.memory_space<semaphore_mem>>, %arg27: memref<!tpu.dma_semaphore, #tpu.memory_space<semaphore_mem>>, %arg28: memref<!tpu.dma_semaphore, #tpu.memory_space<semaphore_mem>>, %arg29: memref<!tpu.dma_semaphore, #tpu.memory_space<semaphore_mem>>, %arg30: memref<!tpu.dma_semaphore, #tpu.memory_space<semaphore_mem>>, %arg31: memref<!tpu.dma_semaphore, #tpu.memory_space<semaphore_mem>>, %arg32: memref<!tpu.dma_semaphore, #tpu.memory_space<semaphore_mem>>, %arg33: memref<!tpu.dma_semaphore, #tpu.memory_space<semaphore_mem>>, %arg34: memref<!tpu.dma_semaphore, #tpu.memory_space<semaphore_mem>>, %arg35: memref<!tpu.dma_semaphore, #tpu.memory_space<semaphore_mem>>, %arg36: memref<!tpu.dma_semaphore, #tpu.memory_space<semaphore_mem>>, %arg37: memref<!tpu.dma_semaphore, #tpu.memory_space<semaphore_mem>>, %arg38: memref<!tpu.dma_semaphore, #tpu.memory_space<semaphore_mem>>, %arg39: memref<!tpu.dma_semaphore, #tpu.memory_space<semaphore_mem>>, %arg40: memref<!tpu.dma_semaphore, #tpu.memory_space<semaphore_mem>>, %arg41: memref<!tpu.dma_semaphore, #tpu.memory_space<semaphore_mem>>) attributes {dimension_semantics = [#tpu.dimension_semantics<core_parallel>, #tpu.dimension_semantics<subcore_parallel>], iteration_bounds = array<i64: 2, 16>, scalar_prefetch = 0 : i64, scratch_operands = 35 : i64, tpu.core_type = #tpu.core_type<sc_vector_subcore>, window_params = [{transform_indices = #map}, {transform_indices = #map}, {transform_indices = #map}, {transform_indices = #map1}, {transform_indices = #map1}]} {
    %mul3A = arith.constant 2 : i32
    %mul3A_0 = arith.muli %arg1, %mul3A : i32
    %add3A = arith.addi %mul3A_0, %arg0 : i32
    %mul3A_1 = arith.constant 512 : i32
    %mul3A_2 = arith.muli %add3A, %mul3A_1 : i32
    "tpu.region"() ({
      %run_scoped3A = tpu.sem_alloc : memref<!tpu.dma_semaphore, #tpu.memory_space<semaphore_mem>>
      %dma_start3A_191 = arith.constant 0 : i32
      %dma_start3A_192 = arith.constant 0 : i32
      %dma_start3A_193 = tpu.memref_slice %arg7[%dma_start3A_191, %dma_start3A_192] : memref<64x104xi32, #tpu.memory_space<vmem>> -> memref<32x104xi32, #tpu.memory_space<vmem>>
      %dma_start3A_194 = arith.constant 0 : i32
      %dma_start3A_195 = tpu.memref_slice %arg2[%mul3A_2, %dma_start3A_194] : memref<16384x104xi32, #tpu.memory_space<hbm>> -> memref<32x104xi32, #tpu.memory_space<hbm>>
      %dma_start3A_196 = arith.constant 0 : i32
      %dma_start3A_197 = arith.constant 0 : i32
      %dma_start3A_198 = tpu.memref_slice %arg7[%dma_start3A_196, %dma_start3A_197] : memref<64x104xi32, #tpu.memory_space<vmem>> -> memref<32x104xi32, #tpu.memory_space<vmem>>
      %dma_start3A_199 = arith.constant 0 : i32
      %dma_start3A_200 = tpu.memref_slice %arg2[%mul3A_2, %dma_start3A_199] : memref<16384x104xi32, #tpu.memory_space<hbm>> -> memref<32x104xi32, #tpu.memory_space<hbm>>
      tpu.enqueue_dma source(%dma_start3A_200 : memref<32x104xi32, #tpu.memory_space<hbm>>) target(%dma_start3A_198 : memref<32x104xi32, #tpu.memory_space<vmem>>) target_semaphore(%run_scoped3A : memref<!tpu.dma_semaphore, #tpu.memory_space<semaphore_mem>>)
      %dma_wait3A = arith.constant 0 : i32
      %dma_wait3A_201 = arith.constant 0 : i32
      %dma_wait3A_202 = tpu.memref_slice %arg7[%dma_wait3A, %dma_wait3A_201] : memref<64x104xi32, #tpu.memory_space<vmem>> -> memref<32x104xi32, #tpu.memory_space<vmem>>
      %dma_wait3A_203 = arith.constant 0 : i32
      %dma_wait3A_204 = tpu.memref_slice %arg2[%mul3A_2, %dma_wait3A_203] : memref<16384x104xi32, #tpu.memory_space<hbm>> -> memref<32x104xi32, #tpu.memory_space<hbm>>
      %dma_wait3A_205 = arith.constant 0 : i32
      %dma_wait3A_206 = arith.constant 0 : i32
      %dma_wait3A_207 = tpu.memref_slice %arg7[%dma_wait3A_205, %dma_wait3A_206] : memref<64x104xi32, #tpu.memory_space<vmem>> -> memref<32x104xi32, #tpu.memory_space<vmem>>
      %dma_wait3A_208 = arith.constant 0 : i32
      %dma_wait3A_209 = tpu.memref_slice %arg2[%mul3A_2, %dma_wait3A_208] : memref<16384x104xi32, #tpu.memory_space<hbm>> -> memref<32x104xi32, #tpu.memory_space<hbm>>
      tpu.wait_dma2 semaphore(%run_scoped3A : memref<!tpu.dma_semaphore, #tpu.memory_space<semaphore_mem>>) src(%dma_wait3A_209 : memref<32x104xi32, #tpu.memory_space<hbm>>) dst(%dma_wait3A_207 : memref<32x104xi32, #tpu.memory_space<vmem>>)
      tpu.yield
    }) : () -> ()
    "tpu.region"() ({
      %run_scoped3A = tpu.sem_alloc : memref<!tpu.dma_semaphore, #tpu.memory_space<semaphore_mem>>
      tpu.enqueue_dma source(%arg5 : memref<16xf32, #tpu.memory_space<hbm>>) target(%arg9 : memref<16xf32, #tpu.memory_space<vmem>>) target_semaphore(%run_scoped3A : memref<!tpu.dma_semaphore, #tpu.memory_space<semaphore_mem>>)
      tpu.wait_dma2 semaphore(%run_scoped3A : memref<!tpu.dma_semaphore, #tpu.memory_space<semaphore_mem>>) src(%arg5 : memref<16xf32, #tpu.memory_space<hbm>>) dst(%arg9 : memref<16xf32, #tpu.memory_space<vmem>>)
      tpu.yield
    }) : () -> ()
    %get3A = arith.constant 0 : index
    %get3A_3 = tpu.vector_load %arg9[%get3A] {strides = array<i32>} : memref<16xf32, #tpu.memory_space<vmem>>, vector<16xf32>,
    %slice3A = vector.extract_strided_slice %get3A_3 {offsets = [0], sizes = [1], strides = [1]} : vector<16xf32> to vector<1xf32>
    %squeeze3A = vector.extract %slice3A[0] : f32 from vector<1xf32>
    %shift_right_logical3A = arith.constant 0 : i32
    %shift_right_logical3A_4 = arith.constant 5 : i32
    %shift_right_logical3A_5 = arith.shrui %shift_right_logical3A, %shift_right_logical3A_4 : i32
    %and3A = arith.constant 1 : i32
    %and3A_6 = arith.andi %shift_right_logical3A_5, %and3A : i32
    %mul3A_7 = arith.constant 32 : i32
    %mul3A_8 = arith.muli %and3A_6, %mul3A_7 : i32
    %and3A_9 = arith.constant 0 : i32
    %and3A_10 = arith.constant 31 : i32
    %and3A_11 = arith.andi %and3A_9, %and3A_10 : i32
    %add3A_12 = arith.addi %mul3A_8, %and3A_11 : i32
    %dma_start3A = arith.constant 0 : i32
    %dma_start3A_13 = tpu.memref_slice %arg7[%add3A_12, %dma_start3A] : memref<64x104xi32, #tpu.memory_space<vmem>> -> memref<1x104xi32, #tpu.memory_space<vmem>>
    %dma_start3A_14 = tpu.memref_squeeze %dma_start3A_13 : memref<1x104xi32, #tpu.memory_space<vmem>> -> memref<104xi32, #tpu.memory_space<vmem>>
    %dma_start3A_15 = arith.constant 0 : i32
    %dma_start3A_16 = arith.constant 0 : i32
    %dma_start3A_17 = tpu.memref_slice %arg3[%dma_start3A_15, %dma_start3A_16] : memref<100001x128xbf16, #tpu.memory_space<hbm>> -> memref<100001x128xbf16, #tpu.memory_space<hbm>>
    tpu.enqueue_indirect_dma source(%dma_start3A_17 : memref<100001x128xbf16, #tpu.memory_space<hbm>>) target(%arg10 : memref<104x128xbf16, #tpu.memory_space<vmem>>) offsets(%dma_start3A_14 : memref<104xi32, #tpu.memory_space<vmem>>) semaphore(%arg26 : memref<!tpu.dma_semaphore, #tpu.memory_space<semaphore_mem>>)
    %dma_start3A_18 = arith.constant 0 : i32
    %dma_start3A_19 = tpu.memref_slice %arg7[%add3A_12, %dma_start3A_18] : memref<64x104xi32, #tpu.memory_space<vmem>> -> memref<1x104xi32, #tpu.memory_space<vmem>>
    %dma_start3A_20 = tpu.memref_squeeze %dma_start3A_19 : memref<1x104xi32, #tpu.memory_space<vmem>> -> memref<104xi32, #tpu.memory_space<vmem>>
    %dma_start3A_21 = arith.constant 0 : i32
    %dma_start3A_22 = arith.constant 0 : i32
    %dma_start3A_23 = tpu.memref_slice %arg4[%dma_start3A_21, %dma_start3A_22] : memref<100001x16xf32, #tpu.memory_space<hbm>> -> memref<100001x16xf32, #tpu.memory_space<hbm>>
    tpu.enqueue_indirect_dma source(%dma_start3A_23 : memref<100001x16xf32, #tpu.memory_space<hbm>>) target(%arg18 : memref<104x16xf32, #tpu.memory_space<vmem>>) offsets(%dma_start3A_20 : memref<104xi32, #tpu.memory_space<vmem>>) semaphore(%arg34 : memref<!tpu.dma_semaphore, #tpu.memory_space<semaphore_mem>>)
    %shift_right_logical3A_24 = arith.constant 1 : i32
    %shift_right_logical3A_25 = arith.constant 5 : i32
    %shift_right_logical3A_26 = arith.shrui %shift_right_logical3A_24, %shift_right_logical3A_25 : i32
    %and3A_27 = arith.constant 1 : i32
    %and3A_28 = arith.andi %shift_right_logical3A_26, %and3A_27 : i32
    %mul3A_29 = arith.constant 32 : i32
    %mul3A_30 = arith.muli %and3A_28, %mul3A_29 : i32
    %and3A_31 = arith.constant 1 : i32
    %and3A_32 = arith.constant 31 : i32
    %and3A_33 = arith.andi %and3A_31, %and3A_32 : i32
    %add3A_34 = arith.addi %mul3A_30, %and3A_33 : i32
    %dma_start3A_35 = arith.constant 0 : i32
    %dma_start3A_36 = tpu.memref_slice %arg7[%add3A_34, %dma_start3A_35] : memref<64x104xi32, #tpu.memory_space<vmem>> -> memref<1x104xi32, #tpu.memory_space<vmem>>
    %dma_start3A_37 = tpu.memref_squeeze %dma_start3A_36 : memref<1x104xi32, #tpu.memory_space<vmem>> -> memref<104xi32, #tpu.memory_space<vmem>>
    %dma_start3A_38 = arith.constant 0 : i32
    %dma_start3A_39 = arith.constant 0 : i32
    %dma_start3A_40 = tpu.memref_slice %arg3[%dma_start3A_38, %dma_start3A_39] : memref<100001x128xbf16, #tpu.memory_space<hbm>> -> memref<100001x128xbf16, #tpu.memory_space<hbm>>
    tpu.enqueue_indirect_dma source(%dma_start3A_40 : memref<100001x128xbf16, #tpu.memory_space<hbm>>) target(%arg11 : memref<104x128xbf16, #tpu.memory_space<vmem>>) offsets(%dma_start3A_37 : memref<104xi32, #tpu.memory_space<vmem>>) semaphore(%arg27 : memref<!tpu.dma_semaphore, #tpu.memory_space<semaphore_mem>>)
    %dma_start3A_41 = arith.constant 0 : i32
    %dma_start3A_42 = tpu.memref_slice %arg7[%add3A_34, %dma_start3A_41] : memref<64x104xi32, #tpu.memory_space<vmem>> -> memref<1x104xi32, #tpu.memory_space<vmem>>
    %dma_start3A_43 = tpu.memref_squeeze %dma_start3A_42 : memref<1x104xi32, #tpu.memory_space<vmem>> -> memref<104xi32, #tpu.memory_space<vmem>>
    %dma_start3A_44 = arith.constant 0 : i32
    %dma_start3A_45 = arith.constant 0 : i32
    %dma_start3A_46 = tpu.memref_slice %arg4[%dma_start3A_44, %dma_start3A_45] : memref<100001x16xf32, #tpu.memory_space<hbm>> -> memref<100001x16xf32, #tpu.memory_space<hbm>>
    tpu.enqueue_indirect_dma source(%dma_start3A_46 : memref<100001x16xf32, #tpu.memory_space<hbm>>) target(%arg19 : memref<104x16xf32, #tpu.memory_space<vmem>>) offsets(%dma_start3A_43 : memref<104xi32, #tpu.memory_space<vmem>>) semaphore(%arg35 : memref<!tpu.dma_semaphore, #tpu.memory_space<semaphore_mem>>)
    %shift_right_logical3A_47 = arith.constant 2 : i32
    %shift_right_logical3A_48 = arith.constant 5 : i32
    %shift_right_logical3A_49 = arith.shrui %shift_right_logical3A_47, %shift_right_logical3A_48 : i32
    %and3A_50 = arith.constant 1 : i32
    %and3A_51 = arith.andi %shift_right_logical3A_49, %and3A_50 : i32
    %mul3A_52 = arith.constant 32 : i32
    %mul3A_53 = arith.muli %and3A_51, %mul3A_52 : i32
    %and3A_54 = arith.constant 2 : i32
    %and3A_55 = arith.constant 31 : i32
    %and3A_56 = arith.andi %and3A_54, %and3A_55 : i32
    %add3A_57 = arith.addi %mul3A_53, %and3A_56 : i32
    %dma_start3A_58 = arith.constant 0 : i32
    %dma_start3A_59 = tpu.memref_slice %arg7[%add3A_57, %dma_start3A_58] : memref<64x104xi32, #tpu.memory_space<vmem>> -> memref<1x104xi32, #tpu.memory_space<vmem>>
    %dma_start3A_60 = tpu.memref_squeeze %dma_start3A_59 : memref<1x104xi32, #tpu.memory_space<vmem>> -> memref<104xi32, #tpu.memory_space<vmem>>
    %dma_start3A_61 = arith.constant 0 : i32
    %dma_start3A_62 = arith.constant 0 : i32
    %dma_start3A_63 = tpu.memref_slice %arg3[%dma_start3A_61, %dma_start3A_62] : memref<100001x128xbf16, #tpu.memory_space<hbm>> -> memref<100001x128xbf16, #tpu.memory_space<hbm>>
    tpu.enqueue_indirect_dma source(%dma_start3A_63 : memref<100001x128xbf16, #tpu.memory_space<hbm>>) target(%arg12 : memref<104x128xbf16, #tpu.memory_space<vmem>>) offsets(%dma_start3A_60 : memref<104xi32, #tpu.memory_space<vmem>>) semaphore(%arg28 : memref<!tpu.dma_semaphore, #tpu.memory_space<semaphore_mem>>)
    %dma_start3A_64 = arith.constant 0 : i32
    %dma_start3A_65 = tpu.memref_slice %arg7[%add3A_57, %dma_start3A_64] : memref<64x104xi32, #tpu.memory_space<vmem>> -> memref<1x104xi32, #tpu.memory_space<vmem>>
    %dma_start3A_66 = tpu.memref_squeeze %dma_start3A_65 : memref<1x104xi32, #tpu.memory_space<vmem>> -> memref<104xi32, #tpu.memory_space<vmem>>
    %dma_start3A_67 = arith.constant 0 : i32
    %dma_start3A_68 = arith.constant 0 : i32
    %dma_start3A_69 = tpu.memref_slice %arg4[%dma_start3A_67, %dma_start3A_68] : memref<100001x16xf32, #tpu.memory_space<hbm>> -> memref<100001x16xf32, #tpu.memory_space<hbm>>
    tpu.enqueue_indirect_dma source(%dma_start3A_69 : memref<100001x16xf32, #tpu.memory_space<hbm>>) target(%arg20 : memref<104x16xf32, #tpu.memory_space<vmem>>) offsets(%dma_start3A_66 : memref<104xi32, #tpu.memory_space<vmem>>) semaphore(%arg36 : memref<!tpu.dma_semaphore, #tpu.memory_space<semaphore_mem>>)
    %shift_right_logical3A_70 = arith.constant 3 : i32
    %shift_right_logical3A_71 = arith.constant 5 : i32
    %shift_right_logical3A_72 = arith.shrui %shift_right_logical3A_70, %shift_right_logical3A_71 : i32
    %and3A_73 = arith.constant 1 : i32
    %and3A_74 = arith.andi %shift_right_logical3A_72, %and3A_73 : i32
    %mul3A_75 = arith.constant 32 : i32
    %mul3A_76 = arith.muli %and3A_74, %mul3A_75 : i32
    %and3A_77 = arith.constant 3 : i32
    %and3A_78 = arith.constant 31 : i32
    %and3A_79 = arith.andi %and3A_77, %and3A_78 : i32
    %add3A_80 = arith.addi %mul3A_76, %and3A_79 : i32
    %dma_start3A_81 = arith.constant 0 : i32
    %dma_start3A_82 = tpu.memref_slice %arg7[%add3A_80, %dma_start3A_81] : memref<64x104xi32, #tpu.memory_space<vmem>> -> memref<1x104xi32, #tpu.memory_space<vmem>>
    %dma_start3A_83 = tpu.memref_squeeze %dma_start3A_82 : memref<1x104xi32, #tpu.memory_space<vmem>> -> memref<104xi32, #tpu.memory_space<vmem>>
    %dma_start3A_84 = arith.constant 0 : i32
    %dma_start3A_85 = arith.constant 0 : i32
    %dma_start3A_86 = tpu.memref_slice %arg3[%dma_start3A_84, %dma_start3A_85] : memref<100001x128xbf16, #tpu.memory_space<hbm>> -> memref<100001x128xbf16, #tpu.memory_space<hbm>>
    tpu.enqueue_indirect_dma source(%dma_start3A_86 : memref<100001x128xbf16, #tpu.memory_space<hbm>>) target(%arg13 : memref<104x128xbf16, #tpu.memory_space<vmem>>) offsets(%dma_start3A_83 : memref<104xi32, #tpu.memory_space<vmem>>) semaphore(%arg29 : memref<!tpu.dma_semaphore, #tpu.memory_space<semaphore_mem>>)
    %dma_start3A_87 = arith.constant 0 : i32
    %dma_start3A_88 = tpu.memref_slice %arg7[%add3A_80, %dma_start3A_87] : memref<64x104xi32, #tpu.memory_space<vmem>> -> memref<1x104xi32, #tpu.memory_space<vmem>>
    %dma_start3A_89 = tpu.memref_squeeze %dma_start3A_88 : memref<1x104xi32, #tpu.memory_space<vmem>> -> memref<104xi32, #tpu.memory_space<vmem>>
    %dma_start3A_90 = arith.constant 0 : i32
    %dma_start3A_91 = arith.constant 0 : i32
    %dma_start3A_92 = tpu.memref_slice %arg4[%dma_start3A_90, %dma_start3A_91] : memref<100001x16xf32, #tpu.memory_space<hbm>> -> memref<100001x16xf32, #tpu.memory_space<hbm>>
    tpu.enqueue_indirect_dma source(%dma_start3A_92 : memref<100001x16xf32, #tpu.memory_space<hbm>>) target(%arg21 : memref<104x16xf32, #tpu.memory_space<vmem>>) offsets(%dma_start3A_89 : memref<104xi32, #tpu.memory_space<vmem>>) semaphore(%arg37 : memref<!tpu.dma_semaphore, #tpu.memory_space<semaphore_mem>>)
    %shift_right_logical3A_93 = arith.constant 4 : i32
    %shift_right_logical3A_94 = arith.constant 5 : i32
    %shift_right_logical3A_95 = arith.shrui %shift_right_logical3A_93, %shift_right_logical3A_94 : i32
    %and3A_96 = arith.constant 1 : i32
    %and3A_97 = arith.andi %shift_right_logical3A_95, %and3A_96 : i32
    %mul3A_98 = arith.constant 32 : i32
    %mul3A_99 = arith.muli %and3A_97, %mul3A_98 : i32
    %and3A_100 = arith.constant 4 : i32
    %and3A_101 = arith.constant 31 : i32
    %and3A_102 = arith.andi %and3A_100, %and3A_101 : i32
    %add3A_103 = arith.addi %mul3A_99, %and3A_102 : i32
    %dma_start3A_104 = arith.constant 0 : i32
    %dma_start3A_105 = tpu.memref_slice %arg7[%add3A_103, %dma_start3A_104] : memref<64x104xi32, #tpu.memory_space<vmem>> -> memref<1x104xi32, #tpu.memory_space<vmem>>
    %dma_start3A_106 = tpu.memref_squeeze %dma_start3A_105 : memref<1x104xi32, #tpu.memory_space<vmem>> -> memref<104xi32, #tpu.memory_space<vmem>>
    %dma_start3A_107 = arith.constant 0 : i32
    %dma_start3A_108 = arith.constant 0 : i32
    %dma_start3A_109 = tpu.memref_slice %arg3[%dma_start3A_107, %dma_start3A_108] : memref<100001x128xbf16, #tpu.memory_space<hbm>> -> memref<100001x128xbf16, #tpu.memory_space<hbm>>
    tpu.enqueue_indirect_dma source(%dma_start3A_109 : memref<100001x128xbf16, #tpu.memory_space<hbm>>) target(%arg14 : memref<104x128xbf16, #tpu.memory_space<vmem>>) offsets(%dma_start3A_106 : memref<104xi32, #tpu.memory_space<vmem>>) semaphore(%arg30 : memref<!tpu.dma_semaphore, #tpu.memory_space<semaphore_mem>>)
    %dma_start3A_110 = arith.constant 0 : i32
    %dma_start3A_111 = tpu.memref_slice %arg7[%add3A_103, %dma_start3A_110] : memref<64x104xi32, #tpu.memory_space<vmem>> -> memref<1x104xi32, #tpu.memory_space<vmem>>
    %dma_start3A_112 = tpu.memref_squeeze %dma_start3A_111 : memref<1x104xi32, #tpu.memory_space<vmem>> -> memref<104xi32, #tpu.memory_space<vmem>>
    %dma_start3A_113 = arith.constant 0 : i32
    %dma_start3A_114 = arith.constant 0 : i32
    %dma_start3A_115 = tpu.memref_slice %arg4[%dma_start3A_113, %dma_start3A_114] : memref<100001x16xf32, #tpu.memory_space<hbm>> -> memref<100001x16xf32, #tpu.memory_space<hbm>>
    tpu.enqueue_indirect_dma source(%dma_start3A_115 : memref<100001x16xf32, #tpu.memory_space<hbm>>) target(%arg22 : memref<104x16xf32, #tpu.memory_space<vmem>>) offsets(%dma_start3A_112 : memref<104xi32, #tpu.memory_space<vmem>>) semaphore(%arg38 : memref<!tpu.dma_semaphore, #tpu.memory_space<semaphore_mem>>)
    %shift_right_logical3A_116 = arith.constant 5 : i32
    %shift_right_logical3A_117 = arith.constant 5 : i32
    %shift_right_logical3A_118 = arith.shrui %shift_right_logical3A_116, %shift_right_logical3A_117 : i32
    %and3A_119 = arith.constant 1 : i32
    %and3A_120 = arith.andi %shift_right_logical3A_118, %and3A_119 : i32
    %mul3A_121 = arith.constant 32 : i32
    %mul3A_122 = arith.muli %and3A_120, %mul3A_121 : i32
    %and3A_123 = arith.constant 5 : i32
    %and3A_124 = arith.constant 31 : i32
    %and3A_125 = arith.andi %and3A_123, %and3A_124 : i32
    %add3A_126 = arith.addi %mul3A_122, %and3A_125 : i32
    %dma_start3A_127 = arith.constant 0 : i32
    %dma_start3A_128 = tpu.memref_slice %arg7[%add3A_126, %dma_start3A_127] : memref<64x104xi32, #tpu.memory_space<vmem>> -> memref<1x104xi32, #tpu.memory_space<vmem>>
    %dma_start3A_129 = tpu.memref_squeeze %dma_start3A_128 : memref<1x104xi32, #tpu.memory_space<vmem>> -> memref<104xi32, #tpu.memory_space<vmem>>
    %dma_start3A_130 = arith.constant 0 : i32
    %dma_start3A_131 = arith.constant 0 : i32
    %dma_start3A_132 = tpu.memref_slice %arg3[%dma_start3A_130, %dma_start3A_131] : memref<100001x128xbf16, #tpu.memory_space<hbm>> -> memref<100001x128xbf16, #tpu.memory_space<hbm>>
    tpu.enqueue_indirect_dma source(%dma_start3A_132 : memref<100001x128xbf16, #tpu.memory_space<hbm>>) target(%arg15 : memref<104x128xbf16, #tpu.memory_space<vmem>>) offsets(%dma_start3A_129 : memref<104xi32, #tpu.memory_space<vmem>>) semaphore(%arg31 : memref<!tpu.dma_semaphore, #tpu.memory_space<semaphore_mem>>)
    %dma_start3A_133 = arith.constant 0 : i32
    %dma_start3A_134 = tpu.memref_slice %arg7[%add3A_126, %dma_start3A_133] : memref<64x104xi32, #tpu.memory_space<vmem>> -> memref<1x104xi32, #tpu.memory_space<vmem>>
    %dma_start3A_135 = tpu.memref_squeeze %dma_start3A_134 : memref<1x104xi32, #tpu.memory_space<vmem>> -> memref<104xi32, #tpu.memory_space<vmem>>
    %dma_start3A_136 = arith.constant 0 : i32
    %dma_start3A_137 = arith.constant 0 : i32
    %dma_start3A_138 = tpu.memref_slice %arg4[%dma_start3A_136, %dma_start3A_137] : memref<100001x16xf32, #tpu.memory_space<hbm>> -> memref<100001x16xf32, #tpu.memory_space<hbm>>
    tpu.enqueue_indirect_dma source(%dma_start3A_138 : memref<100001x16xf32, #tpu.memory_space<hbm>>) target(%arg23 : memref<104x16xf32, #tpu.memory_space<vmem>>) offsets(%dma_start3A_135 : memref<104xi32, #tpu.memory_space<vmem>>) semaphore(%arg39 : memref<!tpu.dma_semaphore, #tpu.memory_space<semaphore_mem>>)
    %shift_right_logical3A_139 = arith.constant 6 : i32
    %shift_right_logical3A_140 = arith.constant 5 : i32
    %shift_right_logical3A_141 = arith.shrui %shift_right_logical3A_139, %shift_right_logical3A_140 : i32
    %and3A_142 = arith.constant 1 : i32
    %and3A_143 = arith.andi %shift_right_logical3A_141, %and3A_142 : i32
    %mul3A_144 = arith.constant 32 : i32
    %mul3A_145 = arith.muli %and3A_143, %mul3A_144 : i32
    %and3A_146 = arith.constant 6 : i32
    %and3A_147 = arith.constant 31 : i32
    %and3A_148 = arith.andi %and3A_146, %and3A_147 : i32
    %add3A_149 = arith.addi %mul3A_145, %and3A_148 : i32
    %dma_start3A_150 = arith.constant 0 : i32
    %dma_start3A_151 = tpu.memref_slice %arg7[%add3A_149, %dma_start3A_150] : memref<64x104xi32, #tpu.memory_space<vmem>> -> memref<1x104xi32, #tpu.memory_space<vmem>>
    %dma_start3A_152 = tpu.memref_squeeze %dma_start3A_151 : memref<1x104xi32, #tpu.memory_space<vmem>> -> memref<104xi32, #tpu.memory_space<vmem>>
    %dma_start3A_153 = arith.constant 0 : i32
    %dma_start3A_154 = arith.constant 0 : i32
    %dma_start3A_155 = tpu.memref_slice %arg3[%dma_start3A_153, %dma_start3A_154] : memref<100001x128xbf16, #tpu.memory_space<hbm>> -> memref<100001x128xbf16, #tpu.memory_space<hbm>>
    tpu.enqueue_indirect_dma source(%dma_start3A_155 : memref<100001x128xbf16, #tpu.memory_space<hbm>>) target(%arg16 : memref<104x128xbf16, #tpu.memory_space<vmem>>) offsets(%dma_start3A_152 : memref<104xi32, #tpu.memory_space<vmem>>) semaphore(%arg32 : memref<!tpu.dma_semaphore, #tpu.memory_space<semaphore_mem>>)
    %dma_start3A_156 = arith.constant 0 : i32
    %dma_start3A_157 = tpu.memref_slice %arg7[%add3A_149, %dma_start3A_156] : memref<64x104xi32, #tpu.memory_space<vmem>> -> memref<1x104xi32, #tpu.memory_space<vmem>>
    %dma_start3A_158 = tpu.memref_squeeze %dma_start3A_157 : memref<1x104xi32, #tpu.memory_space<vmem>> -> memref<104xi32, #tpu.memory_space<vmem>>
    %dma_start3A_159 = arith.constant 0 : i32
    %dma_start3A_160 = arith.constant 0 : i32
    %dma_start3A_161 = tpu.memref_slice %arg4[%dma_start3A_159, %dma_start3A_160] : memref<100001x16xf32, #tpu.memory_space<hbm>> -> memref<100001x16xf32, #tpu.memory_space<hbm>>
    tpu.enqueue_indirect_dma source(%dma_start3A_161 : memref<100001x16xf32, #tpu.memory_space<hbm>>) target(%arg24 : memref<104x16xf32, #tpu.memory_space<vmem>>) offsets(%dma_start3A_158 : memref<104xi32, #tpu.memory_space<vmem>>) semaphore(%arg40 : memref<!tpu.dma_semaphore, #tpu.memory_space<semaphore_mem>>)
    %shift_right_logical3A_162 = arith.constant 7 : i32
    %shift_right_logical3A_163 = arith.constant 5 : i32
    %shift_right_logical3A_164 = arith.shrui %shift_right_logical3A_162, %shift_right_logical3A_163 : i32
    %and3A_165 = arith.constant 1 : i32
    %and3A_166 = arith.andi %shift_right_logical3A_164, %and3A_165 : i32
    %mul3A_167 = arith.constant 32 : i32
    %mul3A_168 = arith.muli %and3A_166, %mul3A_167 : i32
    %and3A_169 = arith.constant 7 : i32
    %and3A_170 = arith.constant 31 : i32
    %and3A_171 = arith.andi %and3A_169, %and3A_170 : i32
    %add3A_172 = arith.addi %mul3A_168, %and3A_171 : i32
    %dma_start3A_173 = arith.constant 0 : i32
    %dma_start3A_174 = tpu.memref_slice %arg7[%add3A_172, %dma_start3A_173] : memref<64x104xi32, #tpu.memory_space<vmem>> -> memref<1x104xi32, #tpu.memory_space<vmem>>
    %dma_start3A_175 = tpu.memref_squeeze %dma_start3A_174 : memref<1x104xi32, #tpu.memory_space<vmem>> -> memref<104xi32, #tpu.memory_space<vmem>>
    %dma_start3A_176 = arith.constant 0 : i32
    %dma_start3A_177 = arith.constant 0 : i32
    %dma_start3A_178 = tpu.memref_slice %arg3[%dma_start3A_176, %dma_start3A_177] : memref<100001x128xbf16, #tpu.memory_space<hbm>> -> memref<100001x128xbf16, #tpu.memory_space<hbm>>
    tpu.enqueue_indirect_dma source(%dma_start3A_178 : memref<100001x128xbf16, #tpu.memory_space<hbm>>) target(%arg17 : memref<104x128xbf16, #tpu.memory_space<vmem>>) offsets(%dma_start3A_175 : memref<104xi32, #tpu.memory_space<vmem>>) semaphore(%arg33 : memref<!tpu.dma_semaphore, #tpu.memory_space<semaphore_mem>>)
    %dma_start3A_179 = arith.constant 0 : i32
    %dma_start3A_180 = tpu.memref_slice %arg7[%add3A_172, %dma_start3A_179] : memref<64x104xi32, #tpu.memory_space<vmem>> -> memref<1x104xi32, #tpu.memory_space<vmem>>
    %dma_start3A_181 = tpu.memref_squeeze %dma_start3A_180 : memref<1x104xi32, #tpu.memory_space<vmem>> -> memref<104xi32, #tpu.memory_space<vmem>>
    %dma_start3A_182 = arith.constant 0 : i32
    %dma_start3A_183 = arith.constant 0 : i32
    %dma_start3A_184 = tpu.memref_slice %arg4[%dma_start3A_182, %dma_start3A_183] : memref<100001x16xf32, #tpu.memory_space<hbm>> -> memref<100001x16xf32, #tpu.memory_space<hbm>>
    tpu.enqueue_indirect_dma source(%dma_start3A_184 : memref<100001x16xf32, #tpu.memory_space<hbm>>) target(%arg25 : memref<104x16xf32, #tpu.memory_space<vmem>>) offsets(%dma_start3A_181 : memref<104xi32, #tpu.memory_space<vmem>>) semaphore(%arg41 : memref<!tpu.dma_semaphore, #tpu.memory_space<semaphore_mem>>)
    %broadcast_in_dim3A = arith.constant 0.000000e+00 : f32
    %broadcast_in_dim3A_185 = vector.broadcast %broadcast_in_dim3A : f32 to vector<16xf32>
    %iota3A = tpu.iota {dimensions = array<i32: 0>} : vector<16xi32>
    %scan3A = arith.constant 0 : i32
    %scan3A_186 = arith.constant 64 : i32
    %scan3A_187 = arith.addi %scan3A, %scan3A_186 : i32
    %scan3A_188 = arith.constant 1 : i32
    %scan3A_189 = scf.for %scan3A_191 = %scan3A to %scan3A_187 step %scan3A_188 iter_args(%scan3A_192 = %broadcast_in_dim3A_185) -> (vector<16xf32>)  : i32 {
      %div3A = arith.constant 4 : i32
      %div3A_193 = arith.divsi %scan3A_191, %div3A : i32
      %rem3A = arith.constant 4 : i32
      %rem3A_194 = arith.remsi %scan3A_191, %rem3A : i32
      %eq3A = arith.constant 0 : i32
      %eq3A_195 = arith.cmpi eq, %rem3A_194, %eq3A : i32
      %lt3A = arith.constant 15 : i32
      %lt3A_196 = arith.cmpi slt, %div3A_193, %lt3A : i32
      %and3A_197 = arith.andi %eq3A_195, %lt3A_196 : i1
      %convert_element_type3A = arith.extui %and3A_197 : i1 to i32
      %cond3A = arith.constant 0 : i32
      %cond3A_198 = arith.cmpi ne, %convert_element_type3A, %cond3A : i32
      scf.if %cond3A_198 {
        %add3A_1161 = arith.constant 1 : i32
        %add3A_1162 = arith.addi %div3A_193, %add3A_1161 : i32
        %and3A_1163 = arith.constant 1 : i32
        %and3A_1164 = arith.andi %add3A_1162, %and3A_1163 : i32
        %mul3A_1165 = arith.constant 32 : i32
        %mul3A_1166 = arith.muli %and3A_1164, %mul3A_1165 : i32
        %add3A_1167 = arith.constant 1 : i32
        %add3A_1168 = arith.addi %div3A_193, %add3A_1167 : i32
        %mul3A_1169 = arith.constant 32 : i32
        %mul3A_1170 = arith.muli %add3A_1168, %mul3A_1169 : i32
        %add3A_1171 = arith.addi %mul3A_2, %mul3A_1170 : i32
        "tpu.region"() ({
          %run_scoped3A = tpu.sem_alloc : memref<!tpu.dma_semaphore, #tpu.memory_space<semaphore_mem>>
          %dma_start3A_1172 = arith.constant 0 : i32
          %dma_start3A_1173 = tpu.memref_slice %arg7[%mul3A_1166, %dma_start3A_1172] : memref<64x104xi32, #tpu.memory_space<vmem>> -> memref<32x104xi32, #tpu.memory_space<vmem>>
          %dma_start3A_1174 = arith.constant 0 : i32
          %dma_start3A_1175 = tpu.memref_slice %arg2[%add3A_1171, %dma_start3A_1174] : memref<16384x104xi32, #tpu.memory_space<hbm>> -> memref<32x104xi32, #tpu.memory_space<hbm>>
          %dma_start3A_1176 = arith.constant 0 : i32
          %dma_start3A_1177 = tpu.memref_slice %arg7[%mul3A_1166, %dma_start3A_1176] : memref<64x104xi32, #tpu.memory_space<vmem>> -> memref<32x104xi32, #tpu.memory_space<vmem>>
          %dma_start3A_1178 = arith.constant 0 : i32
          %dma_start3A_1179 = tpu.memref_slice %arg2[%add3A_1171, %dma_start3A_1178] : memref<16384x104xi32, #tpu.memory_space<hbm>> -> memref<32x104xi32, #tpu.memory_space<hbm>>
          tpu.enqueue_dma source(%dma_start3A_1179 : memref<32x104xi32, #tpu.memory_space<hbm>>) target(%dma_start3A_1177 : memref<32x104xi32, #tpu.memory_space<vmem>>) target_semaphore(%run_scoped3A : memref<!tpu.dma_semaphore, #tpu.memory_space<semaphore_mem>>)
          %dma_wait3A_1180 = arith.constant 0 : i32
          %dma_wait3A_1181 = tpu.memref_slice %arg7[%mul3A_1166, %dma_wait3A_1180] : memref<64x104xi32, #tpu.memory_space<vmem>> -> memref<32x104xi32, #tpu.memory_space<vmem>>
          %dma_wait3A_1182 = arith.constant 0 : i32
          %dma_wait3A_1183 = tpu.memref_slice %arg2[%add3A_1171, %dma_wait3A_1182] : memref<16384x104xi32, #tpu.memory_space<hbm>> -> memref<32x104xi32, #tpu.memory_space<hbm>>
          %dma_wait3A_1184 = arith.constant 0 : i32
          %dma_wait3A_1185 = tpu.memref_slice %arg7[%mul3A_1166, %dma_wait3A_1184] : memref<64x104xi32, #tpu.memory_space<vmem>> -> memref<32x104xi32, #tpu.memory_space<vmem>>
          %dma_wait3A_1186 = arith.constant 0 : i32
          %dma_wait3A_1187 = tpu.memref_slice %arg2[%add3A_1171, %dma_wait3A_1186] : memref<16384x104xi32, #tpu.memory_space<hbm>> -> memref<32x104xi32, #tpu.memory_space<hbm>>
          tpu.wait_dma2 semaphore(%run_scoped3A : memref<!tpu.dma_semaphore, #tpu.memory_space<semaphore_mem>>) src(%dma_wait3A_1187 : memref<32x104xi32, #tpu.memory_space<hbm>>) dst(%dma_wait3A_1185 : memref<32x104xi32, #tpu.memory_space<vmem>>)
          tpu.yield
        }) : () -> ()
      } else {
      }
      %mul3A_199 = arith.constant 8 : i32
      %mul3A_200 = arith.muli %scan3A_191, %mul3A_199 : i32
      %add3A_201 = arith.constant 0 : i32
      %add3A_202 = arith.addi %mul3A_200, %add3A_201 : i32
      %shift_right_logical3A_203 = arith.constant 5 : i32
      %shift_right_logical3A_204 = arith.shrui %add3A_202, %shift_right_logical3A_203 : i32
      %and3A_205 = arith.constant 1 : i32
      %and3A_206 = arith.andi %shift_right_logical3A_204, %and3A_205 : i32
      %mul3A_207 = arith.constant 32 : i32
      %mul3A_208 = arith.muli %and3A_206, %mul3A_207 : i32
      %and3A_209 = arith.constant 31 : i32
      %and3A_210 = arith.andi %add3A_202, %and3A_209 : i32
      %add3A_211 = arith.addi %mul3A_208, %and3A_210 : i32
      %dma_wait3A = arith.constant 0 : i32
      %dma_wait3A_212 = tpu.memref_slice %arg7[%add3A_211, %dma_wait3A] : memref<64x104xi32, #tpu.memory_space<vmem>> -> memref<1x104xi32, #tpu.memory_space<vmem>>
      %dma_wait3A_213 = tpu.memref_squeeze %dma_wait3A_212 : memref<1x104xi32, #tpu.memory_space<vmem>> -> memref<104xi32, #tpu.memory_space<vmem>>
      %dma_wait3A_214 = arith.constant 0 : i32
      %dma_wait3A_215 = arith.constant 0 : i32
      %dma_wait3A_216 = tpu.memref_slice %arg3[%dma_wait3A_214, %dma_wait3A_215] : memref<100001x128xbf16, #tpu.memory_space<hbm>> -> memref<100001x128xbf16, #tpu.memory_space<hbm>>
      tpu.wait_indirect_dma semaphore(%arg26 : memref<!tpu.dma_semaphore, #tpu.memory_space<semaphore_mem>>) src(%dma_wait3A_216 : memref<100001x128xbf16, #tpu.memory_space<hbm>>) dst(%arg10 : memref<104x128xbf16, #tpu.memory_space<vmem>>)
      %dma_wait3A_217 = arith.constant 0 : i32
      %dma_wait3A_218 = tpu.memref_slice %arg7[%add3A_211, %dma_wait3A_217] : memref<64x104xi32, #tpu.memory_space<vmem>> -> memref<1x104xi32, #tpu.memory_space<vmem>>
      %dma_wait3A_219 = tpu.memref_squeeze %dma_wait3A_218 : memref<1x104xi32, #tpu.memory_space<vmem>> -> memref<104xi32, #tpu.memory_space<vmem>>
      %dma_wait3A_220 = arith.constant 0 : i32
      %dma_wait3A_221 = arith.constant 0 : i32
      %dma_wait3A_222 = tpu.memref_slice %arg4[%dma_wait3A_220, %dma_wait3A_221] : memref<100001x16xf32, #tpu.memory_space<hbm>> -> memref<100001x16xf32, #tpu.memory_space<hbm>>
      tpu.wait_indirect_dma semaphore(%arg34 : memref<!tpu.dma_semaphore, #tpu.memory_space<semaphore_mem>>) src(%dma_wait3A_222 : memref<100001x16xf32, #tpu.memory_space<hbm>>) dst(%arg18 : memref<104x16xf32, #tpu.memory_space<vmem>>)
      %scan3A_223 = arith.constant 0 : i32
      %scan3A_224 = arith.constant 100 : i32
      %scan3A_225 = arith.addi %scan3A_223, %scan3A_224 : i32
      %scan3A_226 = arith.constant 1 : i32
      %scan3A_227:17 = scf.for %scan3A_1161 = %scan3A_223 to %scan3A_225 step %scan3A_226 iter_args(%scan3A_1162 = %broadcast_in_dim3A_185, %scan3A_1163 = %broadcast_in_dim3A_185, %scan3A_1164 = %broadcast_in_dim3A_185, %scan3A_1165 = %broadcast_in_dim3A_185, %scan3A_1166 = %broadcast_in_dim3A_185, %scan3A_1167 = %broadcast_in_dim3A_185, %scan3A_1168 = %broadcast_in_dim3A_185, %scan3A_1169 = %broadcast_in_dim3A_185, %scan3A_1170 = %broadcast_in_dim3A_185, %scan3A_1171 = %broadcast_in_dim3A_185, %scan3A_1172 = %broadcast_in_dim3A_185, %scan3A_1173 = %broadcast_in_dim3A_185, %scan3A_1174 = %broadcast_in_dim3A_185, %scan3A_1175 = %broadcast_in_dim3A_185, %scan3A_1176 = %broadcast_in_dim3A_185, %scan3A_1177 = %broadcast_in_dim3A_185, %scan3A_1178 = %broadcast_in_dim3A_185) -> (vector<16xf32>, vector<16xf32>, vector<16xf32>, vector<16xf32>, vector<16xf32>, vector<16xf32>, vector<16xf32>, vector<16xf32>, vector<16xf32>, vector<16xf32>, vector<16xf32>, vector<16xf32>, vector<16xf32>, vector<16xf32>, vector<16xf32>, vector<16xf32>, vector<16xf32>)  : i32 {
        %get3A_1179 = arith.index_cast %scan3A_1161 : i32 to index
        %get3A_1180 = arith.constant 0 : index
        %get3A_1181 = tpu.vector_load %arg10[%get3A_1179, %get3A_1180] {strides = array<i32>} : memref<104x128xbf16, #tpu.memory_space<vmem>>, vector<32xbf16>,
        %unpack3A = tpu.unpack_subelements %get3A_1181, 0 {pack_format = #tpu.pack_format<interleaved>} : vector<32xbf16> -> vector<16xf32>
        %unpack3A_1182 = tpu.unpack_subelements %get3A_1181, 1 {pack_format = #tpu.pack_format<interleaved>} : vector<32xbf16> -> vector<16xf32>
        %add3A_1183 = arith.addf %scan3A_1162, %unpack3A : vector<16xf32>
        %mul3A_1184 = arith.mulf %unpack3A, %unpack3A : vector<16xf32>
        %add3A_1185 = arith.addf %scan3A_1170, %mul3A_1184 : vector<16xf32>
        %add3A_1186 = arith.addf %scan3A_1163, %unpack3A_1182 : vector<16xf32>
        %mul3A_1187 = arith.mulf %unpack3A_1182, %unpack3A_1182 : vector<16xf32>
        %add3A_1188 = arith.addf %scan3A_1171, %mul3A_1187 : vector<16xf32>
        %get3A_1189 = arith.index_cast %scan3A_1161 : i32 to index
        %get3A_1190 = arith.constant 32 : index
        %get3A_1191 = tpu.vector_load %arg10[%get3A_1189, %get3A_1190] {strides = array<i32>} : memref<104x128xbf16, #tpu.memory_space<vmem>>, vector<32xbf16>,
        %unpack3A_1192 = tpu.unpack_subelements %get3A_1191, 0 {pack_format = #tpu.pack_format<interleaved>} : vector<32xbf16> -> vector<16xf32>
        %unpack3A_1193 = tpu.unpack_subelements %get3A_1191, 1 {pack_format = #tpu.pack_format<interleaved>} : vector<32xbf16> -> vector<16xf32>
        %add3A_1194 = arith.addf %scan3A_1164, %unpack3A_1192 : vector<16xf32>
        %mul3A_1195 = arith.mulf %unpack3A_1192, %unpack3A_1192 : vector<16xf32>
        %add3A_1196 = arith.addf %scan3A_1172, %mul3A_1195 : vector<16xf32>
        %add3A_1197 = arith.addf %scan3A_1165, %unpack3A_1193 : vector<16xf32>
        %mul3A_1198 = arith.mulf %unpack3A_1193, %unpack3A_1193 : vector<16xf32>
        %add3A_1199 = arith.addf %scan3A_1173, %mul3A_1198 : vector<16xf32>
        %get3A_1200 = arith.index_cast %scan3A_1161 : i32 to index
        %get3A_1201 = arith.constant 64 : index
        %get3A_1202 = tpu.vector_load %arg10[%get3A_1200, %get3A_1201] {strides = array<i32>} : memref<104x128xbf16, #tpu.memory_space<vmem>>, vector<32xbf16>,
        %unpack3A_1203 = tpu.unpack_subelements %get3A_1202, 0 {pack_format = #tpu.pack_format<interleaved>} : vector<32xbf16> -> vector<16xf32>
        %unpack3A_1204 = tpu.unpack_subelements %get3A_1202, 1 {pack_format = #tpu.pack_format<interleaved>} : vector<32xbf16> -> vector<16xf32>
        %add3A_1205 = arith.addf %scan3A_1166, %unpack3A_1203 : vector<16xf32>
        %mul3A_1206 = arith.mulf %unpack3A_1203, %unpack3A_1203 : vector<16xf32>
        %add3A_1207 = arith.addf %scan3A_1174, %mul3A_1206 : vector<16xf32>
        %add3A_1208 = arith.addf %scan3A_1167, %unpack3A_1204 : vector<16xf32>
        %mul3A_1209 = arith.mulf %unpack3A_1204, %unpack3A_1204 : vector<16xf32>
        %add3A_1210 = arith.addf %scan3A_1175, %mul3A_1209 : vector<16xf32>
        %get3A_1211 = arith.index_cast %scan3A_1161 : i32 to index
        %get3A_1212 = arith.constant 96 : index
        %get3A_1213 = tpu.vector_load %arg10[%get3A_1211, %get3A_1212] {strides = array<i32>} : memref<104x128xbf16, #tpu.memory_space<vmem>>, vector<32xbf16>,
        %unpack3A_1214 = tpu.unpack_subelements %get3A_1213, 0 {pack_format = #tpu.pack_format<interleaved>} : vector<32xbf16> -> vector<16xf32>
        %unpack3A_1215 = tpu.unpack_subelements %get3A_1213, 1 {pack_format = #tpu.pack_format<interleaved>} : vector<32xbf16> -> vector<16xf32>
        %add3A_1216 = arith.addf %scan3A_1168, %unpack3A_1214 : vector<16xf32>
        %mul3A_1217 = arith.mulf %unpack3A_1214, %unpack3A_1214 : vector<16xf32>
        %add3A_1218 = arith.addf %scan3A_1176, %mul3A_1217 : vector<16xf32>
        %add3A_1219 = arith.addf %scan3A_1169, %unpack3A_1215 : vector<16xf32>
        %mul3A_1220 = arith.mulf %unpack3A_1215, %unpack3A_1215 : vector<16xf32>
        %add3A_1221 = arith.addf %scan3A_1177, %mul3A_1220 : vector<16xf32>
        %get3A_1222 = arith.index_cast %scan3A_1161 : i32 to index
        %get3A_1223 = arith.constant 0 : index
        %get3A_1224 = tpu.vector_load %arg18[%get3A_1222, %get3A_1223] {strides = array<i32>} : memref<104x16xf32, #tpu.memory_space<vmem>>, vector<16xf32>,
        %add3A_1225 = arith.addf %scan3A_1178, %get3A_1224 : vector<16xf32>
        scf.yield %add3A_1183, %add3A_1186, %add3A_1194, %add3A_1197, %add3A_1205, %add3A_1208, %add3A_1216, %add3A_1219, %add3A_1185, %add3A_1188, %add3A_1196, %add3A_1199, %add3A_1207, %add3A_1210, %add3A_1218, %add3A_1221, %add3A_1225 : vector<16xf32>, vector<16xf32>, vector<16xf32>, vector<16xf32>, vector<16xf32>, vector<16xf32>, vector<16xf32>, vector<16xf32>, vector<16xf32>, vector<16xf32>, vector<16xf32>, vector<16xf32>, vector<16xf32>, vector<16xf32>, vector<16xf32>, vector<16xf32>, vector<16xf32>
      }
      %scan3A_228 = arith.constant 100 : i32
      %mul3A_229 = arith.mulf %scan3A_227#0, %scan3A_227#0 : vector<16xf32>
      %sub3A = arith.subf %mul3A_229, %scan3A_227#8 : vector<16xf32>
      %add3A_230 = arith.addf %broadcast_in_dim3A_185, %sub3A : vector<16xf32>
      %mul3A_231 = arith.mulf %scan3A_227#1, %scan3A_227#1 : vector<16xf32>
      %sub3A_232 = arith.subf %mul3A_231, %scan3A_227#9 : vector<16xf32>
      %add3A_233 = arith.addf %add3A_230, %sub3A_232 : vector<16xf32>
      %mul3A_234 = arith.mulf %scan3A_227#2, %scan3A_227#2 : vector<16xf32>
      %sub3A_235 = arith.subf %mul3A_234, %scan3A_227#10 : vector<16xf32>
      %add3A_236 = arith.addf %add3A_233, %sub3A_235 : vector<16xf32>
      %mul3A_237 = arith.mulf %scan3A_227#3, %scan3A_227#3 : vector<16xf32>
      %sub3A_238 = arith.subf %mul3A_237, %scan3A_227#11 : vector<16xf32>
      %add3A_239 = arith.addf %add3A_236, %sub3A_238 : vector<16xf32>
      %mul3A_240 = arith.mulf %scan3A_227#4, %scan3A_227#4 : vector<16xf32>
      %sub3A_241 = arith.subf %mul3A_240, %scan3A_227#12 : vector<16xf32>
      %add3A_242 = arith.addf %add3A_239, %sub3A_241 : vector<16xf32>
      %mul3A_243 = arith.mulf %scan3A_227#5, %scan3A_227#5 : vector<16xf32>
      %sub3A_244 = arith.subf %mul3A_243, %scan3A_227#13 : vector<16xf32>
      %add3A_245 = arith.addf %add3A_242, %sub3A_244 : vector<16xf32>
      %mul3A_246 = arith.mulf %scan3A_227#6, %scan3A_227#6 : vector<16xf32>
      %sub3A_247 = arith.subf %mul3A_246, %scan3A_227#14 : vector<16xf32>
      %add3A_248 = arith.addf %add3A_245, %sub3A_247 : vector<16xf32>
      %mul3A_249 = arith.mulf %scan3A_227#7, %scan3A_227#7 : vector<16xf32>
      %sub3A_250 = arith.subf %mul3A_249, %scan3A_227#15 : vector<16xf32>
      %add3A_251 = arith.addf %add3A_248, %sub3A_250 : vector<16xf32>
      %mul3A_252 = arith.constant 5.000000e-01 : f32
      %mul3A_253 = vector.broadcast %mul3A_252 : f32 to vector<16xf32>
      %mul3A_254 = arith.mulf %mul3A_253, %add3A_251 : vector<16xf32>
      %add3A_255 = arith.addf %mul3A_254, %scan3A_227#16 : vector<16xf32>
      %slice3A_256 = vector.extract_strided_slice %add3A_255 {offsets = [0], sizes = [1], strides = [1]} : vector<16xf32> to vector<1xf32>
      %squeeze3A_257 = vector.extract %slice3A_256[0] : f32 from vector<1xf32>
      %add3A_258 = arith.addf %squeeze3A, %squeeze3A_257 : f32
      %slice3A_259 = vector.extract_strided_slice %add3A_255 {offsets = [1], sizes = [1], strides = [1]} : vector<16xf32> to vector<1xf32>
      %squeeze3A_260 = vector.extract %slice3A_259[0] : f32 from vector<1xf32>
      %add3A_261 = arith.addf %add3A_258, %squeeze3A_260 : f32
      %slice3A_262 = vector.extract_strided_slice %add3A_255 {offsets = [2], sizes = [1], strides = [1]} : vector<16xf32> to vector<1xf32>
      %squeeze3A_263 = vector.extract %slice3A_262[0] : f32 from vector<1xf32>
      %add3A_264 = arith.addf %add3A_261, %squeeze3A_263 : f32
      %slice3A_265 = vector.extract_strided_slice %add3A_255 {offsets = [3], sizes = [1], strides = [1]} : vector<16xf32> to vector<1xf32>
      %squeeze3A_266 = vector.extract %slice3A_265[0] : f32 from vector<1xf32>
      %add3A_267 = arith.addf %add3A_264, %squeeze3A_266 : f32
      %slice3A_268 = vector.extract_strided_slice %add3A_255 {offsets = [4], sizes = [1], strides = [1]} : vector<16xf32> to vector<1xf32>
      %squeeze3A_269 = vector.extract %slice3A_268[0] : f32 from vector<1xf32>
      %add3A_270 = arith.addf %add3A_267, %squeeze3A_269 : f32
      %slice3A_271 = vector.extract_strided_slice %add3A_255 {offsets = [5], sizes = [1], strides = [1]} : vector<16xf32> to vector<1xf32>
      %squeeze3A_272 = vector.extract %slice3A_271[0] : f32 from vector<1xf32>
      %add3A_273 = arith.addf %add3A_270, %squeeze3A_272 : f32
      %slice3A_274 = vector.extract_strided_slice %add3A_255 {offsets = [6], sizes = [1], strides = [1]} : vector<16xf32> to vector<1xf32>
      %squeeze3A_275 = vector.extract %slice3A_274[0] : f32 from vector<1xf32>
      %add3A_276 = arith.addf %add3A_273, %squeeze3A_275 : f32
      %slice3A_277 = vector.extract_strided_slice %add3A_255 {offsets = [7], sizes = [1], strides = [1]} : vector<16xf32> to vector<1xf32>
      %squeeze3A_278 = vector.extract %slice3A_277[0] : f32 from vector<1xf32>
      %add3A_279 = arith.addf %add3A_276, %squeeze3A_278 : f32
      %slice3A_280 = vector.extract_strided_slice %add3A_255 {offsets = [8], sizes = [1], strides = [1]} : vector<16xf32> to vector<1xf32>
      %squeeze3A_281 = vector.extract %slice3A_280[0] : f32 from vector<1xf32>
      %add3A_282 = arith.addf %add3A_279, %squeeze3A_281 : f32
      %slice3A_283 = vector.extract_strided_slice %add3A_255 {offsets = [9], sizes = [1], strides = [1]} : vector<16xf32> to vector<1xf32>
      %squeeze3A_284 = vector.extract %slice3A_283[0] : f32 from vector<1xf32>
      %add3A_285 = arith.addf %add3A_282, %squeeze3A_284 : f32
      %slice3A_286 = vector.extract_strided_slice %add3A_255 {offsets = [10], sizes = [1], strides = [1]} : vector<16xf32> to vector<1xf32>
      %squeeze3A_287 = vector.extract %slice3A_286[0] : f32 from vector<1xf32>
      %add3A_288 = arith.addf %add3A_285, %squeeze3A_287 : f32
      %slice3A_289 = vector.extract_strided_slice %add3A_255 {offsets = [11], sizes = [1], strides = [1]} : vector<16xf32> to vector<1xf32>
      %squeeze3A_290 = vector.extract %slice3A_289[0] : f32 from vector<1xf32>
      %add3A_291 = arith.addf %add3A_288, %squeeze3A_290 : f32
      %slice3A_292 = vector.extract_strided_slice %add3A_255 {offsets = [12], sizes = [1], strides = [1]} : vector<16xf32> to vector<1xf32>
      %squeeze3A_293 = vector.extract %slice3A_292[0] : f32 from vector<1xf32>
      %add3A_294 = arith.addf %add3A_291, %squeeze3A_293 : f32
      %slice3A_295 = vector.extract_strided_slice %add3A_255 {offsets = [13], sizes = [1], strides = [1]} : vector<16xf32> to vector<1xf32>
      %squeeze3A_296 = vector.extract %slice3A_295[0] : f32 from vector<1xf32>
      %add3A_297 = arith.addf %add3A_294, %squeeze3A_296 : f32
      %slice3A_298 = vector.extract_strided_slice %add3A_255 {offsets = [14], sizes = [1], strides = [1]} : vector<16xf32> to vector<1xf32>
      %squeeze3A_299 = vector.extract %slice3A_298[0] : f32 from vector<1xf32>
      %add3A_300 = arith.addf %add3A_297, %squeeze3A_299 : f32
      %slice3A_301 = vector.extract_strided_slice %add3A_255 {offsets = [15], sizes = [1], strides = [1]} : vector<16xf32> to vector<1xf32>
      %squeeze3A_302 = vector.extract %slice3A_301[0] : f32 from vector<1xf32>
      %add3A_303 = arith.addf %add3A_300, %squeeze3A_302 : f32
      %rem3A_304 = arith.constant 16 : i32
      %rem3A_305 = arith.remsi %add3A_202, %rem3A_304 : i32
      %eq3A_306 = vector.broadcast %rem3A_305 : i32 to vector<16xi32>
      %eq3A_307 = arith.cmpi eq, %iota3A, %eq3A_306 : vector<16xi32>
      %broadcast_in_dim3A_308 = vector.broadcast %add3A_303 : f32 to vector<16xf32>
      %select_n3A = arith.select %eq3A_307, %broadcast_in_dim3A_308, %scan3A_192 : vector<16xi1>, vector<16xf32>
      %add3A_309 = arith.constant 8 : i32
      %add3A_310 = arith.addi %add3A_202, %add3A_309 : i32
      %lt3A_311 = arith.constant 512 : i32
      %lt3A_312 = arith.cmpi slt, %add3A_310, %lt3A_311 : i32
      %convert_element_type3A_313 = arith.extui %lt3A_312 : i1 to i32
      %cond3A_314 = arith.constant 0 : i32
      %cond3A_315 = arith.cmpi ne, %convert_element_type3A_313, %cond3A_314 : i32
      scf.if %cond3A_315 {
        %shift_right_logical3A_1161 = arith.constant 5 : i32
        %shift_right_logical3A_1162 = arith.shrui %add3A_310, %shift_right_logical3A_1161 : i32
        %and3A_1163 = arith.constant 1 : i32
        %and3A_1164 = arith.andi %shift_right_logical3A_1162, %and3A_1163 : i32
        %mul3A_1165 = arith.constant 32 : i32
        %mul3A_1166 = arith.muli %and3A_1164, %mul3A_1165 : i32
        %and3A_1167 = arith.constant 31 : i32
        %and3A_1168 = arith.andi %add3A_310, %and3A_1167 : i32
        %add3A_1169 = arith.addi %mul3A_1166, %and3A_1168 : i32
        %dma_start3A_1170 = arith.constant 0 : i32
        %dma_start3A_1171 = tpu.memref_slice %arg7[%add3A_1169, %dma_start3A_1170] : memref<64x104xi32, #tpu.memory_space<vmem>> -> memref<1x104xi32, #tpu.memory_space<vmem>>
        %dma_start3A_1172 = tpu.memref_squeeze %dma_start3A_1171 : memref<1x104xi32, #tpu.memory_space<vmem>> -> memref<104xi32, #tpu.memory_space<vmem>>
        %dma_start3A_1173 = arith.constant 0 : i32
        %dma_start3A_1174 = arith.constant 0 : i32
        %dma_start3A_1175 = tpu.memref_slice %arg3[%dma_start3A_1173, %dma_start3A_1174] : memref<100001x128xbf16, #tpu.memory_space<hbm>> -> memref<100001x128xbf16, #tpu.memory_space<hbm>>
        tpu.enqueue_indirect_dma source(%dma_start3A_1175 : memref<100001x128xbf16, #tpu.memory_space<hbm>>) target(%arg10 : memref<104x128xbf16, #tpu.memory_space<vmem>>) offsets(%dma_start3A_1172 : memref<104xi32, #tpu.memory_space<vmem>>) semaphore(%arg26 : memref<!tpu.dma_semaphore, #tpu.memory_space<semaphore_mem>>)
        %dma_start3A_1176 = arith.constant 0 : i32
        %dma_start3A_1177 = tpu.memref_slice %arg7[%add3A_1169, %dma_start3A_1176] : memref<64x104xi32, #tpu.memory_space<vmem>> -> memref<1x104xi32, #tpu.memory_space<vmem>>
        %dma_start3A_1178 = tpu.memref_squeeze %dma_start3A_1177 : memref<1x104xi32, #tpu.memory_space<vmem>> -> memref<104xi32, #tpu.memory_space<vmem>>
        %dma_start3A_1179 = arith.constant 0 : i32
        %dma_start3A_1180 = arith.constant 0 : i32
        %dma_start3A_1181 = tpu.memref_slice %arg4[%dma_start3A_1179, %dma_start3A_1180] : memref<100001x16xf32, #tpu.memory_space<hbm>> -> memref<100001x16xf32, #tpu.memory_space<hbm>>
        tpu.enqueue_indirect_dma source(%dma_start3A_1181 : memref<100001x16xf32, #tpu.memory_space<hbm>>) target(%arg18 : memref<104x16xf32, #tpu.memory_space<vmem>>) offsets(%dma_start3A_1178 : memref<104xi32, #tpu.memory_space<vmem>>) semaphore(%arg34 : memref<!tpu.dma_semaphore, #tpu.memory_space<semaphore_mem>>)
      } else {
      }
      %mul3A_316 = arith.constant 8 : i32
      %mul3A_317 = arith.muli %scan3A_191, %mul3A_316 : i32
      %add3A_318 = arith.constant 1 : i32
      %add3A_319 = arith.addi %mul3A_317, %add3A_318 : i32
      %shift_right_logical3A_320 = arith.constant 5 : i32
      %shift_right_logical3A_321 = arith.shrui %add3A_319, %shift_right_logical3A_320 : i32
      %and3A_322 = arith.constant 1 : i32
      %and3A_323 = arith.andi %shift_right_logical3A_321, %and3A_322 : i32
      %mul3A_324 = arith.constant 32 : i32
      %mul3A_325 = arith.muli %and3A_323, %mul3A_324 : i32
      %and3A_326 = arith.constant 31 : i32
      %and3A_327 = arith.andi %add3A_319, %and3A_326 : i32
      %add3A_328 = arith.addi %mul3A_325, %and3A_327 : i32
      %dma_wait3A_329 = arith.constant 0 : i32
      %dma_wait3A_330 = tpu.memref_slice %arg7[%add3A_328, %dma_wait3A_329] : memref<64x104xi32, #tpu.memory_space<vmem>> -> memref<1x104xi32, #tpu.memory_space<vmem>>
      %dma_wait3A_331 = tpu.memref_squeeze %dma_wait3A_330 : memref<1x104xi32, #tpu.memory_space<vmem>> -> memref<104xi32, #tpu.memory_space<vmem>>
      %dma_wait3A_332 = arith.constant 0 : i32
      %dma_wait3A_333 = arith.constant 0 : i32
      %dma_wait3A_334 = tpu.memref_slice %arg3[%dma_wait3A_332, %dma_wait3A_333] : memref<100001x128xbf16, #tpu.memory_space<hbm>> -> memref<100001x128xbf16, #tpu.memory_space<hbm>>
      tpu.wait_indirect_dma semaphore(%arg27 : memref<!tpu.dma_semaphore, #tpu.memory_space<semaphore_mem>>) src(%dma_wait3A_334 : memref<100001x128xbf16, #tpu.memory_space<hbm>>) dst(%arg11 : memref<104x128xbf16, #tpu.memory_space<vmem>>)
      %dma_wait3A_335 = arith.constant 0 : i32
      %dma_wait3A_336 = tpu.memref_slice %arg7[%add3A_328, %dma_wait3A_335] : memref<64x104xi32, #tpu.memory_space<vmem>> -> memref<1x104xi32, #tpu.memory_space<vmem>>
      %dma_wait3A_337 = tpu.memref_squeeze %dma_wait3A_336 : memref<1x104xi32, #tpu.memory_space<vmem>> -> memref<104xi32, #tpu.memory_space<vmem>>
      %dma_wait3A_338 = arith.constant 0 : i32
      %dma_wait3A_339 = arith.constant 0 : i32
      %dma_wait3A_340 = tpu.memref_slice %arg4[%dma_wait3A_338, %dma_wait3A_339] : memref<100001x16xf32, #tpu.memory_space<hbm>> -> memref<100001x16xf32, #tpu.memory_space<hbm>>
      tpu.wait_indirect_dma semaphore(%arg35 : memref<!tpu.dma_semaphore, #tpu.memory_space<semaphore_mem>>) src(%dma_wait3A_340 : memref<100001x16xf32, #tpu.memory_space<hbm>>) dst(%arg19 : memref<104x16xf32, #tpu.memory_space<vmem>>)
      %scan3A_341 = arith.constant 0 : i32
      %scan3A_342 = arith.constant 100 : i32
      %scan3A_343 = arith.addi %scan3A_341, %scan3A_342 : i32
      %scan3A_344 = arith.constant 1 : i32
      %scan3A_345:17 = scf.for %scan3A_1161 = %scan3A_341 to %scan3A_343 step %scan3A_344 iter_args(%scan3A_1162 = %broadcast_in_dim3A_185, %scan3A_1163 = %broadcast_in_dim3A_185, %scan3A_1164 = %broadcast_in_dim3A_185, %scan3A_1165 = %broadcast_in_dim3A_185, %scan3A_1166 = %broadcast_in_dim3A_185, %scan3A_1167 = %broadcast_in_dim3A_185, %scan3A_1168 = %broadcast_in_dim3A_185, %scan3A_1169 = %broadcast_in_dim3A_185, %scan3A_1170 = %broadcast_in_dim3A_185, %scan3A_1171 = %broadcast_in_dim3A_185, %scan3A_1172 = %broadcast_in_dim3A_185, %scan3A_1173 = %broadcast_in_dim3A_185, %scan3A_1174 = %broadcast_in_dim3A_185, %scan3A_1175 = %broadcast_in_dim3A_185, %scan3A_1176 = %broadcast_in_dim3A_185, %scan3A_1177 = %broadcast_in_dim3A_185, %scan3A_1178 = %broadcast_in_dim3A_185) -> (vector<16xf32>, vector<16xf32>, vector<16xf32>, vector<16xf32>, vector<16xf32>, vector<16xf32>, vector<16xf32>, vector<16xf32>, vector<16xf32>, vector<16xf32>, vector<16xf32>, vector<16xf32>, vector<16xf32>, vector<16xf32>, vector<16xf32>, vector<16xf32>, vector<16xf32>)  : i32 {
        %get3A_1179 = arith.index_cast %scan3A_1161 : i32 to index
        %get3A_1180 = arith.constant 0 : index
        %get3A_1181 = tpu.vector_load %arg11[%get3A_1179, %get3A_1180] {strides = array<i32>} : memref<104x128xbf16, #tpu.memory_space<vmem>>, vector<32xbf16>,
        %unpack3A = tpu.unpack_subelements %get3A_1181, 0 {pack_format = #tpu.pack_format<interleaved>} : vector<32xbf16> -> vector<16xf32>
        %unpack3A_1182 = tpu.unpack_subelements %get3A_1181, 1 {pack_format = #tpu.pack_format<interleaved>} : vector<32xbf16> -> vector<16xf32>
        %add3A_1183 = arith.addf %scan3A_1162, %unpack3A : vector<16xf32>
        %mul3A_1184 = arith.mulf %unpack3A, %unpack3A : vector<16xf32>
        %add3A_1185 = arith.addf %scan3A_1170, %mul3A_1184 : vector<16xf32>
        %add3A_1186 = arith.addf %scan3A_1163, %unpack3A_1182 : vector<16xf32>
        %mul3A_1187 = arith.mulf %unpack3A_1182, %unpack3A_1182 : vector<16xf32>
        %add3A_1188 = arith.addf %scan3A_1171, %mul3A_1187 : vector<16xf32>
        %get3A_1189 = arith.index_cast %scan3A_1161 : i32 to index
        %get3A_1190 = arith.constant 32 : index
        %get3A_1191 = tpu.vector_load %arg11[%get3A_1189, %get3A_1190] {strides = array<i32>} : memref<104x128xbf16, #tpu.memory_space<vmem>>, vector<32xbf16>,
        %unpack3A_1192 = tpu.unpack_subelements %get3A_1191, 0 {pack_format = #tpu.pack_format<interleaved>} : vector<32xbf16> -> vector<16xf32>
        %unpack3A_1193 = tpu.unpack_subelements %get3A_1191, 1 {pack_format = #tpu.pack_format<interleaved>} : vector<32xbf16> -> vector<16xf32>
        %add3A_1194 = arith.addf %scan3A_1164, %unpack3A_1192 : vector<16xf32>
        %mul3A_1195 = arith.mulf %unpack3A_1192, %unpack3A_1192 : vector<16xf32>
        %add3A_1196 = arith.addf %scan3A_1172, %mul3A_1195 : vector<16xf32>
        %add3A_1197 = arith.addf %scan3A_1165, %unpack3A_1193 : vector<16xf32>
        %mul3A_1198 = arith.mulf %unpack3A_1193, %unpack3A_1193 : vector<16xf32>
        %add3A_1199 = arith.addf %scan3A_1173, %mul3A_1198 : vector<16xf32>
        %get3A_1200 = arith.index_cast %scan3A_1161 : i32 to index
        %get3A_1201 = arith.constant 64 : index
        %get3A_1202 = tpu.vector_load %arg11[%get3A_1200, %get3A_1201] {strides = array<i32>} : memref<104x128xbf16, #tpu.memory_space<vmem>>, vector<32xbf16>,
        %unpack3A_1203 = tpu.unpack_subelements %get3A_1202, 0 {pack_format = #tpu.pack_format<interleaved>} : vector<32xbf16> -> vector<16xf32>
        %unpack3A_1204 = tpu.unpack_subelements %get3A_1202, 1 {pack_format = #tpu.pack_format<interleaved>} : vector<32xbf16> -> vector<16xf32>
        %add3A_1205 = arith.addf %scan3A_1166, %unpack3A_1203 : vector<16xf32>
        %mul3A_1206 = arith.mulf %unpack3A_1203, %unpack3A_1203 : vector<16xf32>
        %add3A_1207 = arith.addf %scan3A_1174, %mul3A_1206 : vector<16xf32>
        %add3A_1208 = arith.addf %scan3A_1167, %unpack3A_1204 : vector<16xf32>
        %mul3A_1209 = arith.mulf %unpack3A_1204, %unpack3A_1204 : vector<16xf32>
        %add3A_1210 = arith.addf %scan3A_1175, %mul3A_1209 : vector<16xf32>
        %get3A_1211 = arith.index_cast %scan3A_1161 : i32 to index
        %get3A_1212 = arith.constant 96 : index
        %get3A_1213 = tpu.vector_load %arg11[%get3A_1211, %get3A_1212] {strides = array<i32>} : memref<104x128xbf16, #tpu.memory_space<vmem>>, vector<32xbf16>,
        %unpack3A_1214 = tpu.unpack_subelements %get3A_1213, 0 {pack_format = #tpu.pack_format<interleaved>} : vector<32xbf16> -> vector<16xf32>
        %unpack3A_1215 = tpu.unpack_subelements %get3A_1213, 1 {pack_format = #tpu.pack_format<interleaved>} : vector<32xbf16> -> vector<16xf32>
        %add3A_1216 = arith.addf %scan3A_1168, %unpack3A_1214 : vector<16xf32>
        %mul3A_1217 = arith.mulf %unpack3A_1214, %unpack3A_1214 : vector<16xf32>
        %add3A_1218 = arith.addf %scan3A_1176, %mul3A_1217 : vector<16xf32>
        %add3A_1219 = arith.addf %scan3A_1169, %unpack3A_1215 : vector<16xf32>
        %mul3A_1220 = arith.mulf %unpack3A_1215, %unpack3A_1215 : vector<16xf32>
        %add3A_1221 = arith.addf %scan3A_1177, %mul3A_1220 : vector<16xf32>
        %get3A_1222 = arith.index_cast %scan3A_1161 : i32 to index
        %get3A_1223 = arith.constant 0 : index
        %get3A_1224 = tpu.vector_load %arg19[%get3A_1222, %get3A_1223] {strides = array<i32>} : memref<104x16xf32, #tpu.memory_space<vmem>>, vector<16xf32>,
        %add3A_1225 = arith.addf %scan3A_1178, %get3A_1224 : vector<16xf32>
        scf.yield %add3A_1183, %add3A_1186, %add3A_1194, %add3A_1197, %add3A_1205, %add3A_1208, %add3A_1216, %add3A_1219, %add3A_1185, %add3A_1188, %add3A_1196, %add3A_1199, %add3A_1207, %add3A_1210, %add3A_1218, %add3A_1221, %add3A_1225 : vector<16xf32>, vector<16xf32>, vector<16xf32>, vector<16xf32>, vector<16xf32>, vector<16xf32>, vector<16xf32>, vector<16xf32>, vector<16xf32>, vector<16xf32>, vector<16xf32>, vector<16xf32>, vector<16xf32>, vector<16xf32>, vector<16xf32>, vector<16xf32>, vector<16xf32>
      }
      %scan3A_346 = arith.constant 100 : i32
      %mul3A_347 = arith.mulf %scan3A_345#0, %scan3A_345#0 : vector<16xf32>
      %sub3A_348 = arith.subf %mul3A_347, %scan3A_345#8 : vector<16xf32>
      %add3A_349 = arith.addf %broadcast_in_dim3A_185, %sub3A_348 : vector<16xf32>
      %mul3A_350 = arith.mulf %scan3A_345#1, %scan3A_345#1 : vector<16xf32>
      %sub3A_351 = arith.subf %mul3A_350, %scan3A_345#9 : vector<16xf32>
      %add3A_352 = arith.addf %add3A_349, %sub3A_351 : vector<16xf32>
      %mul3A_353 = arith.mulf %scan3A_345#2, %scan3A_345#2 : vector<16xf32>
      %sub3A_354 = arith.subf %mul3A_353, %scan3A_345#10 : vector<16xf32>
      %add3A_355 = arith.addf %add3A_352, %sub3A_354 : vector<16xf32>
      %mul3A_356 = arith.mulf %scan3A_345#3, %scan3A_345#3 : vector<16xf32>
      %sub3A_357 = arith.subf %mul3A_356, %scan3A_345#11 : vector<16xf32>
      %add3A_358 = arith.addf %add3A_355, %sub3A_357 : vector<16xf32>
      %mul3A_359 = arith.mulf %scan3A_345#4, %scan3A_345#4 : vector<16xf32>
      %sub3A_360 = arith.subf %mul3A_359, %scan3A_345#12 : vector<16xf32>
      %add3A_361 = arith.addf %add3A_358, %sub3A_360 : vector<16xf32>
      %mul3A_362 = arith.mulf %scan3A_345#5, %scan3A_345#5 : vector<16xf32>
      %sub3A_363 = arith.subf %mul3A_362, %scan3A_345#13 : vector<16xf32>
      %add3A_364 = arith.addf %add3A_361, %sub3A_363 : vector<16xf32>
      %mul3A_365 = arith.mulf %scan3A_345#6, %scan3A_345#6 : vector<16xf32>
      %sub3A_366 = arith.subf %mul3A_365, %scan3A_345#14 : vector<16xf32>
      %add3A_367 = arith.addf %add3A_364, %sub3A_366 : vector<16xf32>
      %mul3A_368 = arith.mulf %scan3A_345#7, %scan3A_345#7 : vector<16xf32>
      %sub3A_369 = arith.subf %mul3A_368, %scan3A_345#15 : vector<16xf32>
      %add3A_370 = arith.addf %add3A_367, %sub3A_369 : vector<16xf32>
      %mul3A_371 = arith.constant 5.000000e-01 : f32
      %mul3A_372 = vector.broadcast %mul3A_371 : f32 to vector<16xf32>
      %mul3A_373 = arith.mulf %mul3A_372, %add3A_370 : vector<16xf32>
      %add3A_374 = arith.addf %mul3A_373, %scan3A_345#16 : vector<16xf32>
      %slice3A_375 = vector.extract_strided_slice %add3A_374 {offsets = [0], sizes = [1], strides = [1]} : vector<16xf32> to vector<1xf32>
      %squeeze3A_376 = vector.extract %slice3A_375[0] : f32 from vector<1xf32>
      %add3A_377 = arith.addf %squeeze3A, %squeeze3A_376 : f32
      %slice3A_378 = vector.extract_strided_slice %add3A_374 {offsets = [1], sizes = [1], strides = [1]} : vector<16xf32> to vector<1xf32>
      %squeeze3A_379 = vector.extract %slice3A_378[0] : f32 from vector<1xf32>
      %add3A_380 = arith.addf %add3A_377, %squeeze3A_379 : f32
      %slice3A_381 = vector.extract_strided_slice %add3A_374 {offsets = [2], sizes = [1], strides = [1]} : vector<16xf32> to vector<1xf32>
      %squeeze3A_382 = vector.extract %slice3A_381[0] : f32 from vector<1xf32>
      %add3A_383 = arith.addf %add3A_380, %squeeze3A_382 : f32
      %slice3A_384 = vector.extract_strided_slice %add3A_374 {offsets = [3], sizes = [1], strides = [1]} : vector<16xf32> to vector<1xf32>
      %squeeze3A_385 = vector.extract %slice3A_384[0] : f32 from vector<1xf32>
      %add3A_386 = arith.addf %add3A_383, %squeeze3A_385 : f32
      %slice3A_387 = vector.extract_strided_slice %add3A_374 {offsets = [4], sizes = [1], strides = [1]} : vector<16xf32> to vector<1xf32>
      %squeeze3A_388 = vector.extract %slice3A_387[0] : f32 from vector<1xf32>
      %add3A_389 = arith.addf %add3A_386, %squeeze3A_388 : f32
      %slice3A_390 = vector.extract_strided_slice %add3A_374 {offsets = [5], sizes = [1], strides = [1]} : vector<16xf32> to vector<1xf32>
      %squeeze3A_391 = vector.extract %slice3A_390[0] : f32 from vector<1xf32>
      %add3A_392 = arith.addf %add3A_389, %squeeze3A_391 : f32
      %slice3A_393 = vector.extract_strided_slice %add3A_374 {offsets = [6], sizes = [1], strides = [1]} : vector<16xf32> to vector<1xf32>
      %squeeze3A_394 = vector.extract %slice3A_393[0] : f32 from vector<1xf32>
      %add3A_395 = arith.addf %add3A_392, %squeeze3A_394 : f32
      %slice3A_396 = vector.extract_strided_slice %add3A_374 {offsets = [7], sizes = [1], strides = [1]} : vector<16xf32> to vector<1xf32>
      %squeeze3A_397 = vector.extract %slice3A_396[0] : f32 from vector<1xf32>
      %add3A_398 = arith.addf %add3A_395, %squeeze3A_397 : f32
      %slice3A_399 = vector.extract_strided_slice %add3A_374 {offsets = [8], sizes = [1], strides = [1]} : vector<16xf32> to vector<1xf32>
      %squeeze3A_400 = vector.extract %slice3A_399[0] : f32 from vector<1xf32>
      %add3A_401 = arith.addf %add3A_398, %squeeze3A_400 : f32
      %slice3A_402 = vector.extract_strided_slice %add3A_374 {offsets = [9], sizes = [1], strides = [1]} : vector<16xf32> to vector<1xf32>
      %squeeze3A_403 = vector.extract %slice3A_402[0] : f32 from vector<1xf32>
      %add3A_404 = arith.addf %add3A_401, %squeeze3A_403 : f32
      %slice3A_405 = vector.extract_strided_slice %add3A_374 {offsets = [10], sizes = [1], strides = [1]} : vector<16xf32> to vector<1xf32>
      %squeeze3A_406 = vector.extract %slice3A_405[0] : f32 from vector<1xf32>
      %add3A_407 = arith.addf %add3A_404, %squeeze3A_406 : f32
      %slice3A_408 = vector.extract_strided_slice %add3A_374 {offsets = [11], sizes = [1], strides = [1]} : vector<16xf32> to vector<1xf32>
      %squeeze3A_409 = vector.extract %slice3A_408[0] : f32 from vector<1xf32>
      %add3A_410 = arith.addf %add3A_407, %squeeze3A_409 : f32
      %slice3A_411 = vector.extract_strided_slice %add3A_374 {offsets = [12], sizes = [1], strides = [1]} : vector<16xf32> to vector<1xf32>
      %squeeze3A_412 = vector.extract %slice3A_411[0] : f32 from vector<1xf32>
      %add3A_413 = arith.addf %add3A_410, %squeeze3A_412 : f32
      %slice3A_414 = vector.extract_strided_slice %add3A_374 {offsets = [13], sizes = [1], strides = [1]} : vector<16xf32> to vector<1xf32>
      %squeeze3A_415 = vector.extract %slice3A_414[0] : f32 from vector<1xf32>
      %add3A_416 = arith.addf %add3A_413, %squeeze3A_415 : f32
      %slice3A_417 = vector.extract_strided_slice %add3A_374 {offsets = [14], sizes = [1], strides = [1]} : vector<16xf32> to vector<1xf32>
      %squeeze3A_418 = vector.extract %slice3A_417[0] : f32 from vector<1xf32>
      %add3A_419 = arith.addf %add3A_416, %squeeze3A_418 : f32
      %slice3A_420 = vector.extract_strided_slice %add3A_374 {offsets = [15], sizes = [1], strides = [1]} : vector<16xf32> to vector<1xf32>
      %squeeze3A_421 = vector.extract %slice3A_420[0] : f32 from vector<1xf32>
      %add3A_422 = arith.addf %add3A_419, %squeeze3A_421 : f32
      %rem3A_423 = arith.constant 16 : i32
      %rem3A_424 = arith.remsi %add3A_319, %rem3A_423 : i32
      %eq3A_425 = vector.broadcast %rem3A_424 : i32 to vector<16xi32>
      %eq3A_426 = arith.cmpi eq, %iota3A, %eq3A_425 : vector<16xi32>
      %broadcast_in_dim3A_427 = vector.broadcast %add3A_422 : f32 to vector<16xf32>
      %select_n3A_428 = arith.select %eq3A_426, %broadcast_in_dim3A_427, %select_n3A : vector<16xi1>, vector<16xf32>
      %add3A_429 = arith.constant 8 : i32
      %add3A_430 = arith.addi %add3A_319, %add3A_429 : i32
      %lt3A_431 = arith.constant 512 : i32
      %lt3A_432 = arith.cmpi slt, %add3A_430, %lt3A_431 : i32
      %convert_element_type3A_433 = arith.extui %lt3A_432 : i1 to i32
      %cond3A_434 = arith.constant 0 : i32
      %cond3A_435 = arith.cmpi ne, %convert_element_type3A_433, %cond3A_434 : i32
      scf.if %cond3A_435 {
        %shift_right_logical3A_1161 = arith.constant 5 : i32
        %shift_right_logical3A_1162 = arith.shrui %add3A_430, %shift_right_logical3A_1161 : i32
        %and3A_1163 = arith.constant 1 : i32
        %and3A_1164 = arith.andi %shift_right_logical3A_1162, %and3A_1163 : i32
        %mul3A_1165 = arith.constant 32 : i32
        %mul3A_1166 = arith.muli %and3A_1164, %mul3A_1165 : i32
        %and3A_1167 = arith.constant 31 : i32
        %and3A_1168 = arith.andi %add3A_430, %and3A_1167 : i32
        %add3A_1169 = arith.addi %mul3A_1166, %and3A_1168 : i32
        %dma_start3A_1170 = arith.constant 0 : i32
        %dma_start3A_1171 = tpu.memref_slice %arg7[%add3A_1169, %dma_start3A_1170] : memref<64x104xi32, #tpu.memory_space<vmem>> -> memref<1x104xi32, #tpu.memory_space<vmem>>
        %dma_start3A_1172 = tpu.memref_squeeze %dma_start3A_1171 : memref<1x104xi32, #tpu.memory_space<vmem>> -> memref<104xi32, #tpu.memory_space<vmem>>
        %dma_start3A_1173 = arith.constant 0 : i32
        %dma_start3A_1174 = arith.constant 0 : i32
        %dma_start3A_1175 = tpu.memref_slice %arg3[%dma_start3A_1173, %dma_start3A_1174] : memref<100001x128xbf16, #tpu.memory_space<hbm>> -> memref<100001x128xbf16, #tpu.memory_space<hbm>>
        tpu.enqueue_indirect_dma source(%dma_start3A_1175 : memref<100001x128xbf16, #tpu.memory_space<hbm>>) target(%arg11 : memref<104x128xbf16, #tpu.memory_space<vmem>>) offsets(%dma_start3A_1172 : memref<104xi32, #tpu.memory_space<vmem>>) semaphore(%arg27 : memref<!tpu.dma_semaphore, #tpu.memory_space<semaphore_mem>>)
        %dma_start3A_1176 = arith.constant 0 : i32
        %dma_start3A_1177 = tpu.memref_slice %arg7[%add3A_1169, %dma_start3A_1176] : memref<64x104xi32, #tpu.memory_space<vmem>> -> memref<1x104xi32, #tpu.memory_space<vmem>>
        %dma_start3A_1178 = tpu.memref_squeeze %dma_start3A_1177 : memref<1x104xi32, #tpu.memory_space<vmem>> -> memref<104xi32, #tpu.memory_space<vmem>>
        %dma_start3A_1179 = arith.constant 0 : i32
        %dma_start3A_1180 = arith.constant 0 : i32
        %dma_start3A_1181 = tpu.memref_slice %arg4[%dma_start3A_1179, %dma_start3A_1180] : memref<100001x16xf32, #tpu.memory_space<hbm>> -> memref<100001x16xf32, #tpu.memory_space<hbm>>
        tpu.enqueue_indirect_dma source(%dma_start3A_1181 : memref<100001x16xf32, #tpu.memory_space<hbm>>) target(%arg19 : memref<104x16xf32, #tpu.memory_space<vmem>>) offsets(%dma_start3A_1178 : memref<104xi32, #tpu.memory_space<vmem>>) semaphore(%arg35 : memref<!tpu.dma_semaphore, #tpu.memory_space<semaphore_mem>>)
      } else {
      }
      %mul3A_436 = arith.constant 8 : i32
      %mul3A_437 = arith.muli %scan3A_191, %mul3A_436 : i32
      %add3A_438 = arith.constant 2 : i32
      %add3A_439 = arith.addi %mul3A_437, %add3A_438 : i32
      %shift_right_logical3A_440 = arith.constant 5 : i32
      %shift_right_logical3A_441 = arith.shrui %add3A_439, %shift_right_logical3A_440 : i32
      %and3A_442 = arith.constant 1 : i32
      %and3A_443 = arith.andi %shift_right_logical3A_441, %and3A_442 : i32
      %mul3A_444 = arith.constant 32 : i32
      %mul3A_445 = arith.muli %and3A_443, %mul3A_444 : i32
      %and3A_446 = arith.constant 31 : i32
      %and3A_447 = arith.andi %add3A_439, %and3A_446 : i32
      %add3A_448 = arith.addi %mul3A_445, %and3A_447 : i32
      %dma_wait3A_449 = arith.constant 0 : i32
      %dma_wait3A_450 = tpu.memref_slice %arg7[%add3A_448, %dma_wait3A_449] : memref<64x104xi32, #tpu.memory_space<vmem>> -> memref<1x104xi32, #tpu.memory_space<vmem>>
      %dma_wait3A_451 = tpu.memref_squeeze %dma_wait3A_450 : memref<1x104xi32, #tpu.memory_space<vmem>> -> memref<104xi32, #tpu.memory_space<vmem>>
      %dma_wait3A_452 = arith.constant 0 : i32
      %dma_wait3A_453 = arith.constant 0 : i32
      %dma_wait3A_454 = tpu.memref_slice %arg3[%dma_wait3A_452, %dma_wait3A_453] : memref<100001x128xbf16, #tpu.memory_space<hbm>> -> memref<100001x128xbf16, #tpu.memory_space<hbm>>
      tpu.wait_indirect_dma semaphore(%arg28 : memref<!tpu.dma_semaphore, #tpu.memory_space<semaphore_mem>>) src(%dma_wait3A_454 : memref<100001x128xbf16, #tpu.memory_space<hbm>>) dst(%arg12 : memref<104x128xbf16, #tpu.memory_space<vmem>>)
      %dma_wait3A_455 = arith.constant 0 : i32
      %dma_wait3A_456 = tpu.memref_slice %arg7[%add3A_448, %dma_wait3A_455] : memref<64x104xi32, #tpu.memory_space<vmem>> -> memref<1x104xi32, #tpu.memory_space<vmem>>
      %dma_wait3A_457 = tpu.memref_squeeze %dma_wait3A_456 : memref<1x104xi32, #tpu.memory_space<vmem>> -> memref<104xi32, #tpu.memory_space<vmem>>
      %dma_wait3A_458 = arith.constant 0 : i32
      %dma_wait3A_459 = arith.constant 0 : i32
      %dma_wait3A_460 = tpu.memref_slice %arg4[%dma_wait3A_458, %dma_wait3A_459] : memref<100001x16xf32, #tpu.memory_space<hbm>> -> memref<100001x16xf32, #tpu.memory_space<hbm>>
      tpu.wait_indirect_dma semaphore(%arg36 : memref<!tpu.dma_semaphore, #tpu.memory_space<semaphore_mem>>) src(%dma_wait3A_460 : memref<100001x16xf32, #tpu.memory_space<hbm>>) dst(%arg20 : memref<104x16xf32, #tpu.memory_space<vmem>>)
      %scan3A_461 = arith.constant 0 : i32
      %scan3A_462 = arith.constant 100 : i32
      %scan3A_463 = arith.addi %scan3A_461, %scan3A_462 : i32
      %scan3A_464 = arith.constant 1 : i32
      %scan3A_465:17 = scf.for %scan3A_1161 = %scan3A_461 to %scan3A_463 step %scan3A_464 iter_args(%scan3A_1162 = %broadcast_in_dim3A_185, %scan3A_1163 = %broadcast_in_dim3A_185, %scan3A_1164 = %broadcast_in_dim3A_185, %scan3A_1165 = %broadcast_in_dim3A_185, %scan3A_1166 = %broadcast_in_dim3A_185, %scan3A_1167 = %broadcast_in_dim3A_185, %scan3A_1168 = %broadcast_in_dim3A_185, %scan3A_1169 = %broadcast_in_dim3A_185, %scan3A_1170 = %broadcast_in_dim3A_185, %scan3A_1171 = %broadcast_in_dim3A_185, %scan3A_1172 = %broadcast_in_dim3A_185, %scan3A_1173 = %broadcast_in_dim3A_185, %scan3A_1174 = %broadcast_in_dim3A_185, %scan3A_1175 = %broadcast_in_dim3A_185, %scan3A_1176 = %broadcast_in_dim3A_185, %scan3A_1177 = %broadcast_in_dim3A_185, %scan3A_1178 = %broadcast_in_dim3A_185) -> (vector<16xf32>, vector<16xf32>, vector<16xf32>, vector<16xf32>, vector<16xf32>, vector<16xf32>, vector<16xf32>, vector<16xf32>, vector<16xf32>, vector<16xf32>, vector<16xf32>, vector<16xf32>, vector<16xf32>, vector<16xf32>, vector<16xf32>, vector<16xf32>, vector<16xf32>)  : i32 {
        %get3A_1179 = arith.index_cast %scan3A_1161 : i32 to index
        %get3A_1180 = arith.constant 0 : index
        %get3A_1181 = tpu.vector_load %arg12[%get3A_1179, %get3A_1180] {strides = array<i32>} : memref<104x128xbf16, #tpu.memory_space<vmem>>, vector<32xbf16>,
        %unpack3A = tpu.unpack_subelements %get3A_1181, 0 {pack_format = #tpu.pack_format<interleaved>} : vector<32xbf16> -> vector<16xf32>
        %unpack3A_1182 = tpu.unpack_subelements %get3A_1181, 1 {pack_format = #tpu.pack_format<interleaved>} : vector<32xbf16> -> vector<16xf32>
        %add3A_1183 = arith.addf %scan3A_1162, %unpack3A : vector<16xf32>
        %mul3A_1184 = arith.mulf %unpack3A, %unpack3A : vector<16xf32>
        %add3A_1185 = arith.addf %scan3A_1170, %mul3A_1184 : vector<16xf32>
        %add3A_1186 = arith.addf %scan3A_1163, %unpack3A_1182 : vector<16xf32>
        %mul3A_1187 = arith.mulf %unpack3A_1182, %unpack3A_1182 : vector<16xf32>
        %add3A_1188 = arith.addf %scan3A_1171, %mul3A_1187 : vector<16xf32>
        %get3A_1189 = arith.index_cast %scan3A_1161 : i32 to index
        %get3A_1190 = arith.constant 32 : index
        %get3A_1191 = tpu.vector_load %arg12[%get3A_1189, %get3A_1190] {strides = array<i32>} : memref<104x128xbf16, #tpu.memory_space<vmem>>, vector<32xbf16>,
        %unpack3A_1192 = tpu.unpack_subelements %get3A_1191, 0 {pack_format = #tpu.pack_format<interleaved>} : vector<32xbf16> -> vector<16xf32>
        %unpack3A_1193 = tpu.unpack_subelements %get3A_1191, 1 {pack_format = #tpu.pack_format<interleaved>} : vector<32xbf16> -> vector<16xf32>
        %add3A_1194 = arith.addf %scan3A_1164, %unpack3A_1192 : vector<16xf32>
        %mul3A_1195 = arith.mulf %unpack3A_1192, %unpack3A_1192 : vector<16xf32>
        %add3A_1196 = arith.addf %scan3A_1172, %mul3A_1195 : vector<16xf32>
        %add3A_1197 = arith.addf %scan3A_1165, %unpack3A_1193 : vector<16xf32>
        %mul3A_1198 = arith.mulf %unpack3A_1193, %unpack3A_1193 : vector<16xf32>
        %add3A_1199 = arith.addf %scan3A_1173, %mul3A_1198 : vector<16xf32>
        %get3A_1200 = arith.index_cast %scan3A_1161 : i32 to index
        %get3A_1201 = arith.constant 64 : index
        %get3A_1202 = tpu.vector_load %arg12[%get3A_1200, %get3A_1201] {strides = array<i32>} : memref<104x128xbf16, #tpu.memory_space<vmem>>, vector<32xbf16>,
        %unpack3A_1203 = tpu.unpack_subelements %get3A_1202, 0 {pack_format = #tpu.pack_format<interleaved>} : vector<32xbf16> -> vector<16xf32>
        %unpack3A_1204 = tpu.unpack_subelements %get3A_1202, 1 {pack_format = #tpu.pack_format<interleaved>} : vector<32xbf16> -> vector<16xf32>
        %add3A_1205 = arith.addf %scan3A_1166, %unpack3A_1203 : vector<16xf32>
        %mul3A_1206 = arith.mulf %unpack3A_1203, %unpack3A_1203 : vector<16xf32>
        %add3A_1207 = arith.addf %scan3A_1174, %mul3A_1206 : vector<16xf32>
        %add3A_1208 = arith.addf %scan3A_1167, %unpack3A_1204 : vector<16xf32>
        %mul3A_1209 = arith.mulf %unpack3A_1204, %unpack3A_1204 : vector<16xf32>
        %add3A_1210 = arith.addf %scan3A_1175, %mul3A_1209 : vector<16xf32>
        %get3A_1211 = arith.index_cast %scan3A_1161 : i32 to index
        %get3A_1212 = arith.constant 96 : index
        %get3A_1213 = tpu.vector_load %arg12[%get3A_1211, %get3A_1212] {strides = array<i32>} : memref<104x128xbf16, #tpu.memory_space<vmem>>, vector<32xbf16>,
        %unpack3A_1214 = tpu.unpack_subelements %get3A_1213, 0 {pack_format = #tpu.pack_format<interleaved>} : vector<32xbf16> -> vector<16xf32>
        %unpack3A_1215 = tpu.unpack_subelements %get3A_1213, 1 {pack_format = #tpu.pack_format<interleaved>} : vector<32xbf16> -> vector<16xf32>
        %add3A_1216 = arith.addf %scan3A_1168, %unpack3A_1214 : vector<16xf32>
        %mul3A_1217 = arith.mulf %unpack3A_1214, %unpack3A_1214 : vector<16xf32>
        %add3A_1218 = arith.addf %scan3A_1176, %mul3A_1217 : vector<16xf32>
        %add3A_1219 = arith.addf %scan3A_1169, %unpack3A_1215 : vector<16xf32>
        %mul3A_1220 = arith.mulf %unpack3A_1215, %unpack3A_1215 : vector<16xf32>
        %add3A_1221 = arith.addf %scan3A_1177, %mul3A_1220 : vector<16xf32>
        %get3A_1222 = arith.index_cast %scan3A_1161 : i32 to index
        %get3A_1223 = arith.constant 0 : index
        %get3A_1224 = tpu.vector_load %arg20[%get3A_1222, %get3A_1223] {strides = array<i32>} : memref<104x16xf32, #tpu.memory_space<vmem>>, vector<16xf32>,
        %add3A_1225 = arith.addf %scan3A_1178, %get3A_1224 : vector<16xf32>
        scf.yield %add3A_1183, %add3A_1186, %add3A_1194, %add3A_1197, %add3A_1205, %add3A_1208, %add3A_1216, %add3A_1219, %add3A_1185, %add3A_1188, %add3A_1196, %add3A_1199, %add3A_1207, %add3A_1210, %add3A_1218, %add3A_1221, %add3A_1225 : vector<16xf32>, vector<16xf32>, vector<16xf32>, vector<16xf32>, vector<16xf32>, vector<16xf32>, vector<16xf32>, vector<16xf32>, vector<16xf32>, vector<16xf32>, vector<16xf32>, vector<16xf32>, vector<16xf32>, vector<16xf32>, vector<16xf32>, vector<16xf32>, vector<16xf32>
      }
      %scan3A_466 = arith.constant 100 : i32
      %mul3A_467 = arith.mulf %scan3A_465#0, %scan3A_465#0 : vector<16xf32>
      %sub3A_468 = arith.subf %mul3A_467, %scan3A_465#8 : vector<16xf32>
      %add3A_469 = arith.addf %broadcast_in_dim3A_185, %sub3A_468 : vector<16xf32>
      %mul3A_470 = arith.mulf %scan3A_465#1, %scan3A_465#1 : vector<16xf32>
      %sub3A_471 = arith.subf %mul3A_470, %scan3A_465#9 : vector<16xf32>
      %add3A_472 = arith.addf %add3A_469, %sub3A_471 : vector<16xf32>
      %mul3A_473 = arith.mulf %scan3A_465#2, %scan3A_465#2 : vector<16xf32>
      %sub3A_474 = arith.subf %mul3A_473, %scan3A_465#10 : vector<16xf32>
      %add3A_475 = arith.addf %add3A_472, %sub3A_474 : vector<16xf32>
      %mul3A_476 = arith.mulf %scan3A_465#3, %scan3A_465#3 : vector<16xf32>
      %sub3A_477 = arith.subf %mul3A_476, %scan3A_465#11 : vector<16xf32>
      %add3A_478 = arith.addf %add3A_475, %sub3A_477 : vector<16xf32>
      %mul3A_479 = arith.mulf %scan3A_465#4, %scan3A_465#4 : vector<16xf32>
      %sub3A_480 = arith.subf %mul3A_479, %scan3A_465#12 : vector<16xf32>
      %add3A_481 = arith.addf %add3A_478, %sub3A_480 : vector<16xf32>
      %mul3A_482 = arith.mulf %scan3A_465#5, %scan3A_465#5 : vector<16xf32>
      %sub3A_483 = arith.subf %mul3A_482, %scan3A_465#13 : vector<16xf32>
      %add3A_484 = arith.addf %add3A_481, %sub3A_483 : vector<16xf32>
      %mul3A_485 = arith.mulf %scan3A_465#6, %scan3A_465#6 : vector<16xf32>
      %sub3A_486 = arith.subf %mul3A_485, %scan3A_465#14 : vector<16xf32>
      %add3A_487 = arith.addf %add3A_484, %sub3A_486 : vector<16xf32>
      %mul3A_488 = arith.mulf %scan3A_465#7, %scan3A_465#7 : vector<16xf32>
      %sub3A_489 = arith.subf %mul3A_488, %scan3A_465#15 : vector<16xf32>
      %add3A_490 = arith.addf %add3A_487, %sub3A_489 : vector<16xf32>
      %mul3A_491 = arith.constant 5.000000e-01 : f32
      %mul3A_492 = vector.broadcast %mul3A_491 : f32 to vector<16xf32>
      %mul3A_493 = arith.mulf %mul3A_492, %add3A_490 : vector<16xf32>
      %add3A_494 = arith.addf %mul3A_493, %scan3A_465#16 : vector<16xf32>
      %slice3A_495 = vector.extract_strided_slice %add3A_494 {offsets = [0], sizes = [1], strides = [1]} : vector<16xf32> to vector<1xf32>
      %squeeze3A_496 = vector.extract %slice3A_495[0] : f32 from vector<1xf32>
      %add3A_497 = arith.addf %squeeze3A, %squeeze3A_496 : f32
      %slice3A_498 = vector.extract_strided_slice %add3A_494 {offsets = [1], sizes = [1], strides = [1]} : vector<16xf32> to vector<1xf32>
      %squeeze3A_499 = vector.extract %slice3A_498[0] : f32 from vector<1xf32>
      %add3A_500 = arith.addf %add3A_497, %squeeze3A_499 : f32
      %slice3A_501 = vector.extract_strided_slice %add3A_494 {offsets = [2], sizes = [1], strides = [1]} : vector<16xf32> to vector<1xf32>
      %squeeze3A_502 = vector.extract %slice3A_501[0] : f32 from vector<1xf32>
      %add3A_503 = arith.addf %add3A_500, %squeeze3A_502 : f32
      %slice3A_504 = vector.extract_strided_slice %add3A_494 {offsets = [3], sizes = [1], strides = [1]} : vector<16xf32> to vector<1xf32>
      %squeeze3A_505 = vector.extract %slice3A_504[0] : f32 from vector<1xf32>
      %add3A_506 = arith.addf %add3A_503, %squeeze3A_505 : f32
      %slice3A_507 = vector.extract_strided_slice %add3A_494 {offsets = [4], sizes = [1], strides = [1]} : vector<16xf32> to vector<1xf32>
      %squeeze3A_508 = vector.extract %slice3A_507[0] : f32 from vector<1xf32>
      %add3A_509 = arith.addf %add3A_506, %squeeze3A_508 : f32
      %slice3A_510 = vector.extract_strided_slice %add3A_494 {offsets = [5], sizes = [1], strides = [1]} : vector<16xf32> to vector<1xf32>
      %squeeze3A_511 = vector.extract %slice3A_510[0] : f32 from vector<1xf32>
      %add3A_512 = arith.addf %add3A_509, %squeeze3A_511 : f32
      %slice3A_513 = vector.extract_strided_slice %add3A_494 {offsets = [6], sizes = [1], strides = [1]} : vector<16xf32> to vector<1xf32>
      %squeeze3A_514 = vector.extract %slice3A_513[0] : f32 from vector<1xf32>
      %add3A_515 = arith.addf %add3A_512, %squeeze3A_514 : f32
      %slice3A_516 = vector.extract_strided_slice %add3A_494 {offsets = [7], sizes = [1], strides = [1]} : vector<16xf32> to vector<1xf32>
      %squeeze3A_517 = vector.extract %slice3A_516[0] : f32 from vector<1xf32>
      %add3A_518 = arith.addf %add3A_515, %squeeze3A_517 : f32
      %slice3A_519 = vector.extract_strided_slice %add3A_494 {offsets = [8], sizes = [1], strides = [1]} : vector<16xf32> to vector<1xf32>
      %squeeze3A_520 = vector.extract %slice3A_519[0] : f32 from vector<1xf32>
      %add3A_521 = arith.addf %add3A_518, %squeeze3A_520 : f32
      %slice3A_522 = vector.extract_strided_slice %add3A_494 {offsets = [9], sizes = [1], strides = [1]} : vector<16xf32> to vector<1xf32>
      %squeeze3A_523 = vector.extract %slice3A_522[0] : f32 from vector<1xf32>
      %add3A_524 = arith.addf %add3A_521, %squeeze3A_523 : f32
      %slice3A_525 = vector.extract_strided_slice %add3A_494 {offsets = [10], sizes = [1], strides = [1]} : vector<16xf32> to vector<1xf32>
      %squeeze3A_526 = vector.extract %slice3A_525[0] : f32 from vector<1xf32>
      %add3A_527 = arith.addf %add3A_524, %squeeze3A_526 : f32
      %slice3A_528 = vector.extract_strided_slice %add3A_494 {offsets = [11], sizes = [1], strides = [1]} : vector<16xf32> to vector<1xf32>
      %squeeze3A_529 = vector.extract %slice3A_528[0] : f32 from vector<1xf32>
      %add3A_530 = arith.addf %add3A_527, %squeeze3A_529 : f32
      %slice3A_531 = vector.extract_strided_slice %add3A_494 {offsets = [12], sizes = [1], strides = [1]} : vector<16xf32> to vector<1xf32>
      %squeeze3A_532 = vector.extract %slice3A_531[0] : f32 from vector<1xf32>
      %add3A_533 = arith.addf %add3A_530, %squeeze3A_532 : f32
      %slice3A_534 = vector.extract_strided_slice %add3A_494 {offsets = [13], sizes = [1], strides = [1]} : vector<16xf32> to vector<1xf32>
      %squeeze3A_535 = vector.extract %slice3A_534[0] : f32 from vector<1xf32>
      %add3A_536 = arith.addf %add3A_533, %squeeze3A_535 : f32
      %slice3A_537 = vector.extract_strided_slice %add3A_494 {offsets = [14], sizes = [1], strides = [1]} : vector<16xf32> to vector<1xf32>
      %squeeze3A_538 = vector.extract %slice3A_537[0] : f32 from vector<1xf32>
      %add3A_539 = arith.addf %add3A_536, %squeeze3A_538 : f32
      %slice3A_540 = vector.extract_strided_slice %add3A_494 {offsets = [15], sizes = [1], strides = [1]} : vector<16xf32> to vector<1xf32>
      %squeeze3A_541 = vector.extract %slice3A_540[0] : f32 from vector<1xf32>
      %add3A_542 = arith.addf %add3A_539, %squeeze3A_541 : f32
      %rem3A_543 = arith.constant 16 : i32
      %rem3A_544 = arith.remsi %add3A_439, %rem3A_543 : i32
      %eq3A_545 = vector.broadcast %rem3A_544 : i32 to vector<16xi32>
      %eq3A_546 = arith.cmpi eq, %iota3A, %eq3A_545 : vector<16xi32>
      %broadcast_in_dim3A_547 = vector.broadcast %add3A_542 : f32 to vector<16xf32>
      %select_n3A_548 = arith.select %eq3A_546, %broadcast_in_dim3A_547, %select_n3A_428 : vector<16xi1>, vector<16xf32>
      %add3A_549 = arith.constant 8 : i32
      %add3A_550 = arith.addi %add3A_439, %add3A_549 : i32
      %lt3A_551 = arith.constant 512 : i32
      %lt3A_552 = arith.cmpi slt, %add3A_550, %lt3A_551 : i32
      %convert_element_type3A_553 = arith.extui %lt3A_552 : i1 to i32
      %cond3A_554 = arith.constant 0 : i32
      %cond3A_555 = arith.cmpi ne, %convert_element_type3A_553, %cond3A_554 : i32
      scf.if %cond3A_555 {
        %shift_right_logical3A_1161 = arith.constant 5 : i32
        %shift_right_logical3A_1162 = arith.shrui %add3A_550, %shift_right_logical3A_1161 : i32
        %and3A_1163 = arith.constant 1 : i32
        %and3A_1164 = arith.andi %shift_right_logical3A_1162, %and3A_1163 : i32
        %mul3A_1165 = arith.constant 32 : i32
        %mul3A_1166 = arith.muli %and3A_1164, %mul3A_1165 : i32
        %and3A_1167 = arith.constant 31 : i32
        %and3A_1168 = arith.andi %add3A_550, %and3A_1167 : i32
        %add3A_1169 = arith.addi %mul3A_1166, %and3A_1168 : i32
        %dma_start3A_1170 = arith.constant 0 : i32
        %dma_start3A_1171 = tpu.memref_slice %arg7[%add3A_1169, %dma_start3A_1170] : memref<64x104xi32, #tpu.memory_space<vmem>> -> memref<1x104xi32, #tpu.memory_space<vmem>>
        %dma_start3A_1172 = tpu.memref_squeeze %dma_start3A_1171 : memref<1x104xi32, #tpu.memory_space<vmem>> -> memref<104xi32, #tpu.memory_space<vmem>>
        %dma_start3A_1173 = arith.constant 0 : i32
        %dma_start3A_1174 = arith.constant 0 : i32
        %dma_start3A_1175 = tpu.memref_slice %arg3[%dma_start3A_1173, %dma_start3A_1174] : memref<100001x128xbf16, #tpu.memory_space<hbm>> -> memref<100001x128xbf16, #tpu.memory_space<hbm>>
        tpu.enqueue_indirect_dma source(%dma_start3A_1175 : memref<100001x128xbf16, #tpu.memory_space<hbm>>) target(%arg12 : memref<104x128xbf16, #tpu.memory_space<vmem>>) offsets(%dma_start3A_1172 : memref<104xi32, #tpu.memory_space<vmem>>) semaphore(%arg28 : memref<!tpu.dma_semaphore, #tpu.memory_space<semaphore_mem>>)
        %dma_start3A_1176 = arith.constant 0 : i32
        %dma_start3A_1177 = tpu.memref_slice %arg7[%add3A_1169, %dma_start3A_1176] : memref<64x104xi32, #tpu.memory_space<vmem>> -> memref<1x104xi32, #tpu.memory_space<vmem>>
        %dma_start3A_1178 = tpu.memref_squeeze %dma_start3A_1177 : memref<1x104xi32, #tpu.memory_space<vmem>> -> memref<104xi32, #tpu.memory_space<vmem>>
        %dma_start3A_1179 = arith.constant 0 : i32
        %dma_start3A_1180 = arith.constant 0 : i32
        %dma_start3A_1181 = tpu.memref_slice %arg4[%dma_start3A_1179, %dma_start3A_1180] : memref<100001x16xf32, #tpu.memory_space<hbm>> -> memref<100001x16xf32, #tpu.memory_space<hbm>>
        tpu.enqueue_indirect_dma source(%dma_start3A_1181 : memref<100001x16xf32, #tpu.memory_space<hbm>>) target(%arg20 : memref<104x16xf32, #tpu.memory_space<vmem>>) offsets(%dma_start3A_1178 : memref<104xi32, #tpu.memory_space<vmem>>) semaphore(%arg36 : memref<!tpu.dma_semaphore, #tpu.memory_space<semaphore_mem>>)
      } else {
      }
      %mul3A_556 = arith.constant 8 : i32
      %mul3A_557 = arith.muli %scan3A_191, %mul3A_556 : i32
      %add3A_558 = arith.constant 3 : i32
      %add3A_559 = arith.addi %mul3A_557, %add3A_558 : i32
      %shift_right_logical3A_560 = arith.constant 5 : i32
      %shift_right_logical3A_561 = arith.shrui %add3A_559, %shift_right_logical3A_560 : i32
      %and3A_562 = arith.constant 1 : i32
      %and3A_563 = arith.andi %shift_right_logical3A_561, %and3A_562 : i32
      %mul3A_564 = arith.constant 32 : i32
      %mul3A_565 = arith.muli %and3A_563, %mul3A_564 : i32
      %and3A_566 = arith.constant 31 : i32
      %and3A_567 = arith.andi %add3A_559, %and3A_566 : i32
      %add3A_568 = arith.addi %mul3A_565, %and3A_567 : i32
      %dma_wait3A_569 = arith.constant 0 : i32
      %dma_wait3A_570 = tpu.memref_slice %arg7[%add3A_568, %dma_wait3A_569] : memref<64x104xi32, #tpu.memory_space<vmem>> -> memref<1x104xi32, #tpu.memory_space<vmem>>
      %dma_wait3A_571 = tpu.memref_squeeze %dma_wait3A_570 : memref<1x104xi32, #tpu.memory_space<vmem>> -> memref<104xi32, #tpu.memory_space<vmem>>
      %dma_wait3A_572 = arith.constant 0 : i32
      %dma_wait3A_573 = arith.constant 0 : i32
      %dma_wait3A_574 = tpu.memref_slice %arg3[%dma_wait3A_572, %dma_wait3A_573] : memref<100001x128xbf16, #tpu.memory_space<hbm>> -> memref<100001x128xbf16, #tpu.memory_space<hbm>>
      tpu.wait_indirect_dma semaphore(%arg29 : memref<!tpu.dma_semaphore, #tpu.memory_space<semaphore_mem>>) src(%dma_wait3A_574 : memref<100001x128xbf16, #tpu.memory_space<hbm>>) dst(%arg13 : memref<104x128xbf16, #tpu.memory_space<vmem>>)
      %dma_wait3A_575 = arith.constant 0 : i32
      %dma_wait3A_576 = tpu.memref_slice %arg7[%add3A_568, %dma_wait3A_575] : memref<64x104xi32, #tpu.memory_space<vmem>> -> memref<1x104xi32, #tpu.memory_space<vmem>>
      %dma_wait3A_577 = tpu.memref_squeeze %dma_wait3A_576 : memref<1x104xi32, #tpu.memory_space<vmem>> -> memref<104xi32, #tpu.memory_space<vmem>>
      %dma_wait3A_578 = arith.constant 0 : i32
      %dma_wait3A_579 = arith.constant 0 : i32
      %dma_wait3A_580 = tpu.memref_slice %arg4[%dma_wait3A_578, %dma_wait3A_579] : memref<100001x16xf32, #tpu.memory_space<hbm>> -> memref<100001x16xf32, #tpu.memory_space<hbm>>
      tpu.wait_indirect_dma semaphore(%arg37 : memref<!tpu.dma_semaphore, #tpu.memory_space<semaphore_mem>>) src(%dma_wait3A_580 : memref<100001x16xf32, #tpu.memory_space<hbm>>) dst(%arg21 : memref<104x16xf32, #tpu.memory_space<vmem>>)
      %scan3A_581 = arith.constant 0 : i32
      %scan3A_582 = arith.constant 100 : i32
      %scan3A_583 = arith.addi %scan3A_581, %scan3A_582 : i32
      %scan3A_584 = arith.constant 1 : i32
      %scan3A_585:17 = scf.for %scan3A_1161 = %scan3A_581 to %scan3A_583 step %scan3A_584 iter_args(%scan3A_1162 = %broadcast_in_dim3A_185, %scan3A_1163 = %broadcast_in_dim3A_185, %scan3A_1164 = %broadcast_in_dim3A_185, %scan3A_1165 = %broadcast_in_dim3A_185, %scan3A_1166 = %broadcast_in_dim3A_185, %scan3A_1167 = %broadcast_in_dim3A_185, %scan3A_1168 = %broadcast_in_dim3A_185, %scan3A_1169 = %broadcast_in_dim3A_185, %scan3A_1170 = %broadcast_in_dim3A_185, %scan3A_1171 = %broadcast_in_dim3A_185, %scan3A_1172 = %broadcast_in_dim3A_185, %scan3A_1173 = %broadcast_in_dim3A_185, %scan3A_1174 = %broadcast_in_dim3A_185, %scan3A_1175 = %broadcast_in_dim3A_185, %scan3A_1176 = %broadcast_in_dim3A_185, %scan3A_1177 = %broadcast_in_dim3A_185, %scan3A_1178 = %broadcast_in_dim3A_185) -> (vector<16xf32>, vector<16xf32>, vector<16xf32>, vector<16xf32>, vector<16xf32>, vector<16xf32>, vector<16xf32>, vector<16xf32>, vector<16xf32>, vector<16xf32>, vector<16xf32>, vector<16xf32>, vector<16xf32>, vector<16xf32>, vector<16xf32>, vector<16xf32>, vector<16xf32>)  : i32 {
        %get3A_1179 = arith.index_cast %scan3A_1161 : i32 to index
        %get3A_1180 = arith.constant 0 : index
        %get3A_1181 = tpu.vector_load %arg13[%get3A_1179, %get3A_1180] {strides = array<i32>} : memref<104x128xbf16, #tpu.memory_space<vmem>>, vector<32xbf16>,
        %unpack3A = tpu.unpack_subelements %get3A_1181, 0 {pack_format = #tpu.pack_format<interleaved>} : vector<32xbf16> -> vector<16xf32>
        %unpack3A_1182 = tpu.unpack_subelements %get3A_1181, 1 {pack_format = #tpu.pack_format<interleaved>} : vector<32xbf16> -> vector<16xf32>
        %add3A_1183 = arith.addf %scan3A_1162, %unpack3A : vector<16xf32>
        %mul3A_1184 = arith.mulf %unpack3A, %unpack3A : vector<16xf32>
        %add3A_1185 = arith.addf %scan3A_1170, %mul3A_1184 : vector<16xf32>
        %add3A_1186 = arith.addf %scan3A_1163, %unpack3A_1182 : vector<16xf32>
        %mul3A_1187 = arith.mulf %unpack3A_1182, %unpack3A_1182 : vector<16xf32>
        %add3A_1188 = arith.addf %scan3A_1171, %mul3A_1187 : vector<16xf32>
        %get3A_1189 = arith.index_cast %scan3A_1161 : i32 to index
        %get3A_1190 = arith.constant 32 : index
        %get3A_1191 = tpu.vector_load %arg13[%get3A_1189, %get3A_1190] {strides = array<i32>} : memref<104x128xbf16, #tpu.memory_space<vmem>>, vector<32xbf16>,
        %unpack3A_1192 = tpu.unpack_subelements %get3A_1191, 0 {pack_format = #tpu.pack_format<interleaved>} : vector<32xbf16> -> vector<16xf32>
        %unpack3A_1193 = tpu.unpack_subelements %get3A_1191, 1 {pack_format = #tpu.pack_format<interleaved>} : vector<32xbf16> -> vector<16xf32>
        %add3A_1194 = arith.addf %scan3A_1164, %unpack3A_1192 : vector<16xf32>
        %mul3A_1195 = arith.mulf %unpack3A_1192, %unpack3A_1192 : vector<16xf32>
        %add3A_1196 = arith.addf %scan3A_1172, %mul3A_1195 : vector<16xf32>
        %add3A_1197 = arith.addf %scan3A_1165, %unpack3A_1193 : vector<16xf32>
        %mul3A_1198 = arith.mulf %unpack3A_1193, %unpack3A_1193 : vector<16xf32>
        %add3A_1199 = arith.addf %scan3A_1173, %mul3A_1198 : vector<16xf32>
        %get3A_1200 = arith.index_cast %scan3A_1161 : i32 to index
        %get3A_1201 = arith.constant 64 : index
        %get3A_1202 = tpu.vector_load %arg13[%get3A_1200, %get3A_1201] {strides = array<i32>} : memref<104x128xbf16, #tpu.memory_space<vmem>>, vector<32xbf16>,
        %unpack3A_1203 = tpu.unpack_subelements %get3A_1202, 0 {pack_format = #tpu.pack_format<interleaved>} : vector<32xbf16> -> vector<16xf32>
        %unpack3A_1204 = tpu.unpack_subelements %get3A_1202, 1 {pack_format = #tpu.pack_format<interleaved>} : vector<32xbf16> -> vector<16xf32>
        %add3A_1205 = arith.addf %scan3A_1166, %unpack3A_1203 : vector<16xf32>
        %mul3A_1206 = arith.mulf %unpack3A_1203, %unpack3A_1203 : vector<16xf32>
        %add3A_1207 = arith.addf %scan3A_1174, %mul3A_1206 : vector<16xf32>
        %add3A_1208 = arith.addf %scan3A_1167, %unpack3A_1204 : vector<16xf32>
        %mul3A_1209 = arith.mulf %unpack3A_1204, %unpack3A_1204 : vector<16xf32>
        %add3A_1210 = arith.addf %scan3A_1175, %mul3A_1209 : vector<16xf32>
        %get3A_1211 = arith.index_cast %scan3A_1161 : i32 to index
        %get3A_1212 = arith.constant 96 : index
        %get3A_1213 = tpu.vector_load %arg13[%get3A_1211, %get3A_1212] {strides = array<i32>} : memref<104x128xbf16, #tpu.memory_space<vmem>>, vector<32xbf16>,
        %unpack3A_1214 = tpu.unpack_subelements %get3A_1213, 0 {pack_format = #tpu.pack_format<interleaved>} : vector<32xbf16> -> vector<16xf32>
        %unpack3A_1215 = tpu.unpack_subelements %get3A_1213, 1 {pack_format = #tpu.pack_format<interleaved>} : vector<32xbf16> -> vector<16xf32>
        %add3A_1216 = arith.addf %scan3A_1168, %unpack3A_1214 : vector<16xf32>
        %mul3A_1217 = arith.mulf %unpack3A_1214, %unpack3A_1214 : vector<16xf32>
        %add3A_1218 = arith.addf %scan3A_1176, %mul3A_1217 : vector<16xf32>
        %add3A_1219 = arith.addf %scan3A_1169, %unpack3A_1215 : vector<16xf32>
        %mul3A_1220 = arith.mulf %unpack3A_1215, %unpack3A_1215 : vector<16xf32>
        %add3A_1221 = arith.addf %scan3A_1177, %mul3A_1220 : vector<16xf32>
        %get3A_1222 = arith.index_cast %scan3A_1161 : i32 to index
        %get3A_1223 = arith.constant 0 : index
        %get3A_1224 = tpu.vector_load %arg21[%get3A_1222, %get3A_1223] {strides = array<i32>} : memref<104x16xf32, #tpu.memory_space<vmem>>, vector<16xf32>,
        %add3A_1225 = arith.addf %scan3A_1178, %get3A_1224 : vector<16xf32>
        scf.yield %add3A_1183, %add3A_1186, %add3A_1194, %add3A_1197, %add3A_1205, %add3A_1208, %add3A_1216, %add3A_1219, %add3A_1185, %add3A_1188, %add3A_1196, %add3A_1199, %add3A_1207, %add3A_1210, %add3A_1218, %add3A_1221, %add3A_1225 : vector<16xf32>, vector<16xf32>, vector<16xf32>, vector<16xf32>, vector<16xf32>, vector<16xf32>, vector<16xf32>, vector<16xf32>, vector<16xf32>, vector<16xf32>, vector<16xf32>, vector<16xf32>, vector<16xf32>, vector<16xf32>, vector<16xf32>, vector<16xf32>, vector<16xf32>
      }
      %scan3A_586 = arith.constant 100 : i32
      %mul3A_587 = arith.mulf %scan3A_585#0, %scan3A_585#0 : vector<16xf32>
      %sub3A_588 = arith.subf %mul3A_587, %scan3A_585#8 : vector<16xf32>
      %add3A_589 = arith.addf %broadcast_in_dim3A_185, %sub3A_588 : vector<16xf32>
      %mul3A_590 = arith.mulf %scan3A_585#1, %scan3A_585#1 : vector<16xf32>
      %sub3A_591 = arith.subf %mul3A_590, %scan3A_585#9 : vector<16xf32>
      %add3A_592 = arith.addf %add3A_589, %sub3A_591 : vector<16xf32>
      %mul3A_593 = arith.mulf %scan3A_585#2, %scan3A_585#2 : vector<16xf32>
      %sub3A_594 = arith.subf %mul3A_593, %scan3A_585#10 : vector<16xf32>
      %add3A_595 = arith.addf %add3A_592, %sub3A_594 : vector<16xf32>
      %mul3A_596 = arith.mulf %scan3A_585#3, %scan3A_585#3 : vector<16xf32>
      %sub3A_597 = arith.subf %mul3A_596, %scan3A_585#11 : vector<16xf32>
      %add3A_598 = arith.addf %add3A_595, %sub3A_597 : vector<16xf32>
      %mul3A_599 = arith.mulf %scan3A_585#4, %scan3A_585#4 : vector<16xf32>
      %sub3A_600 = arith.subf %mul3A_599, %scan3A_585#12 : vector<16xf32>
      %add3A_601 = arith.addf %add3A_598, %sub3A_600 : vector<16xf32>
      %mul3A_602 = arith.mulf %scan3A_585#5, %scan3A_585#5 : vector<16xf32>
      %sub3A_603 = arith.subf %mul3A_602, %scan3A_585#13 : vector<16xf32>
      %add3A_604 = arith.addf %add3A_601, %sub3A_603 : vector<16xf32>
      %mul3A_605 = arith.mulf %scan3A_585#6, %scan3A_585#6 : vector<16xf32>
      %sub3A_606 = arith.subf %mul3A_605, %scan3A_585#14 : vector<16xf32>
      %add3A_607 = arith.addf %add3A_604, %sub3A_606 : vector<16xf32>
      %mul3A_608 = arith.mulf %scan3A_585#7, %scan3A_585#7 : vector<16xf32>
      %sub3A_609 = arith.subf %mul3A_608, %scan3A_585#15 : vector<16xf32>
      %add3A_610 = arith.addf %add3A_607, %sub3A_609 : vector<16xf32>
      %mul3A_611 = arith.constant 5.000000e-01 : f32
      %mul3A_612 = vector.broadcast %mul3A_611 : f32 to vector<16xf32>
      %mul3A_613 = arith.mulf %mul3A_612, %add3A_610 : vector<16xf32>
      %add3A_614 = arith.addf %mul3A_613, %scan3A_585#16 : vector<16xf32>
      %slice3A_615 = vector.extract_strided_slice %add3A_614 {offsets = [0], sizes = [1], strides = [1]} : vector<16xf32> to vector<1xf32>
      %squeeze3A_616 = vector.extract %slice3A_615[0] : f32 from vector<1xf32>
      %add3A_617 = arith.addf %squeeze3A, %squeeze3A_616 : f32
      %slice3A_618 = vector.extract_strided_slice %add3A_614 {offsets = [1], sizes = [1], strides = [1]} : vector<16xf32> to vector<1xf32>
      %squeeze3A_619 = vector.extract %slice3A_618[0] : f32 from vector<1xf32>
      %add3A_620 = arith.addf %add3A_617, %squeeze3A_619 : f32
      %slice3A_621 = vector.extract_strided_slice %add3A_614 {offsets = [2], sizes = [1], strides = [1]} : vector<16xf32> to vector<1xf32>
      %squeeze3A_622 = vector.extract %slice3A_621[0] : f32 from vector<1xf32>
      %add3A_623 = arith.addf %add3A_620, %squeeze3A_622 : f32
      %slice3A_624 = vector.extract_strided_slice %add3A_614 {offsets = [3], sizes = [1], strides = [1]} : vector<16xf32> to vector<1xf32>
      %squeeze3A_625 = vector.extract %slice3A_624[0] : f32 from vector<1xf32>
      %add3A_626 = arith.addf %add3A_623, %squeeze3A_625 : f32
      %slice3A_627 = vector.extract_strided_slice %add3A_614 {offsets = [4], sizes = [1], strides = [1]} : vector<16xf32> to vector<1xf32>
      %squeeze3A_628 = vector.extract %slice3A_627[0] : f32 from vector<1xf32>
      %add3A_629 = arith.addf %add3A_626, %squeeze3A_628 : f32
      %slice3A_630 = vector.extract_strided_slice %add3A_614 {offsets = [5], sizes = [1], strides = [1]} : vector<16xf32> to vector<1xf32>
      %squeeze3A_631 = vector.extract %slice3A_630[0] : f32 from vector<1xf32>
      %add3A_632 = arith.addf %add3A_629, %squeeze3A_631 : f32
      %slice3A_633 = vector.extract_strided_slice %add3A_614 {offsets = [6], sizes = [1], strides = [1]} : vector<16xf32> to vector<1xf32>
      %squeeze3A_634 = vector.extract %slice3A_633[0] : f32 from vector<1xf32>
      %add3A_635 = arith.addf %add3A_632, %squeeze3A_634 : f32
      %slice3A_636 = vector.extract_strided_slice %add3A_614 {offsets = [7], sizes = [1], strides = [1]} : vector<16xf32> to vector<1xf32>
      %squeeze3A_637 = vector.extract %slice3A_636[0] : f32 from vector<1xf32>
      %add3A_638 = arith.addf %add3A_635, %squeeze3A_637 : f32
      %slice3A_639 = vector.extract_strided_slice %add3A_614 {offsets = [8], sizes = [1], strides = [1]} : vector<16xf32> to vector<1xf32>
      %squeeze3A_640 = vector.extract %slice3A_639[0] : f32 from vector<1xf32>
      %add3A_641 = arith.addf %add3A_638, %squeeze3A_640 : f32
      %slice3A_642 = vector.extract_strided_slice %add3A_614 {offsets = [9], sizes = [1], strides = [1]} : vector<16xf32> to vector<1xf32>
      %squeeze3A_643 = vector.extract %slice3A_642[0] : f32 from vector<1xf32>
      %add3A_644 = arith.addf %add3A_641, %squeeze3A_643 : f32
      %slice3A_645 = vector.extract_strided_slice %add3A_614 {offsets = [10], sizes = [1], strides = [1]} : vector<16xf32> to vector<1xf32>
      %squeeze3A_646 = vector.extract %slice3A_645[0] : f32 from vector<1xf32>
      %add3A_647 = arith.addf %add3A_644, %squeeze3A_646 : f32
      %slice3A_648 = vector.extract_strided_slice %add3A_614 {offsets = [11], sizes = [1], strides = [1]} : vector<16xf32> to vector<1xf32>
      %squeeze3A_649 = vector.extract %slice3A_648[0] : f32 from vector<1xf32>
      %add3A_650 = arith.addf %add3A_647, %squeeze3A_649 : f32
      %slice3A_651 = vector.extract_strided_slice %add3A_614 {offsets = [12], sizes = [1], strides = [1]} : vector<16xf32> to vector<1xf32>
      %squeeze3A_652 = vector.extract %slice3A_651[0] : f32 from vector<1xf32>
      %add3A_653 = arith.addf %add3A_650, %squeeze3A_652 : f32
      %slice3A_654 = vector.extract_strided_slice %add3A_614 {offsets = [13], sizes = [1], strides = [1]} : vector<16xf32> to vector<1xf32>
      %squeeze3A_655 = vector.extract %slice3A_654[0] : f32 from vector<1xf32>
      %add3A_656 = arith.addf %add3A_653, %squeeze3A_655 : f32
      %slice3A_657 = vector.extract_strided_slice %add3A_614 {offsets = [14], sizes = [1], strides = [1]} : vector<16xf32> to vector<1xf32>
      %squeeze3A_658 = vector.extract %slice3A_657[0] : f32 from vector<1xf32>
      %add3A_659 = arith.addf %add3A_656, %squeeze3A_658 : f32
      %slice3A_660 = vector.extract_strided_slice %add3A_614 {offsets = [15], sizes = [1], strides = [1]} : vector<16xf32> to vector<1xf32>
      %squeeze3A_661 = vector.extract %slice3A_660[0] : f32 from vector<1xf32>
      %add3A_662 = arith.addf %add3A_659, %squeeze3A_661 : f32
      %rem3A_663 = arith.constant 16 : i32
      %rem3A_664 = arith.remsi %add3A_559, %rem3A_663 : i32
      %eq3A_665 = vector.broadcast %rem3A_664 : i32 to vector<16xi32>
      %eq3A_666 = arith.cmpi eq, %iota3A, %eq3A_665 : vector<16xi32>
      %broadcast_in_dim3A_667 = vector.broadcast %add3A_662 : f32 to vector<16xf32>
      %select_n3A_668 = arith.select %eq3A_666, %broadcast_in_dim3A_667, %select_n3A_548 : vector<16xi1>, vector<16xf32>
      %add3A_669 = arith.constant 8 : i32
      %add3A_670 = arith.addi %add3A_559, %add3A_669 : i32
      %lt3A_671 = arith.constant 512 : i32
      %lt3A_672 = arith.cmpi slt, %add3A_670, %lt3A_671 : i32
      %convert_element_type3A_673 = arith.extui %lt3A_672 : i1 to i32
      %cond3A_674 = arith.constant 0 : i32
      %cond3A_675 = arith.cmpi ne, %convert_element_type3A_673, %cond3A_674 : i32
      scf.if %cond3A_675 {
        %shift_right_logical3A_1161 = arith.constant 5 : i32
        %shift_right_logical3A_1162 = arith.shrui %add3A_670, %shift_right_logical3A_1161 : i32
        %and3A_1163 = arith.constant 1 : i32
        %and3A_1164 = arith.andi %shift_right_logical3A_1162, %and3A_1163 : i32
        %mul3A_1165 = arith.constant 32 : i32
        %mul3A_1166 = arith.muli %and3A_1164, %mul3A_1165 : i32
        %and3A_1167 = arith.constant 31 : i32
        %and3A_1168 = arith.andi %add3A_670, %and3A_1167 : i32
        %add3A_1169 = arith.addi %mul3A_1166, %and3A_1168 : i32
        %dma_start3A_1170 = arith.constant 0 : i32
        %dma_start3A_1171 = tpu.memref_slice %arg7[%add3A_1169, %dma_start3A_1170] : memref<64x104xi32, #tpu.memory_space<vmem>> -> memref<1x104xi32, #tpu.memory_space<vmem>>
        %dma_start3A_1172 = tpu.memref_squeeze %dma_start3A_1171 : memref<1x104xi32, #tpu.memory_space<vmem>> -> memref<104xi32, #tpu.memory_space<vmem>>
        %dma_start3A_1173 = arith.constant 0 : i32
        %dma_start3A_1174 = arith.constant 0 : i32
        %dma_start3A_1175 = tpu.memref_slice %arg3[%dma_start3A_1173, %dma_start3A_1174] : memref<100001x128xbf16, #tpu.memory_space<hbm>> -> memref<100001x128xbf16, #tpu.memory_space<hbm>>
        tpu.enqueue_indirect_dma source(%dma_start3A_1175 : memref<100001x128xbf16, #tpu.memory_space<hbm>>) target(%arg13 : memref<104x128xbf16, #tpu.memory_space<vmem>>) offsets(%dma_start3A_1172 : memref<104xi32, #tpu.memory_space<vmem>>) semaphore(%arg29 : memref<!tpu.dma_semaphore, #tpu.memory_space<semaphore_mem>>)
        %dma_start3A_1176 = arith.constant 0 : i32
        %dma_start3A_1177 = tpu.memref_slice %arg7[%add3A_1169, %dma_start3A_1176] : memref<64x104xi32, #tpu.memory_space<vmem>> -> memref<1x104xi32, #tpu.memory_space<vmem>>
        %dma_start3A_1178 = tpu.memref_squeeze %dma_start3A_1177 : memref<1x104xi32, #tpu.memory_space<vmem>> -> memref<104xi32, #tpu.memory_space<vmem>>
        %dma_start3A_1179 = arith.constant 0 : i32
        %dma_start3A_1180 = arith.constant 0 : i32
        %dma_start3A_1181 = tpu.memref_slice %arg4[%dma_start3A_1179, %dma_start3A_1180] : memref<100001x16xf32, #tpu.memory_space<hbm>> -> memref<100001x16xf32, #tpu.memory_space<hbm>>
        tpu.enqueue_indirect_dma source(%dma_start3A_1181 : memref<100001x16xf32, #tpu.memory_space<hbm>>) target(%arg21 : memref<104x16xf32, #tpu.memory_space<vmem>>) offsets(%dma_start3A_1178 : memref<104xi32, #tpu.memory_space<vmem>>) semaphore(%arg37 : memref<!tpu.dma_semaphore, #tpu.memory_space<semaphore_mem>>)
      } else {
      }
      %mul3A_676 = arith.constant 8 : i32
      %mul3A_677 = arith.muli %scan3A_191, %mul3A_676 : i32
      %add3A_678 = arith.constant 4 : i32
      %add3A_679 = arith.addi %mul3A_677, %add3A_678 : i32
      %shift_right_logical3A_680 = arith.constant 5 : i32
      %shift_right_logical3A_681 = arith.shrui %add3A_679, %shift_right_logical3A_680 : i32
      %and3A_682 = arith.constant 1 : i32
      %and3A_683 = arith.andi %shift_right_logical3A_681, %and3A_682 : i32
      %mul3A_684 = arith.constant 32 : i32
      %mul3A_685 = arith.muli %and3A_683, %mul3A_684 : i32
      %and3A_686 = arith.constant 31 : i32
      %and3A_687 = arith.andi %add3A_679, %and3A_686 : i32
      %add3A_688 = arith.addi %mul3A_685, %and3A_687 : i32
      %dma_wait3A_689 = arith.constant 0 : i32
      %dma_wait3A_690 = tpu.memref_slice %arg7[%add3A_688, %dma_wait3A_689] : memref<64x104xi32, #tpu.memory_space<vmem>> -> memref<1x104xi32, #tpu.memory_space<vmem>>
      %dma_wait3A_691 = tpu.memref_squeeze %dma_wait3A_690 : memref<1x104xi32, #tpu.memory_space<vmem>> -> memref<104xi32, #tpu.memory_space<vmem>>
      %dma_wait3A_692 = arith.constant 0 : i32
      %dma_wait3A_693 = arith.constant 0 : i32
      %dma_wait3A_694 = tpu.memref_slice %arg3[%dma_wait3A_692, %dma_wait3A_693] : memref<100001x128xbf16, #tpu.memory_space<hbm>> -> memref<100001x128xbf16, #tpu.memory_space<hbm>>
      tpu.wait_indirect_dma semaphore(%arg30 : memref<!tpu.dma_semaphore, #tpu.memory_space<semaphore_mem>>) src(%dma_wait3A_694 : memref<100001x128xbf16, #tpu.memory_space<hbm>>) dst(%arg14 : memref<104x128xbf16, #tpu.memory_space<vmem>>)
      %dma_wait3A_695 = arith.constant 0 : i32
      %dma_wait3A_696 = tpu.memref_slice %arg7[%add3A_688, %dma_wait3A_695] : memref<64x104xi32, #tpu.memory_space<vmem>> -> memref<1x104xi32, #tpu.memory_space<vmem>>
      %dma_wait3A_697 = tpu.memref_squeeze %dma_wait3A_696 : memref<1x104xi32, #tpu.memory_space<vmem>> -> memref<104xi32, #tpu.memory_space<vmem>>
      %dma_wait3A_698 = arith.constant 0 : i32
      %dma_wait3A_699 = arith.constant 0 : i32
      %dma_wait3A_700 = tpu.memref_slice %arg4[%dma_wait3A_698, %dma_wait3A_699] : memref<100001x16xf32, #tpu.memory_space<hbm>> -> memref<100001x16xf32, #tpu.memory_space<hbm>>
      tpu.wait_indirect_dma semaphore(%arg38 : memref<!tpu.dma_semaphore, #tpu.memory_space<semaphore_mem>>) src(%dma_wait3A_700 : memref<100001x16xf32, #tpu.memory_space<hbm>>) dst(%arg22 : memref<104x16xf32, #tpu.memory_space<vmem>>)
      %scan3A_701 = arith.constant 0 : i32
      %scan3A_702 = arith.constant 100 : i32
      %scan3A_703 = arith.addi %scan3A_701, %scan3A_702 : i32
      %scan3A_704 = arith.constant 1 : i32
      %scan3A_705:17 = scf.for %scan3A_1161 = %scan3A_701 to %scan3A_703 step %scan3A_704 iter_args(%scan3A_1162 = %broadcast_in_dim3A_185, %scan3A_1163 = %broadcast_in_dim3A_185, %scan3A_1164 = %broadcast_in_dim3A_185, %scan3A_1165 = %broadcast_in_dim3A_185, %scan3A_1166 = %broadcast_in_dim3A_185, %scan3A_1167 = %broadcast_in_dim3A_185, %scan3A_1168 = %broadcast_in_dim3A_185, %scan3A_1169 = %broadcast_in_dim3A_185, %scan3A_1170 = %broadcast_in_dim3A_185, %scan3A_1171 = %broadcast_in_dim3A_185, %scan3A_1172 = %broadcast_in_dim3A_185, %scan3A_1173 = %broadcast_in_dim3A_185, %scan3A_1174 = %broadcast_in_dim3A_185, %scan3A_1175 = %broadcast_in_dim3A_185, %scan3A_1176 = %broadcast_in_dim3A_185, %scan3A_1177 = %broadcast_in_dim3A_185, %scan3A_1178 = %broadcast_in_dim3A_185) -> (vector<16xf32>, vector<16xf32>, vector<16xf32>, vector<16xf32>, vector<16xf32>, vector<16xf32>, vector<16xf32>, vector<16xf32>, vector<16xf32>, vector<16xf32>, vector<16xf32>, vector<16xf32>, vector<16xf32>, vector<16xf32>, vector<16xf32>, vector<16xf32>, vector<16xf32>)  : i32 {
        %get3A_1179 = arith.index_cast %scan3A_1161 : i32 to index
        %get3A_1180 = arith.constant 0 : index
        %get3A_1181 = tpu.vector_load %arg14[%get3A_1179, %get3A_1180] {strides = array<i32>} : memref<104x128xbf16, #tpu.memory_space<vmem>>, vector<32xbf16>,
        %unpack3A = tpu.unpack_subelements %get3A_1181, 0 {pack_format = #tpu.pack_format<interleaved>} : vector<32xbf16> -> vector<16xf32>
        %unpack3A_1182 = tpu.unpack_subelements %get3A_1181, 1 {pack_format = #tpu.pack_format<interleaved>} : vector<32xbf16> -> vector<16xf32>
        %add3A_1183 = arith.addf %scan3A_1162, %unpack3A : vector<16xf32>
        %mul3A_1184 = arith.mulf %unpack3A, %unpack3A : vector<16xf32>
        %add3A_1185 = arith.addf %scan3A_1170, %mul3A_1184 : vector<16xf32>
        %add3A_1186 = arith.addf %scan3A_1163, %unpack3A_1182 : vector<16xf32>
        %mul3A_1187 = arith.mulf %unpack3A_1182, %unpack3A_1182 : vector<16xf32>
        %add3A_1188 = arith.addf %scan3A_1171, %mul3A_1187 : vector<16xf32>
        %get3A_1189 = arith.index_cast %scan3A_1161 : i32 to index
        %get3A_1190 = arith.constant 32 : index
        %get3A_1191 = tpu.vector_load %arg14[%get3A_1189, %get3A_1190] {strides = array<i32>} : memref<104x128xbf16, #tpu.memory_space<vmem>>, vector<32xbf16>,
        %unpack3A_1192 = tpu.unpack_subelements %get3A_1191, 0 {pack_format = #tpu.pack_format<interleaved>} : vector<32xbf16> -> vector<16xf32>
        %unpack3A_1193 = tpu.unpack_subelements %get3A_1191, 1 {pack_format = #tpu.pack_format<interleaved>} : vector<32xbf16> -> vector<16xf32>
        %add3A_1194 = arith.addf %scan3A_1164, %unpack3A_1192 : vector<16xf32>
        %mul3A_1195 = arith.mulf %unpack3A_1192, %unpack3A_1192 : vector<16xf32>
        %add3A_1196 = arith.addf %scan3A_1172, %mul3A_1195 : vector<16xf32>
        %add3A_1197 = arith.addf %scan3A_1165, %unpack3A_1193 : vector<16xf32>
        %mul3A_1198 = arith.mulf %unpack3A_1193, %unpack3A_1193 : vector<16xf32>
        %add3A_1199 = arith.addf %scan3A_1173, %mul3A_1198 : vector<16xf32>
        %get3A_1200 = arith.index_cast %scan3A_1161 : i32 to index
        %get3A_1201 = arith.constant 64 : index
        %get3A_1202 = tpu.vector_load %arg14[%get3A_1200, %get3A_1201] {strides = array<i32>} : memref<104x128xbf16, #tpu.memory_space<vmem>>, vector<32xbf16>,
        %unpack3A_1203 = tpu.unpack_subelements %get3A_1202, 0 {pack_format = #tpu.pack_format<interleaved>} : vector<32xbf16> -> vector<16xf32>
        %unpack3A_1204 = tpu.unpack_subelements %get3A_1202, 1 {pack_format = #tpu.pack_format<interleaved>} : vector<32xbf16> -> vector<16xf32>
        %add3A_1205 = arith.addf %scan3A_1166, %unpack3A_1203 : vector<16xf32>
        %mul3A_1206 = arith.mulf %unpack3A_1203, %unpack3A_1203 : vector<16xf32>
        %add3A_1207 = arith.addf %scan3A_1174, %mul3A_1206 : vector<16xf32>
        %add3A_1208 = arith.addf %scan3A_1167, %unpack3A_1204 : vector<16xf32>
        %mul3A_1209 = arith.mulf %unpack3A_1204, %unpack3A_1204 : vector<16xf32>
        %add3A_1210 = arith.addf %scan3A_1175, %mul3A_1209 : vector<16xf32>
        %get3A_1211 = arith.index_cast %scan3A_1161 : i32 to index
        %get3A_1212 = arith.constant 96 : index
        %get3A_1213 = tpu.vector_load %arg14[%get3A_1211, %get3A_1212] {strides = array<i32>} : memref<104x128xbf16, #tpu.memory_space<vmem>>, vector<32xbf16>,
        %unpack3A_1214 = tpu.unpack_subelements %get3A_1213, 0 {pack_format = #tpu.pack_format<interleaved>} : vector<32xbf16> -> vector<16xf32>
        %unpack3A_1215 = tpu.unpack_subelements %get3A_1213, 1 {pack_format = #tpu.pack_format<interleaved>} : vector<32xbf16> -> vector<16xf32>
        %add3A_1216 = arith.addf %scan3A_1168, %unpack3A_1214 : vector<16xf32>
        %mul3A_1217 = arith.mulf %unpack3A_1214, %unpack3A_1214 : vector<16xf32>
        %add3A_1218 = arith.addf %scan3A_1176, %mul3A_1217 : vector<16xf32>
        %add3A_1219 = arith.addf %scan3A_1169, %unpack3A_1215 : vector<16xf32>
        %mul3A_1220 = arith.mulf %unpack3A_1215, %unpack3A_1215 : vector<16xf32>
        %add3A_1221 = arith.addf %scan3A_1177, %mul3A_1220 : vector<16xf32>
        %get3A_1222 = arith.index_cast %scan3A_1161 : i32 to index
        %get3A_1223 = arith.constant 0 : index
        %get3A_1224 = tpu.vector_load %arg22[%get3A_1222, %get3A_1223] {strides = array<i32>} : memref<104x16xf32, #tpu.memory_space<vmem>>, vector<16xf32>,
        %add3A_1225 = arith.addf %scan3A_1178, %get3A_1224 : vector<16xf32>
        scf.yield %add3A_1183, %add3A_1186, %add3A_1194, %add3A_1197, %add3A_1205, %add3A_1208, %add3A_1216, %add3A_1219, %add3A_1185, %add3A_1188, %add3A_1196, %add3A_1199, %add3A_1207, %add3A_1210, %add3A_1218, %add3A_1221, %add3A_1225 : vector<16xf32>, vector<16xf32>, vector<16xf32>, vector<16xf32>, vector<16xf32>, vector<16xf32>, vector<16xf32>, vector<16xf32>, vector<16xf32>, vector<16xf32>, vector<16xf32>, vector<16xf32>, vector<16xf32>, vector<16xf32>, vector<16xf32>, vector<16xf32>, vector<16xf32>
      }
      %scan3A_706 = arith.constant 100 : i32
      %mul3A_707 = arith.mulf %scan3A_705#0, %scan3A_705#0 : vector<16xf32>
      %sub3A_708 = arith.subf %mul3A_707, %scan3A_705#8 : vector<16xf32>
      %add3A_709 = arith.addf %broadcast_in_dim3A_185, %sub3A_708 : vector<16xf32>
      %mul3A_710 = arith.mulf %scan3A_705#1, %scan3A_705#1 : vector<16xf32>
      %sub3A_711 = arith.subf %mul3A_710, %scan3A_705#9 : vector<16xf32>
      %add3A_712 = arith.addf %add3A_709, %sub3A_711 : vector<16xf32>
      %mul3A_713 = arith.mulf %scan3A_705#2, %scan3A_705#2 : vector<16xf32>
      %sub3A_714 = arith.subf %mul3A_713, %scan3A_705#10 : vector<16xf32>
      %add3A_715 = arith.addf %add3A_712, %sub3A_714 : vector<16xf32>
      %mul3A_716 = arith.mulf %scan3A_705#3, %scan3A_705#3 : vector<16xf32>
      %sub3A_717 = arith.subf %mul3A_716, %scan3A_705#11 : vector<16xf32>
      %add3A_718 = arith.addf %add3A_715, %sub3A_717 : vector<16xf32>
      %mul3A_719 = arith.mulf %scan3A_705#4, %scan3A_705#4 : vector<16xf32>
      %sub3A_720 = arith.subf %mul3A_719, %scan3A_705#12 : vector<16xf32>
      %add3A_721 = arith.addf %add3A_718, %sub3A_720 : vector<16xf32>
      %mul3A_722 = arith.mulf %scan3A_705#5, %scan3A_705#5 : vector<16xf32>
      %sub3A_723 = arith.subf %mul3A_722, %scan3A_705#13 : vector<16xf32>
      %add3A_724 = arith.addf %add3A_721, %sub3A_723 : vector<16xf32>
      %mul3A_725 = arith.mulf %scan3A_705#6, %scan3A_705#6 : vector<16xf32>
      %sub3A_726 = arith.subf %mul3A_725, %scan3A_705#14 : vector<16xf32>
      %add3A_727 = arith.addf %add3A_724, %sub3A_726 : vector<16xf32>
      %mul3A_728 = arith.mulf %scan3A_705#7, %scan3A_705#7 : vector<16xf32>
      %sub3A_729 = arith.subf %mul3A_728, %scan3A_705#15 : vector<16xf32>
      %add3A_730 = arith.addf %add3A_727, %sub3A_729 : vector<16xf32>
      %mul3A_731 = arith.constant 5.000000e-01 : f32
      %mul3A_732 = vector.broadcast %mul3A_731 : f32 to vector<16xf32>
      %mul3A_733 = arith.mulf %mul3A_732, %add3A_730 : vector<16xf32>
      %add3A_734 = arith.addf %mul3A_733, %scan3A_705#16 : vector<16xf32>
      %slice3A_735 = vector.extract_strided_slice %add3A_734 {offsets = [0], sizes = [1], strides = [1]} : vector<16xf32> to vector<1xf32>
      %squeeze3A_736 = vector.extract %slice3A_735[0] : f32 from vector<1xf32>
      %add3A_737 = arith.addf %squeeze3A, %squeeze3A_736 : f32
      %slice3A_738 = vector.extract_strided_slice %add3A_734 {offsets = [1], sizes = [1], strides = [1]} : vector<16xf32> to vector<1xf32>
      %squeeze3A_739 = vector.extract %slice3A_738[0] : f32 from vector<1xf32>
      %add3A_740 = arith.addf %add3A_737, %squeeze3A_739 : f32
      %slice3A_741 = vector.extract_strided_slice %add3A_734 {offsets = [2], sizes = [1], strides = [1]} : vector<16xf32> to vector<1xf32>
      %squeeze3A_742 = vector.extract %slice3A_741[0] : f32 from vector<1xf32>
      %add3A_743 = arith.addf %add3A_740, %squeeze3A_742 : f32
      %slice3A_744 = vector.extract_strided_slice %add3A_734 {offsets = [3], sizes = [1], strides = [1]} : vector<16xf32> to vector<1xf32>
      %squeeze3A_745 = vector.extract %slice3A_744[0] : f32 from vector<1xf32>
      %add3A_746 = arith.addf %add3A_743, %squeeze3A_745 : f32
      %slice3A_747 = vector.extract_strided_slice %add3A_734 {offsets = [4], sizes = [1], strides = [1]} : vector<16xf32> to vector<1xf32>
      %squeeze3A_748 = vector.extract %slice3A_747[0] : f32 from vector<1xf32>
      %add3A_749 = arith.addf %add3A_746, %squeeze3A_748 : f32
      %slice3A_750 = vector.extract_strided_slice %add3A_734 {offsets = [5], sizes = [1], strides = [1]} : vector<16xf32> to vector<1xf32>
      %squeeze3A_751 = vector.extract %slice3A_750[0] : f32 from vector<1xf32>
      %add3A_752 = arith.addf %add3A_749, %squeeze3A_751 : f32
      %slice3A_753 = vector.extract_strided_slice %add3A_734 {offsets = [6], sizes = [1], strides = [1]} : vector<16xf32> to vector<1xf32>
      %squeeze3A_754 = vector.extract %slice3A_753[0] : f32 from vector<1xf32>
      %add3A_755 = arith.addf %add3A_752, %squeeze3A_754 : f32
      %slice3A_756 = vector.extract_strided_slice %add3A_734 {offsets = [7], sizes = [1], strides = [1]} : vector<16xf32> to vector<1xf32>
      %squeeze3A_757 = vector.extract %slice3A_756[0] : f32 from vector<1xf32>
      %add3A_758 = arith.addf %add3A_755, %squeeze3A_757 : f32
      %slice3A_759 = vector.extract_strided_slice %add3A_734 {offsets = [8], sizes = [1], strides = [1]} : vector<16xf32> to vector<1xf32>
      %squeeze3A_760 = vector.extract %slice3A_759[0] : f32 from vector<1xf32>
      %add3A_761 = arith.addf %add3A_758, %squeeze3A_760 : f32
      %slice3A_762 = vector.extract_strided_slice %add3A_734 {offsets = [9], sizes = [1], strides = [1]} : vector<16xf32> to vector<1xf32>
      %squeeze3A_763 = vector.extract %slice3A_762[0] : f32 from vector<1xf32>
      %add3A_764 = arith.addf %add3A_761, %squeeze3A_763 : f32
      %slice3A_765 = vector.extract_strided_slice %add3A_734 {offsets = [10], sizes = [1], strides = [1]} : vector<16xf32> to vector<1xf32>
      %squeeze3A_766 = vector.extract %slice3A_765[0] : f32 from vector<1xf32>
      %add3A_767 = arith.addf %add3A_764, %squeeze3A_766 : f32
      %slice3A_768 = vector.extract_strided_slice %add3A_734 {offsets = [11], sizes = [1], strides = [1]} : vector<16xf32> to vector<1xf32>
      %squeeze3A_769 = vector.extract %slice3A_768[0] : f32 from vector<1xf32>
      %add3A_770 = arith.addf %add3A_767, %squeeze3A_769 : f32
      %slice3A_771 = vector.extract_strided_slice %add3A_734 {offsets = [12], sizes = [1], strides = [1]} : vector<16xf32> to vector<1xf32>
      %squeeze3A_772 = vector.extract %slice3A_771[0] : f32 from vector<1xf32>
      %add3A_773 = arith.addf %add3A_770, %squeeze3A_772 : f32
      %slice3A_774 = vector.extract_strided_slice %add3A_734 {offsets = [13], sizes = [1], strides = [1]} : vector<16xf32> to vector<1xf32>
      %squeeze3A_775 = vector.extract %slice3A_774[0] : f32 from vector<1xf32>
      %add3A_776 = arith.addf %add3A_773, %squeeze3A_775 : f32
      %slice3A_777 = vector.extract_strided_slice %add3A_734 {offsets = [14], sizes = [1], strides = [1]} : vector<16xf32> to vector<1xf32>
      %squeeze3A_778 = vector.extract %slice3A_777[0] : f32 from vector<1xf32>
      %add3A_779 = arith.addf %add3A_776, %squeeze3A_778 : f32
      %slice3A_780 = vector.extract_strided_slice %add3A_734 {offsets = [15], sizes = [1], strides = [1]} : vector<16xf32> to vector<1xf32>
      %squeeze3A_781 = vector.extract %slice3A_780[0] : f32 from vector<1xf32>
      %add3A_782 = arith.addf %add3A_779, %squeeze3A_781 : f32
      %rem3A_783 = arith.constant 16 : i32
      %rem3A_784 = arith.remsi %add3A_679, %rem3A_783 : i32
      %eq3A_785 = vector.broadcast %rem3A_784 : i32 to vector<16xi32>
      %eq3A_786 = arith.cmpi eq, %iota3A, %eq3A_785 : vector<16xi32>
      %broadcast_in_dim3A_787 = vector.broadcast %add3A_782 : f32 to vector<16xf32>
      %select_n3A_788 = arith.select %eq3A_786, %broadcast_in_dim3A_787, %select_n3A_668 : vector<16xi1>, vector<16xf32>
      %add3A_789 = arith.constant 8 : i32
      %add3A_790 = arith.addi %add3A_679, %add3A_789 : i32
      %lt3A_791 = arith.constant 512 : i32
      %lt3A_792 = arith.cmpi slt, %add3A_790, %lt3A_791 : i32
      %convert_element_type3A_793 = arith.extui %lt3A_792 : i1 to i32
      %cond3A_794 = arith.constant 0 : i32
      %cond3A_795 = arith.cmpi ne, %convert_element_type3A_793, %cond3A_794 : i32
      scf.if %cond3A_795 {
        %shift_right_logical3A_1161 = arith.constant 5 : i32
        %shift_right_logical3A_1162 = arith.shrui %add3A_790, %shift_right_logical3A_1161 : i32
        %and3A_1163 = arith.constant 1 : i32
        %and3A_1164 = arith.andi %shift_right_logical3A_1162, %and3A_1163 : i32
        %mul3A_1165 = arith.constant 32 : i32
        %mul3A_1166 = arith.muli %and3A_1164, %mul3A_1165 : i32
        %and3A_1167 = arith.constant 31 : i32
        %and3A_1168 = arith.andi %add3A_790, %and3A_1167 : i32
        %add3A_1169 = arith.addi %mul3A_1166, %and3A_1168 : i32
        %dma_start3A_1170 = arith.constant 0 : i32
        %dma_start3A_1171 = tpu.memref_slice %arg7[%add3A_1169, %dma_start3A_1170] : memref<64x104xi32, #tpu.memory_space<vmem>> -> memref<1x104xi32, #tpu.memory_space<vmem>>
        %dma_start3A_1172 = tpu.memref_squeeze %dma_start3A_1171 : memref<1x104xi32, #tpu.memory_space<vmem>> -> memref<104xi32, #tpu.memory_space<vmem>>
        %dma_start3A_1173 = arith.constant 0 : i32
        %dma_start3A_1174 = arith.constant 0 : i32
        %dma_start3A_1175 = tpu.memref_slice %arg3[%dma_start3A_1173, %dma_start3A_1174] : memref<100001x128xbf16, #tpu.memory_space<hbm>> -> memref<100001x128xbf16, #tpu.memory_space<hbm>>
        tpu.enqueue_indirect_dma source(%dma_start3A_1175 : memref<100001x128xbf16, #tpu.memory_space<hbm>>) target(%arg14 : memref<104x128xbf16, #tpu.memory_space<vmem>>) offsets(%dma_start3A_1172 : memref<104xi32, #tpu.memory_space<vmem>>) semaphore(%arg30 : memref<!tpu.dma_semaphore, #tpu.memory_space<semaphore_mem>>)
        %dma_start3A_1176 = arith.constant 0 : i32
        %dma_start3A_1177 = tpu.memref_slice %arg7[%add3A_1169, %dma_start3A_1176] : memref<64x104xi32, #tpu.memory_space<vmem>> -> memref<1x104xi32, #tpu.memory_space<vmem>>
        %dma_start3A_1178 = tpu.memref_squeeze %dma_start3A_1177 : memref<1x104xi32, #tpu.memory_space<vmem>> -> memref<104xi32, #tpu.memory_space<vmem>>
        %dma_start3A_1179 = arith.constant 0 : i32
        %dma_start3A_1180 = arith.constant 0 : i32
        %dma_start3A_1181 = tpu.memref_slice %arg4[%dma_start3A_1179, %dma_start3A_1180] : memref<100001x16xf32, #tpu.memory_space<hbm>> -> memref<100001x16xf32, #tpu.memory_space<hbm>>
        tpu.enqueue_indirect_dma source(%dma_start3A_1181 : memref<100001x16xf32, #tpu.memory_space<hbm>>) target(%arg22 : memref<104x16xf32, #tpu.memory_space<vmem>>) offsets(%dma_start3A_1178 : memref<104xi32, #tpu.memory_space<vmem>>) semaphore(%arg38 : memref<!tpu.dma_semaphore, #tpu.memory_space<semaphore_mem>>)
      } else {
      }
      %mul3A_796 = arith.constant 8 : i32
      %mul3A_797 = arith.muli %scan3A_191, %mul3A_796 : i32
      %add3A_798 = arith.constant 5 : i32
      %add3A_799 = arith.addi %mul3A_797, %add3A_798 : i32
      %shift_right_logical3A_800 = arith.constant 5 : i32
      %shift_right_logical3A_801 = arith.shrui %add3A_799, %shift_right_logical3A_800 : i32
      %and3A_802 = arith.constant 1 : i32
      %and3A_803 = arith.andi %shift_right_logical3A_801, %and3A_802 : i32
      %mul3A_804 = arith.constant 32 : i32
      %mul3A_805 = arith.muli %and3A_803, %mul3A_804 : i32
      %and3A_806 = arith.constant 31 : i32
      %and3A_807 = arith.andi %add3A_799, %and3A_806 : i32
      %add3A_808 = arith.addi %mul3A_805, %and3A_807 : i32
      %dma_wait3A_809 = arith.constant 0 : i32
      %dma_wait3A_810 = tpu.memref_slice %arg7[%add3A_808, %dma_wait3A_809] : memref<64x104xi32, #tpu.memory_space<vmem>> -> memref<1x104xi32, #tpu.memory_space<vmem>>
      %dma_wait3A_811 = tpu.memref_squeeze %dma_wait3A_810 : memref<1x104xi32, #tpu.memory_space<vmem>> -> memref<104xi32, #tpu.memory_space<vmem>>
      %dma_wait3A_812 = arith.constant 0 : i32
      %dma_wait3A_813 = arith.constant 0 : i32
      %dma_wait3A_814 = tpu.memref_slice %arg3[%dma_wait3A_812, %dma_wait3A_813] : memref<100001x128xbf16, #tpu.memory_space<hbm>> -> memref<100001x128xbf16, #tpu.memory_space<hbm>>
      tpu.wait_indirect_dma semaphore(%arg31 : memref<!tpu.dma_semaphore, #tpu.memory_space<semaphore_mem>>) src(%dma_wait3A_814 : memref<100001x128xbf16, #tpu.memory_space<hbm>>) dst(%arg15 : memref<104x128xbf16, #tpu.memory_space<vmem>>)
      %dma_wait3A_815 = arith.constant 0 : i32
      %dma_wait3A_816 = tpu.memref_slice %arg7[%add3A_808, %dma_wait3A_815] : memref<64x104xi32, #tpu.memory_space<vmem>> -> memref<1x104xi32, #tpu.memory_space<vmem>>
      %dma_wait3A_817 = tpu.memref_squeeze %dma_wait3A_816 : memref<1x104xi32, #tpu.memory_space<vmem>> -> memref<104xi32, #tpu.memory_space<vmem>>
      %dma_wait3A_818 = arith.constant 0 : i32
      %dma_wait3A_819 = arith.constant 0 : i32
      %dma_wait3A_820 = tpu.memref_slice %arg4[%dma_wait3A_818, %dma_wait3A_819] : memref<100001x16xf32, #tpu.memory_space<hbm>> -> memref<100001x16xf32, #tpu.memory_space<hbm>>
      tpu.wait_indirect_dma semaphore(%arg39 : memref<!tpu.dma_semaphore, #tpu.memory_space<semaphore_mem>>) src(%dma_wait3A_820 : memref<100001x16xf32, #tpu.memory_space<hbm>>) dst(%arg23 : memref<104x16xf32, #tpu.memory_space<vmem>>)
      %scan3A_821 = arith.constant 0 : i32
      %scan3A_822 = arith.constant 100 : i32
      %scan3A_823 = arith.addi %scan3A_821, %scan3A_822 : i32
      %scan3A_824 = arith.constant 1 : i32
      %scan3A_825:17 = scf.for %scan3A_1161 = %scan3A_821 to %scan3A_823 step %scan3A_824 iter_args(%scan3A_1162 = %broadcast_in_dim3A_185, %scan3A_1163 = %broadcast_in_dim3A_185, %scan3A_1164 = %broadcast_in_dim3A_185, %scan3A_1165 = %broadcast_in_dim3A_185, %scan3A_1166 = %broadcast_in_dim3A_185, %scan3A_1167 = %broadcast_in_dim3A_185, %scan3A_1168 = %broadcast_in_dim3A_185, %scan3A_1169 = %broadcast_in_dim3A_185, %scan3A_1170 = %broadcast_in_dim3A_185, %scan3A_1171 = %broadcast_in_dim3A_185, %scan3A_1172 = %broadcast_in_dim3A_185, %scan3A_1173 = %broadcast_in_dim3A_185, %scan3A_1174 = %broadcast_in_dim3A_185, %scan3A_1175 = %broadcast_in_dim3A_185, %scan3A_1176 = %broadcast_in_dim3A_185, %scan3A_1177 = %broadcast_in_dim3A_185, %scan3A_1178 = %broadcast_in_dim3A_185) -> (vector<16xf32>, vector<16xf32>, vector<16xf32>, vector<16xf32>, vector<16xf32>, vector<16xf32>, vector<16xf32>, vector<16xf32>, vector<16xf32>, vector<16xf32>, vector<16xf32>, vector<16xf32>, vector<16xf32>, vector<16xf32>, vector<16xf32>, vector<16xf32>, vector<16xf32>)  : i32 {
        %get3A_1179 = arith.index_cast %scan3A_1161 : i32 to index
        %get3A_1180 = arith.constant 0 : index
        %get3A_1181 = tpu.vector_load %arg15[%get3A_1179, %get3A_1180] {strides = array<i32>} : memref<104x128xbf16, #tpu.memory_space<vmem>>, vector<32xbf16>,
        %unpack3A = tpu.unpack_subelements %get3A_1181, 0 {pack_format = #tpu.pack_format<interleaved>} : vector<32xbf16> -> vector<16xf32>
        %unpack3A_1182 = tpu.unpack_subelements %get3A_1181, 1 {pack_format = #tpu.pack_format<interleaved>} : vector<32xbf16> -> vector<16xf32>
        %add3A_1183 = arith.addf %scan3A_1162, %unpack3A : vector<16xf32>
        %mul3A_1184 = arith.mulf %unpack3A, %unpack3A : vector<16xf32>
        %add3A_1185 = arith.addf %scan3A_1170, %mul3A_1184 : vector<16xf32>
        %add3A_1186 = arith.addf %scan3A_1163, %unpack3A_1182 : vector<16xf32>
        %mul3A_1187 = arith.mulf %unpack3A_1182, %unpack3A_1182 : vector<16xf32>
        %add3A_1188 = arith.addf %scan3A_1171, %mul3A_1187 : vector<16xf32>
        %get3A_1189 = arith.index_cast %scan3A_1161 : i32 to index
        %get3A_1190 = arith.constant 32 : index
        %get3A_1191 = tpu.vector_load %arg15[%get3A_1189, %get3A_1190] {strides = array<i32>} : memref<104x128xbf16, #tpu.memory_space<vmem>>, vector<32xbf16>,
        %unpack3A_1192 = tpu.unpack_subelements %get3A_1191, 0 {pack_format = #tpu.pack_format<interleaved>} : vector<32xbf16> -> vector<16xf32>
        %unpack3A_1193 = tpu.unpack_subelements %get3A_1191, 1 {pack_format = #tpu.pack_format<interleaved>} : vector<32xbf16> -> vector<16xf32>
        %add3A_1194 = arith.addf %scan3A_1164, %unpack3A_1192 : vector<16xf32>
        %mul3A_1195 = arith.mulf %unpack3A_1192, %unpack3A_1192 : vector<16xf32>
        %add3A_1196 = arith.addf %scan3A_1172, %mul3A_1195 : vector<16xf32>
        %add3A_1197 = arith.addf %scan3A_1165, %unpack3A_1193 : vector<16xf32>
        %mul3A_1198 = arith.mulf %unpack3A_1193, %unpack3A_1193 : vector<16xf32>
        %add3A_1199 = arith.addf %scan3A_1173, %mul3A_1198 : vector<16xf32>
        %get3A_1200 = arith.index_cast %scan3A_1161 : i32 to index
        %get3A_1201 = arith.constant 64 : index
        %get3A_1202 = tpu.vector_load %arg15[%get3A_1200, %get3A_1201] {strides = array<i32>} : memref<104x128xbf16, #tpu.memory_space<vmem>>, vector<32xbf16>,
        %unpack3A_1203 = tpu.unpack_subelements %get3A_1202, 0 {pack_format = #tpu.pack_format<interleaved>} : vector<32xbf16> -> vector<16xf32>
        %unpack3A_1204 = tpu.unpack_subelements %get3A_1202, 1 {pack_format = #tpu.pack_format<interleaved>} : vector<32xbf16> -> vector<16xf32>
        %add3A_1205 = arith.addf %scan3A_1166, %unpack3A_1203 : vector<16xf32>
        %mul3A_1206 = arith.mulf %unpack3A_1203, %unpack3A_1203 : vector<16xf32>
        %add3A_1207 = arith.addf %scan3A_1174, %mul3A_1206 : vector<16xf32>
        %add3A_1208 = arith.addf %scan3A_1167, %unpack3A_1204 : vector<16xf32>
        %mul3A_1209 = arith.mulf %unpack3A_1204, %unpack3A_1204 : vector<16xf32>
        %add3A_1210 = arith.addf %scan3A_1175, %mul3A_1209 : vector<16xf32>
        %get3A_1211 = arith.index_cast %scan3A_1161 : i32 to index
        %get3A_1212 = arith.constant 96 : index
        %get3A_1213 = tpu.vector_load %arg15[%get3A_1211, %get3A_1212] {strides = array<i32>} : memref<104x128xbf16, #tpu.memory_space<vmem>>, vector<32xbf16>,
        %unpack3A_1214 = tpu.unpack_subelements %get3A_1213, 0 {pack_format = #tpu.pack_format<interleaved>} : vector<32xbf16> -> vector<16xf32>
        %unpack3A_1215 = tpu.unpack_subelements %get3A_1213, 1 {pack_format = #tpu.pack_format<interleaved>} : vector<32xbf16> -> vector<16xf32>
        %add3A_1216 = arith.addf %scan3A_1168, %unpack3A_1214 : vector<16xf32>
        %mul3A_1217 = arith.mulf %unpack3A_1214, %unpack3A_1214 : vector<16xf32>
        %add3A_1218 = arith.addf %scan3A_1176, %mul3A_1217 : vector<16xf32>
        %add3A_1219 = arith.addf %scan3A_1169, %unpack3A_1215 : vector<16xf32>
        %mul3A_1220 = arith.mulf %unpack3A_1215, %unpack3A_1215 : vector<16xf32>
        %add3A_1221 = arith.addf %scan3A_1177, %mul3A_1220 : vector<16xf32>
        %get3A_1222 = arith.index_cast %scan3A_1161 : i32 to index
        %get3A_1223 = arith.constant 0 : index
        %get3A_1224 = tpu.vector_load %arg23[%get3A_1222, %get3A_1223] {strides = array<i32>} : memref<104x16xf32, #tpu.memory_space<vmem>>, vector<16xf32>,
        %add3A_1225 = arith.addf %scan3A_1178, %get3A_1224 : vector<16xf32>
        scf.yield %add3A_1183, %add3A_1186, %add3A_1194, %add3A_1197, %add3A_1205, %add3A_1208, %add3A_1216, %add3A_1219, %add3A_1185, %add3A_1188, %add3A_1196, %add3A_1199, %add3A_1207, %add3A_1210, %add3A_1218, %add3A_1221, %add3A_1225 : vector<16xf32>, vector<16xf32>, vector<16xf32>, vector<16xf32>, vector<16xf32>, vector<16xf32>, vector<16xf32>, vector<16xf32>, vector<16xf32>, vector<16xf32>, vector<16xf32>, vector<16xf32>, vector<16xf32>, vector<16xf32>, vector<16xf32>, vector<16xf32>, vector<16xf32>
      }
      %scan3A_826 = arith.constant 100 : i32
      %mul3A_827 = arith.mulf %scan3A_825#0, %scan3A_825#0 : vector<16xf32>
      %sub3A_828 = arith.subf %mul3A_827, %scan3A_825#8 : vector<16xf32>
      %add3A_829 = arith.addf %broadcast_in_dim3A_185, %sub3A_828 : vector<16xf32>
      %mul3A_830 = arith.mulf %scan3A_825#1, %scan3A_825#1 : vector<16xf32>
      %sub3A_831 = arith.subf %mul3A_830, %scan3A_825#9 : vector<16xf32>
      %add3A_832 = arith.addf %add3A_829, %sub3A_831 : vector<16xf32>
      %mul3A_833 = arith.mulf %scan3A_825#2, %scan3A_825#2 : vector<16xf32>
      %sub3A_834 = arith.subf %mul3A_833, %scan3A_825#10 : vector<16xf32>
      %add3A_835 = arith.addf %add3A_832, %sub3A_834 : vector<16xf32>
      %mul3A_836 = arith.mulf %scan3A_825#3, %scan3A_825#3 : vector<16xf32>
      %sub3A_837 = arith.subf %mul3A_836, %scan3A_825#11 : vector<16xf32>
      %add3A_838 = arith.addf %add3A_835, %sub3A_837 : vector<16xf32>
      %mul3A_839 = arith.mulf %scan3A_825#4, %scan3A_825#4 : vector<16xf32>
      %sub3A_840 = arith.subf %mul3A_839, %scan3A_825#12 : vector<16xf32>
      %add3A_841 = arith.addf %add3A_838, %sub3A_840 : vector<16xf32>
      %mul3A_842 = arith.mulf %scan3A_825#5, %scan3A_825#5 : vector<16xf32>
      %sub3A_843 = arith.subf %mul3A_842, %scan3A_825#13 : vector<16xf32>
      %add3A_844 = arith.addf %add3A_841, %sub3A_843 : vector<16xf32>
      %mul3A_845 = arith.mulf %scan3A_825#6, %scan3A_825#6 : vector<16xf32>
      %sub3A_846 = arith.subf %mul3A_845, %scan3A_825#14 : vector<16xf32>
      %add3A_847 = arith.addf %add3A_844, %sub3A_846 : vector<16xf32>
      %mul3A_848 = arith.mulf %scan3A_825#7, %scan3A_825#7 : vector<16xf32>
      %sub3A_849 = arith.subf %mul3A_848, %scan3A_825#15 : vector<16xf32>
      %add3A_850 = arith.addf %add3A_847, %sub3A_849 : vector<16xf32>
      %mul3A_851 = arith.constant 5.000000e-01 : f32
      %mul3A_852 = vector.broadcast %mul3A_851 : f32 to vector<16xf32>
      %mul3A_853 = arith.mulf %mul3A_852, %add3A_850 : vector<16xf32>
      %add3A_854 = arith.addf %mul3A_853, %scan3A_825#16 : vector<16xf32>
      %slice3A_855 = vector.extract_strided_slice %add3A_854 {offsets = [0], sizes = [1], strides = [1]} : vector<16xf32> to vector<1xf32>
      %squeeze3A_856 = vector.extract %slice3A_855[0] : f32 from vector<1xf32>
      %add3A_857 = arith.addf %squeeze3A, %squeeze3A_856 : f32
      %slice3A_858 = vector.extract_strided_slice %add3A_854 {offsets = [1], sizes = [1], strides = [1]} : vector<16xf32> to vector<1xf32>
      %squeeze3A_859 = vector.extract %slice3A_858[0] : f32 from vector<1xf32>
      %add3A_860 = arith.addf %add3A_857, %squeeze3A_859 : f32
      %slice3A_861 = vector.extract_strided_slice %add3A_854 {offsets = [2], sizes = [1], strides = [1]} : vector<16xf32> to vector<1xf32>
      %squeeze3A_862 = vector.extract %slice3A_861[0] : f32 from vector<1xf32>
      %add3A_863 = arith.addf %add3A_860, %squeeze3A_862 : f32
      %slice3A_864 = vector.extract_strided_slice %add3A_854 {offsets = [3], sizes = [1], strides = [1]} : vector<16xf32> to vector<1xf32>
      %squeeze3A_865 = vector.extract %slice3A_864[0] : f32 from vector<1xf32>
      %add3A_866 = arith.addf %add3A_863, %squeeze3A_865 : f32
      %slice3A_867 = vector.extract_strided_slice %add3A_854 {offsets = [4], sizes = [1], strides = [1]} : vector<16xf32> to vector<1xf32>
      %squeeze3A_868 = vector.extract %slice3A_867[0] : f32 from vector<1xf32>
      %add3A_869 = arith.addf %add3A_866, %squeeze3A_868 : f32
      %slice3A_870 = vector.extract_strided_slice %add3A_854 {offsets = [5], sizes = [1], strides = [1]} : vector<16xf32> to vector<1xf32>
      %squeeze3A_871 = vector.extract %slice3A_870[0] : f32 from vector<1xf32>
      %add3A_872 = arith.addf %add3A_869, %squeeze3A_871 : f32
      %slice3A_873 = vector.extract_strided_slice %add3A_854 {offsets = [6], sizes = [1], strides = [1]} : vector<16xf32> to vector<1xf32>
      %squeeze3A_874 = vector.extract %slice3A_873[0] : f32 from vector<1xf32>
      %add3A_875 = arith.addf %add3A_872, %squeeze3A_874 : f32
      %slice3A_876 = vector.extract_strided_slice %add3A_854 {offsets = [7], sizes = [1], strides = [1]} : vector<16xf32> to vector<1xf32>
      %squeeze3A_877 = vector.extract %slice3A_876[0] : f32 from vector<1xf32>
      %add3A_878 = arith.addf %add3A_875, %squeeze3A_877 : f32
      %slice3A_879 = vector.extract_strided_slice %add3A_854 {offsets = [8], sizes = [1], strides = [1]} : vector<16xf32> to vector<1xf32>
      %squeeze3A_880 = vector.extract %slice3A_879[0] : f32 from vector<1xf32>
      %add3A_881 = arith.addf %add3A_878, %squeeze3A_880 : f32
      %slice3A_882 = vector.extract_strided_slice %add3A_854 {offsets = [9], sizes = [1], strides = [1]} : vector<16xf32> to vector<1xf32>
      %squeeze3A_883 = vector.extract %slice3A_882[0] : f32 from vector<1xf32>
      %add3A_884 = arith.addf %add3A_881, %squeeze3A_883 : f32
      %slice3A_885 = vector.extract_strided_slice %add3A_854 {offsets = [10], sizes = [1], strides = [1]} : vector<16xf32> to vector<1xf32>
      %squeeze3A_886 = vector.extract %slice3A_885[0] : f32 from vector<1xf32>
      %add3A_887 = arith.addf %add3A_884, %squeeze3A_886 : f32
      %slice3A_888 = vector.extract_strided_slice %add3A_854 {offsets = [11], sizes = [1], strides = [1]} : vector<16xf32> to vector<1xf32>
      %squeeze3A_889 = vector.extract %slice3A_888[0] : f32 from vector<1xf32>
      %add3A_890 = arith.addf %add3A_887, %squeeze3A_889 : f32
      %slice3A_891 = vector.extract_strided_slice %add3A_854 {offsets = [12], sizes = [1], strides = [1]} : vector<16xf32> to vector<1xf32>
      %squeeze3A_892 = vector.extract %slice3A_891[0] : f32 from vector<1xf32>
      %add3A_893 = arith.addf %add3A_890, %squeeze3A_892 : f32
      %slice3A_894 = vector.extract_strided_slice %add3A_854 {offsets = [13], sizes = [1], strides = [1]} : vector<16xf32> to vector<1xf32>
      %squeeze3A_895 = vector.extract %slice3A_894[0] : f32 from vector<1xf32>
      %add3A_896 = arith.addf %add3A_893, %squeeze3A_895 : f32
      %slice3A_897 = vector.extract_strided_slice %add3A_854 {offsets = [14], sizes = [1], strides = [1]} : vector<16xf32> to vector<1xf32>
      %squeeze3A_898 = vector.extract %slice3A_897[0] : f32 from vector<1xf32>
      %add3A_899 = arith.addf %add3A_896, %squeeze3A_898 : f32
      %slice3A_900 = vector.extract_strided_slice %add3A_854 {offsets = [15], sizes = [1], strides = [1]} : vector<16xf32> to vector<1xf32>
      %squeeze3A_901 = vector.extract %slice3A_900[0] : f32 from vector<1xf32>
      %add3A_902 = arith.addf %add3A_899, %squeeze3A_901 : f32
      %rem3A_903 = arith.constant 16 : i32
      %rem3A_904 = arith.remsi %add3A_799, %rem3A_903 : i32
      %eq3A_905 = vector.broadcast %rem3A_904 : i32 to vector<16xi32>
      %eq3A_906 = arith.cmpi eq, %iota3A, %eq3A_905 : vector<16xi32>
      %broadcast_in_dim3A_907 = vector.broadcast %add3A_902 : f32 to vector<16xf32>
      %select_n3A_908 = arith.select %eq3A_906, %broadcast_in_dim3A_907, %select_n3A_788 : vector<16xi1>, vector<16xf32>
      %add3A_909 = arith.constant 8 : i32
      %add3A_910 = arith.addi %add3A_799, %add3A_909 : i32
      %lt3A_911 = arith.constant 512 : i32
      %lt3A_912 = arith.cmpi slt, %add3A_910, %lt3A_911 : i32
      %convert_element_type3A_913 = arith.extui %lt3A_912 : i1 to i32
      %cond3A_914 = arith.constant 0 : i32
      %cond3A_915 = arith.cmpi ne, %convert_element_type3A_913, %cond3A_914 : i32
      scf.if %cond3A_915 {
        %shift_right_logical3A_1161 = arith.constant 5 : i32
        %shift_right_logical3A_1162 = arith.shrui %add3A_910, %shift_right_logical3A_1161 : i32
        %and3A_1163 = arith.constant 1 : i32
        %and3A_1164 = arith.andi %shift_right_logical3A_1162, %and3A_1163 : i32
        %mul3A_1165 = arith.constant 32 : i32
        %mul3A_1166 = arith.muli %and3A_1164, %mul3A_1165 : i32
        %and3A_1167 = arith.constant 31 : i32
        %and3A_1168 = arith.andi %add3A_910, %and3A_1167 : i32
        %add3A_1169 = arith.addi %mul3A_1166, %and3A_1168 : i32
        %dma_start3A_1170 = arith.constant 0 : i32
        %dma_start3A_1171 = tpu.memref_slice %arg7[%add3A_1169, %dma_start3A_1170] : memref<64x104xi32, #tpu.memory_space<vmem>> -> memref<1x104xi32, #tpu.memory_space<vmem>>
        %dma_start3A_1172 = tpu.memref_squeeze %dma_start3A_1171 : memref<1x104xi32, #tpu.memory_space<vmem>> -> memref<104xi32, #tpu.memory_space<vmem>>
        %dma_start3A_1173 = arith.constant 0 : i32
        %dma_start3A_1174 = arith.constant 0 : i32
        %dma_start3A_1175 = tpu.memref_slice %arg3[%dma_start3A_1173, %dma_start3A_1174] : memref<100001x128xbf16, #tpu.memory_space<hbm>> -> memref<100001x128xbf16, #tpu.memory_space<hbm>>
        tpu.enqueue_indirect_dma source(%dma_start3A_1175 : memref<100001x128xbf16, #tpu.memory_space<hbm>>) target(%arg15 : memref<104x128xbf16, #tpu.memory_space<vmem>>) offsets(%dma_start3A_1172 : memref<104xi32, #tpu.memory_space<vmem>>) semaphore(%arg31 : memref<!tpu.dma_semaphore, #tpu.memory_space<semaphore_mem>>)
        %dma_start3A_1176 = arith.constant 0 : i32
        %dma_start3A_1177 = tpu.memref_slice %arg7[%add3A_1169, %dma_start3A_1176] : memref<64x104xi32, #tpu.memory_space<vmem>> -> memref<1x104xi32, #tpu.memory_space<vmem>>
        %dma_start3A_1178 = tpu.memref_squeeze %dma_start3A_1177 : memref<1x104xi32, #tpu.memory_space<vmem>> -> memref<104xi32, #tpu.memory_space<vmem>>
        %dma_start3A_1179 = arith.constant 0 : i32
        %dma_start3A_1180 = arith.constant 0 : i32
        %dma_start3A_1181 = tpu.memref_slice %arg4[%dma_start3A_1179, %dma_start3A_1180] : memref<100001x16xf32, #tpu.memory_space<hbm>> -> memref<100001x16xf32, #tpu.memory_space<hbm>>
        tpu.enqueue_indirect_dma source(%dma_start3A_1181 : memref<100001x16xf32, #tpu.memory_space<hbm>>) target(%arg23 : memref<104x16xf32, #tpu.memory_space<vmem>>) offsets(%dma_start3A_1178 : memref<104xi32, #tpu.memory_space<vmem>>) semaphore(%arg39 : memref<!tpu.dma_semaphore, #tpu.memory_space<semaphore_mem>>)
      } else {
      }
      %mul3A_916 = arith.constant 8 : i32
      %mul3A_917 = arith.muli %scan3A_191, %mul3A_916 : i32
      %add3A_918 = arith.constant 6 : i32
      %add3A_919 = arith.addi %mul3A_917, %add3A_918 : i32
      %shift_right_logical3A_920 = arith.constant 5 : i32
      %shift_right_logical3A_921 = arith.shrui %add3A_919, %shift_right_logical3A_920 : i32
      %and3A_922 = arith.constant 1 : i32
      %and3A_923 = arith.andi %shift_right_logical3A_921, %and3A_922 : i32
      %mul3A_924 = arith.constant 32 : i32
      %mul3A_925 = arith.muli %and3A_923, %mul3A_924 : i32
      %and3A_926 = arith.constant 31 : i32
      %and3A_927 = arith.andi %add3A_919, %and3A_926 : i32
      %add3A_928 = arith.addi %mul3A_925, %and3A_927 : i32
      %dma_wait3A_929 = arith.constant 0 : i32
      %dma_wait3A_930 = tpu.memref_slice %arg7[%add3A_928, %dma_wait3A_929] : memref<64x104xi32, #tpu.memory_space<vmem>> -> memref<1x104xi32, #tpu.memory_space<vmem>>
      %dma_wait3A_931 = tpu.memref_squeeze %dma_wait3A_930 : memref<1x104xi32, #tpu.memory_space<vmem>> -> memref<104xi32, #tpu.memory_space<vmem>>
      %dma_wait3A_932 = arith.constant 0 : i32
      %dma_wait3A_933 = arith.constant 0 : i32
      %dma_wait3A_934 = tpu.memref_slice %arg3[%dma_wait3A_932, %dma_wait3A_933] : memref<100001x128xbf16, #tpu.memory_space<hbm>> -> memref<100001x128xbf16, #tpu.memory_space<hbm>>
      tpu.wait_indirect_dma semaphore(%arg32 : memref<!tpu.dma_semaphore, #tpu.memory_space<semaphore_mem>>) src(%dma_wait3A_934 : memref<100001x128xbf16, #tpu.memory_space<hbm>>) dst(%arg16 : memref<104x128xbf16, #tpu.memory_space<vmem>>)
      %dma_wait3A_935 = arith.constant 0 : i32
      %dma_wait3A_936 = tpu.memref_slice %arg7[%add3A_928, %dma_wait3A_935] : memref<64x104xi32, #tpu.memory_space<vmem>> -> memref<1x104xi32, #tpu.memory_space<vmem>>
      %dma_wait3A_937 = tpu.memref_squeeze %dma_wait3A_936 : memref<1x104xi32, #tpu.memory_space<vmem>> -> memref<104xi32, #tpu.memory_space<vmem>>
      %dma_wait3A_938 = arith.constant 0 : i32
      %dma_wait3A_939 = arith.constant 0 : i32
      %dma_wait3A_940 = tpu.memref_slice %arg4[%dma_wait3A_938, %dma_wait3A_939] : memref<100001x16xf32, #tpu.memory_space<hbm>> -> memref<100001x16xf32, #tpu.memory_space<hbm>>
      tpu.wait_indirect_dma semaphore(%arg40 : memref<!tpu.dma_semaphore, #tpu.memory_space<semaphore_mem>>) src(%dma_wait3A_940 : memref<100001x16xf32, #tpu.memory_space<hbm>>) dst(%arg24 : memref<104x16xf32, #tpu.memory_space<vmem>>)
      %scan3A_941 = arith.constant 0 : i32
      %scan3A_942 = arith.constant 100 : i32
      %scan3A_943 = arith.addi %scan3A_941, %scan3A_942 : i32
      %scan3A_944 = arith.constant 1 : i32
      %scan3A_945:17 = scf.for %scan3A_1161 = %scan3A_941 to %scan3A_943 step %scan3A_944 iter_args(%scan3A_1162 = %broadcast_in_dim3A_185, %scan3A_1163 = %broadcast_in_dim3A_185, %scan3A_1164 = %broadcast_in_dim3A_185, %scan3A_1165 = %broadcast_in_dim3A_185, %scan3A_1166 = %broadcast_in_dim3A_185, %scan3A_1167 = %broadcast_in_dim3A_185, %scan3A_1168 = %broadcast_in_dim3A_185, %scan3A_1169 = %broadcast_in_dim3A_185, %scan3A_1170 = %broadcast_in_dim3A_185, %scan3A_1171 = %broadcast_in_dim3A_185, %scan3A_1172 = %broadcast_in_dim3A_185, %scan3A_1173 = %broadcast_in_dim3A_185, %scan3A_1174 = %broadcast_in_dim3A_185, %scan3A_1175 = %broadcast_in_dim3A_185, %scan3A_1176 = %broadcast_in_dim3A_185, %scan3A_1177 = %broadcast_in_dim3A_185, %scan3A_1178 = %broadcast_in_dim3A_185) -> (vector<16xf32>, vector<16xf32>, vector<16xf32>, vector<16xf32>, vector<16xf32>, vector<16xf32>, vector<16xf32>, vector<16xf32>, vector<16xf32>, vector<16xf32>, vector<16xf32>, vector<16xf32>, vector<16xf32>, vector<16xf32>, vector<16xf32>, vector<16xf32>, vector<16xf32>)  : i32 {
        %get3A_1179 = arith.index_cast %scan3A_1161 : i32 to index
        %get3A_1180 = arith.constant 0 : index
        %get3A_1181 = tpu.vector_load %arg16[%get3A_1179, %get3A_1180] {strides = array<i32>} : memref<104x128xbf16, #tpu.memory_space<vmem>>, vector<32xbf16>,
        %unpack3A = tpu.unpack_subelements %get3A_1181, 0 {pack_format = #tpu.pack_format<interleaved>} : vector<32xbf16> -> vector<16xf32>
        %unpack3A_1182 = tpu.unpack_subelements %get3A_1181, 1 {pack_format = #tpu.pack_format<interleaved>} : vector<32xbf16> -> vector<16xf32>
        %add3A_1183 = arith.addf %scan3A_1162, %unpack3A : vector<16xf32>
        %mul3A_1184 = arith.mulf %unpack3A, %unpack3A : vector<16xf32>
        %add3A_1185 = arith.addf %scan3A_1170, %mul3A_1184 : vector<16xf32>
        %add3A_1186 = arith.addf %scan3A_1163, %unpack3A_1182 : vector<16xf32>
        %mul3A_1187 = arith.mulf %unpack3A_1182, %unpack3A_1182 : vector<16xf32>
        %add3A_1188 = arith.addf %scan3A_1171, %mul3A_1187 : vector<16xf32>
        %get3A_1189 = arith.index_cast %scan3A_1161 : i32 to index
        %get3A_1190 = arith.constant 32 : index
        %get3A_1191 = tpu.vector_load %arg16[%get3A_1189, %get3A_1190] {strides = array<i32>} : memref<104x128xbf16, #tpu.memory_space<vmem>>, vector<32xbf16>,
        %unpack3A_1192 = tpu.unpack_subelements %get3A_1191, 0 {pack_format = #tpu.pack_format<interleaved>} : vector<32xbf16> -> vector<16xf32>
        %unpack3A_1193 = tpu.unpack_subelements %get3A_1191, 1 {pack_format = #tpu.pack_format<interleaved>} : vector<32xbf16> -> vector<16xf32>
        %add3A_1194 = arith.addf %scan3A_1164, %unpack3A_1192 : vector<16xf32>
        %mul3A_1195 = arith.mulf %unpack3A_1192, %unpack3A_1192 : vector<16xf32>
        %add3A_1196 = arith.addf %scan3A_1172, %mul3A_1195 : vector<16xf32>
        %add3A_1197 = arith.addf %scan3A_1165, %unpack3A_1193 : vector<16xf32>
        %mul3A_1198 = arith.mulf %unpack3A_1193, %unpack3A_1193 : vector<16xf32>
        %add3A_1199 = arith.addf %scan3A_1173, %mul3A_1198 : vector<16xf32>
        %get3A_1200 = arith.index_cast %scan3A_1161 : i32 to index
        %get3A_1201 = arith.constant 64 : index
        %get3A_1202 = tpu.vector_load %arg16[%get3A_1200, %get3A_1201] {strides = array<i32>} : memref<104x128xbf16, #tpu.memory_space<vmem>>, vector<32xbf16>,
        %unpack3A_1203 = tpu.unpack_subelements %get3A_1202, 0 {pack_format = #tpu.pack_format<interleaved>} : vector<32xbf16> -> vector<16xf32>
        %unpack3A_1204 = tpu.unpack_subelements %get3A_1202, 1 {pack_format = #tpu.pack_format<interleaved>} : vector<32xbf16> -> vector<16xf32>
        %add3A_1205 = arith.addf %scan3A_1166, %unpack3A_1203 : vector<16xf32>
        %mul3A_1206 = arith.mulf %unpack3A_1203, %unpack3A_1203 : vector<16xf32>
        %add3A_1207 = arith.addf %scan3A_1174, %mul3A_1206 : vector<16xf32>
        %add3A_1208 = arith.addf %scan3A_1167, %unpack3A_1204 : vector<16xf32>
        %mul3A_1209 = arith.mulf %unpack3A_1204, %unpack3A_1204 : vector<16xf32>
        %add3A_1210 = arith.addf %scan3A_1175, %mul3A_1209 : vector<16xf32>
        %get3A_1211 = arith.index_cast %scan3A_1161 : i32 to index
        %get3A_1212 = arith.constant 96 : index
        %get3A_1213 = tpu.vector_load %arg16[%get3A_1211, %get3A_1212] {strides = array<i32>} : memref<104x128xbf16, #tpu.memory_space<vmem>>, vector<32xbf16>,
        %unpack3A_1214 = tpu.unpack_subelements %get3A_1213, 0 {pack_format = #tpu.pack_format<interleaved>} : vector<32xbf16> -> vector<16xf32>
        %unpack3A_1215 = tpu.unpack_subelements %get3A_1213, 1 {pack_format = #tpu.pack_format<interleaved>} : vector<32xbf16> -> vector<16xf32>
        %add3A_1216 = arith.addf %scan3A_1168, %unpack3A_1214 : vector<16xf32>
        %mul3A_1217 = arith.mulf %unpack3A_1214, %unpack3A_1214 : vector<16xf32>
        %add3A_1218 = arith.addf %scan3A_1176, %mul3A_1217 : vector<16xf32>
        %add3A_1219 = arith.addf %scan3A_1169, %unpack3A_1215 : vector<16xf32>
        %mul3A_1220 = arith.mulf %unpack3A_1215, %unpack3A_1215 : vector<16xf32>
        %add3A_1221 = arith.addf %scan3A_1177, %mul3A_1220 : vector<16xf32>
        %get3A_1222 = arith.index_cast %scan3A_1161 : i32 to index
        %get3A_1223 = arith.constant 0 : index
        %get3A_1224 = tpu.vector_load %arg24[%get3A_1222, %get3A_1223] {strides = array<i32>} : memref<104x16xf32, #tpu.memory_space<vmem>>, vector<16xf32>,
        %add3A_1225 = arith.addf %scan3A_1178, %get3A_1224 : vector<16xf32>
        scf.yield %add3A_1183, %add3A_1186, %add3A_1194, %add3A_1197, %add3A_1205, %add3A_1208, %add3A_1216, %add3A_1219, %add3A_1185, %add3A_1188, %add3A_1196, %add3A_1199, %add3A_1207, %add3A_1210, %add3A_1218, %add3A_1221, %add3A_1225 : vector<16xf32>, vector<16xf32>, vector<16xf32>, vector<16xf32>, vector<16xf32>, vector<16xf32>, vector<16xf32>, vector<16xf32>, vector<16xf32>, vector<16xf32>, vector<16xf32>, vector<16xf32>, vector<16xf32>, vector<16xf32>, vector<16xf32>, vector<16xf32>, vector<16xf32>
      }
      %scan3A_946 = arith.constant 100 : i32
      %mul3A_947 = arith.mulf %scan3A_945#0, %scan3A_945#0 : vector<16xf32>
      %sub3A_948 = arith.subf %mul3A_947, %scan3A_945#8 : vector<16xf32>
      %add3A_949 = arith.addf %broadcast_in_dim3A_185, %sub3A_948 : vector<16xf32>
      %mul3A_950 = arith.mulf %scan3A_945#1, %scan3A_945#1 : vector<16xf32>
      %sub3A_951 = arith.subf %mul3A_950, %scan3A_945#9 : vector<16xf32>
      %add3A_952 = arith.addf %add3A_949, %sub3A_951 : vector<16xf32>
      %mul3A_953 = arith.mulf %scan3A_945#2, %scan3A_945#2 : vector<16xf32>
      %sub3A_954 = arith.subf %mul3A_953, %scan3A_945#10 : vector<16xf32>
      %add3A_955 = arith.addf %add3A_952, %sub3A_954 : vector<16xf32>
      %mul3A_956 = arith.mulf %scan3A_945#3, %scan3A_945#3 : vector<16xf32>
      %sub3A_957 = arith.subf %mul3A_956, %scan3A_945#11 : vector<16xf32>
      %add3A_958 = arith.addf %add3A_955, %sub3A_957 : vector<16xf32>
      %mul3A_959 = arith.mulf %scan3A_945#4, %scan3A_945#4 : vector<16xf32>
      %sub3A_960 = arith.subf %mul3A_959, %scan3A_945#12 : vector<16xf32>
      %add3A_961 = arith.addf %add3A_958, %sub3A_960 : vector<16xf32>
      %mul3A_962 = arith.mulf %scan3A_945#5, %scan3A_945#5 : vector<16xf32>
      %sub3A_963 = arith.subf %mul3A_962, %scan3A_945#13 : vector<16xf32>
      %add3A_964 = arith.addf %add3A_961, %sub3A_963 : vector<16xf32>
      %mul3A_965 = arith.mulf %scan3A_945#6, %scan3A_945#6 : vector<16xf32>
      %sub3A_966 = arith.subf %mul3A_965, %scan3A_945#14 : vector<16xf32>
      %add3A_967 = arith.addf %add3A_964, %sub3A_966 : vector<16xf32>
      %mul3A_968 = arith.mulf %scan3A_945#7, %scan3A_945#7 : vector<16xf32>
      %sub3A_969 = arith.subf %mul3A_968, %scan3A_945#15 : vector<16xf32>
      %add3A_970 = arith.addf %add3A_967, %sub3A_969 : vector<16xf32>
      %mul3A_971 = arith.constant 5.000000e-01 : f32
      %mul3A_972 = vector.broadcast %mul3A_971 : f32 to vector<16xf32>
      %mul3A_973 = arith.mulf %mul3A_972, %add3A_970 : vector<16xf32>
      %add3A_974 = arith.addf %mul3A_973, %scan3A_945#16 : vector<16xf32>
      %slice3A_975 = vector.extract_strided_slice %add3A_974 {offsets = [0], sizes = [1], strides = [1]} : vector<16xf32> to vector<1xf32>
      %squeeze3A_976 = vector.extract %slice3A_975[0] : f32 from vector<1xf32>
      %add3A_977 = arith.addf %squeeze3A, %squeeze3A_976 : f32
      %slice3A_978 = vector.extract_strided_slice %add3A_974 {offsets = [1], sizes = [1], strides = [1]} : vector<16xf32> to vector<1xf32>
      %squeeze3A_979 = vector.extract %slice3A_978[0] : f32 from vector<1xf32>
      %add3A_980 = arith.addf %add3A_977, %squeeze3A_979 : f32
      %slice3A_981 = vector.extract_strided_slice %add3A_974 {offsets = [2], sizes = [1], strides = [1]} : vector<16xf32> to vector<1xf32>
      %squeeze3A_982 = vector.extract %slice3A_981[0] : f32 from vector<1xf32>
      %add3A_983 = arith.addf %add3A_980, %squeeze3A_982 : f32
      %slice3A_984 = vector.extract_strided_slice %add3A_974 {offsets = [3], sizes = [1], strides = [1]} : vector<16xf32> to vector<1xf32>
      %squeeze3A_985 = vector.extract %slice3A_984[0] : f32 from vector<1xf32>
      %add3A_986 = arith.addf %add3A_983, %squeeze3A_985 : f32
      %slice3A_987 = vector.extract_strided_slice %add3A_974 {offsets = [4], sizes = [1], strides = [1]} : vector<16xf32> to vector<1xf32>
      %squeeze3A_988 = vector.extract %slice3A_987[0] : f32 from vector<1xf32>
      %add3A_989 = arith.addf %add3A_986, %squeeze3A_988 : f32
      %slice3A_990 = vector.extract_strided_slice %add3A_974 {offsets = [5], sizes = [1], strides = [1]} : vector<16xf32> to vector<1xf32>
      %squeeze3A_991 = vector.extract %slice3A_990[0] : f32 from vector<1xf32>
      %add3A_992 = arith.addf %add3A_989, %squeeze3A_991 : f32
      %slice3A_993 = vector.extract_strided_slice %add3A_974 {offsets = [6], sizes = [1], strides = [1]} : vector<16xf32> to vector<1xf32>
      %squeeze3A_994 = vector.extract %slice3A_993[0] : f32 from vector<1xf32>
      %add3A_995 = arith.addf %add3A_992, %squeeze3A_994 : f32
      %slice3A_996 = vector.extract_strided_slice %add3A_974 {offsets = [7], sizes = [1], strides = [1]} : vector<16xf32> to vector<1xf32>
      %squeeze3A_997 = vector.extract %slice3A_996[0] : f32 from vector<1xf32>
      %add3A_998 = arith.addf %add3A_995, %squeeze3A_997 : f32
      %slice3A_999 = vector.extract_strided_slice %add3A_974 {offsets = [8], sizes = [1], strides = [1]} : vector<16xf32> to vector<1xf32>
      %squeeze3A_1000 = vector.extract %slice3A_999[0] : f32 from vector<1xf32>
      %add3A_1001 = arith.addf %add3A_998, %squeeze3A_1000 : f32
      %slice3A_1002 = vector.extract_strided_slice %add3A_974 {offsets = [9], sizes = [1], strides = [1]} : vector<16xf32> to vector<1xf32>
      %squeeze3A_1003 = vector.extract %slice3A_1002[0] : f32 from vector<1xf32>
      %add3A_1004 = arith.addf %add3A_1001, %squeeze3A_1003 : f32
      %slice3A_1005 = vector.extract_strided_slice %add3A_974 {offsets = [10], sizes = [1], strides = [1]} : vector<16xf32> to vector<1xf32>
      %squeeze3A_1006 = vector.extract %slice3A_1005[0] : f32 from vector<1xf32>
      %add3A_1007 = arith.addf %add3A_1004, %squeeze3A_1006 : f32
      %slice3A_1008 = vector.extract_strided_slice %add3A_974 {offsets = [11], sizes = [1], strides = [1]} : vector<16xf32> to vector<1xf32>
      %squeeze3A_1009 = vector.extract %slice3A_1008[0] : f32 from vector<1xf32>
      %add3A_1010 = arith.addf %add3A_1007, %squeeze3A_1009 : f32
      %slice3A_1011 = vector.extract_strided_slice %add3A_974 {offsets = [12], sizes = [1], strides = [1]} : vector<16xf32> to vector<1xf32>
      %squeeze3A_1012 = vector.extract %slice3A_1011[0] : f32 from vector<1xf32>
      %add3A_1013 = arith.addf %add3A_1010, %squeeze3A_1012 : f32
      %slice3A_1014 = vector.extract_strided_slice %add3A_974 {offsets = [13], sizes = [1], strides = [1]} : vector<16xf32> to vector<1xf32>
      %squeeze3A_1015 = vector.extract %slice3A_1014[0] : f32 from vector<1xf32>
      %add3A_1016 = arith.addf %add3A_1013, %squeeze3A_1015 : f32
      %slice3A_1017 = vector.extract_strided_slice %add3A_974 {offsets = [14], sizes = [1], strides = [1]} : vector<16xf32> to vector<1xf32>
      %squeeze3A_1018 = vector.extract %slice3A_1017[0] : f32 from vector<1xf32>
      %add3A_1019 = arith.addf %add3A_1016, %squeeze3A_1018 : f32
      %slice3A_1020 = vector.extract_strided_slice %add3A_974 {offsets = [15], sizes = [1], strides = [1]} : vector<16xf32> to vector<1xf32>
      %squeeze3A_1021 = vector.extract %slice3A_1020[0] : f32 from vector<1xf32>
      %add3A_1022 = arith.addf %add3A_1019, %squeeze3A_1021 : f32
      %rem3A_1023 = arith.constant 16 : i32
      %rem3A_1024 = arith.remsi %add3A_919, %rem3A_1023 : i32
      %eq3A_1025 = vector.broadcast %rem3A_1024 : i32 to vector<16xi32>
      %eq3A_1026 = arith.cmpi eq, %iota3A, %eq3A_1025 : vector<16xi32>
      %broadcast_in_dim3A_1027 = vector.broadcast %add3A_1022 : f32 to vector<16xf32>
      %select_n3A_1028 = arith.select %eq3A_1026, %broadcast_in_dim3A_1027, %select_n3A_908 : vector<16xi1>, vector<16xf32>
      %add3A_1029 = arith.constant 8 : i32
      %add3A_1030 = arith.addi %add3A_919, %add3A_1029 : i32
      %lt3A_1031 = arith.constant 512 : i32
      %lt3A_1032 = arith.cmpi slt, %add3A_1030, %lt3A_1031 : i32
      %convert_element_type3A_1033 = arith.extui %lt3A_1032 : i1 to i32
      %cond3A_1034 = arith.constant 0 : i32
      %cond3A_1035 = arith.cmpi ne, %convert_element_type3A_1033, %cond3A_1034 : i32
      scf.if %cond3A_1035 {
        %shift_right_logical3A_1161 = arith.constant 5 : i32
        %shift_right_logical3A_1162 = arith.shrui %add3A_1030, %shift_right_logical3A_1161 : i32
        %and3A_1163 = arith.constant 1 : i32
        %and3A_1164 = arith.andi %shift_right_logical3A_1162, %and3A_1163 : i32
        %mul3A_1165 = arith.constant 32 : i32
        %mul3A_1166 = arith.muli %and3A_1164, %mul3A_1165 : i32
        %and3A_1167 = arith.constant 31 : i32
        %and3A_1168 = arith.andi %add3A_1030, %and3A_1167 : i32
        %add3A_1169 = arith.addi %mul3A_1166, %and3A_1168 : i32
        %dma_start3A_1170 = arith.constant 0 : i32
        %dma_start3A_1171 = tpu.memref_slice %arg7[%add3A_1169, %dma_start3A_1170] : memref<64x104xi32, #tpu.memory_space<vmem>> -> memref<1x104xi32, #tpu.memory_space<vmem>>
        %dma_start3A_1172 = tpu.memref_squeeze %dma_start3A_1171 : memref<1x104xi32, #tpu.memory_space<vmem>> -> memref<104xi32, #tpu.memory_space<vmem>>
        %dma_start3A_1173 = arith.constant 0 : i32
        %dma_start3A_1174 = arith.constant 0 : i32
        %dma_start3A_1175 = tpu.memref_slice %arg3[%dma_start3A_1173, %dma_start3A_1174] : memref<100001x128xbf16, #tpu.memory_space<hbm>> -> memref<100001x128xbf16, #tpu.memory_space<hbm>>
        tpu.enqueue_indirect_dma source(%dma_start3A_1175 : memref<100001x128xbf16, #tpu.memory_space<hbm>>) target(%arg16 : memref<104x128xbf16, #tpu.memory_space<vmem>>) offsets(%dma_start3A_1172 : memref<104xi32, #tpu.memory_space<vmem>>) semaphore(%arg32 : memref<!tpu.dma_semaphore, #tpu.memory_space<semaphore_mem>>)
        %dma_start3A_1176 = arith.constant 0 : i32
        %dma_start3A_1177 = tpu.memref_slice %arg7[%add3A_1169, %dma_start3A_1176] : memref<64x104xi32, #tpu.memory_space<vmem>> -> memref<1x104xi32, #tpu.memory_space<vmem>>
        %dma_start3A_1178 = tpu.memref_squeeze %dma_start3A_1177 : memref<1x104xi32, #tpu.memory_space<vmem>> -> memref<104xi32, #tpu.memory_space<vmem>>
        %dma_start3A_1179 = arith.constant 0 : i32
        %dma_start3A_1180 = arith.constant 0 : i32
        %dma_start3A_1181 = tpu.memref_slice %arg4[%dma_start3A_1179, %dma_start3A_1180] : memref<100001x16xf32, #tpu.memory_space<hbm>> -> memref<100001x16xf32, #tpu.memory_space<hbm>>
        tpu.enqueue_indirect_dma source(%dma_start3A_1181 : memref<100001x16xf32, #tpu.memory_space<hbm>>) target(%arg24 : memref<104x16xf32, #tpu.memory_space<vmem>>) offsets(%dma_start3A_1178 : memref<104xi32, #tpu.memory_space<vmem>>) semaphore(%arg40 : memref<!tpu.dma_semaphore, #tpu.memory_space<semaphore_mem>>)
      } else {
      }
      %mul3A_1036 = arith.constant 8 : i32
      %mul3A_1037 = arith.muli %scan3A_191, %mul3A_1036 : i32
      %add3A_1038 = arith.constant 7 : i32
      %add3A_1039 = arith.addi %mul3A_1037, %add3A_1038 : i32
      %shift_right_logical3A_1040 = arith.constant 5 : i32
      %shift_right_logical3A_1041 = arith.shrui %add3A_1039, %shift_right_logical3A_1040 : i32
      %and3A_1042 = arith.constant 1 : i32
      %and3A_1043 = arith.andi %shift_right_logical3A_1041, %and3A_1042 : i32
      %mul3A_1044 = arith.constant 32 : i32
      %mul3A_1045 = arith.muli %and3A_1043, %mul3A_1044 : i32
      %and3A_1046 = arith.constant 31 : i32
      %and3A_1047 = arith.andi %add3A_1039, %and3A_1046 : i32
      %add3A_1048 = arith.addi %mul3A_1045, %and3A_1047 : i32
      %dma_wait3A_1049 = arith.constant 0 : i32
      %dma_wait3A_1050 = tpu.memref_slice %arg7[%add3A_1048, %dma_wait3A_1049] : memref<64x104xi32, #tpu.memory_space<vmem>> -> memref<1x104xi32, #tpu.memory_space<vmem>>
      %dma_wait3A_1051 = tpu.memref_squeeze %dma_wait3A_1050 : memref<1x104xi32, #tpu.memory_space<vmem>> -> memref<104xi32, #tpu.memory_space<vmem>>
      %dma_wait3A_1052 = arith.constant 0 : i32
      %dma_wait3A_1053 = arith.constant 0 : i32
      %dma_wait3A_1054 = tpu.memref_slice %arg3[%dma_wait3A_1052, %dma_wait3A_1053] : memref<100001x128xbf16, #tpu.memory_space<hbm>> -> memref<100001x128xbf16, #tpu.memory_space<hbm>>
      tpu.wait_indirect_dma semaphore(%arg33 : memref<!tpu.dma_semaphore, #tpu.memory_space<semaphore_mem>>) src(%dma_wait3A_1054 : memref<100001x128xbf16, #tpu.memory_space<hbm>>) dst(%arg17 : memref<104x128xbf16, #tpu.memory_space<vmem>>)
      %dma_wait3A_1055 = arith.constant 0 : i32
      %dma_wait3A_1056 = tpu.memref_slice %arg7[%add3A_1048, %dma_wait3A_1055] : memref<64x104xi32, #tpu.memory_space<vmem>> -> memref<1x104xi32, #tpu.memory_space<vmem>>
      %dma_wait3A_1057 = tpu.memref_squeeze %dma_wait3A_1056 : memref<1x104xi32, #tpu.memory_space<vmem>> -> memref<104xi32, #tpu.memory_space<vmem>>
      %dma_wait3A_1058 = arith.constant 0 : i32
      %dma_wait3A_1059 = arith.constant 0 : i32
      %dma_wait3A_1060 = tpu.memref_slice %arg4[%dma_wait3A_1058, %dma_wait3A_1059] : memref<100001x16xf32, #tpu.memory_space<hbm>> -> memref<100001x16xf32, #tpu.memory_space<hbm>>
      tpu.wait_indirect_dma semaphore(%arg41 : memref<!tpu.dma_semaphore, #tpu.memory_space<semaphore_mem>>) src(%dma_wait3A_1060 : memref<100001x16xf32, #tpu.memory_space<hbm>>) dst(%arg25 : memref<104x16xf32, #tpu.memory_space<vmem>>)
      %scan3A_1061 = arith.constant 0 : i32
      %scan3A_1062 = arith.constant 100 : i32
      %scan3A_1063 = arith.addi %scan3A_1061, %scan3A_1062 : i32
      %scan3A_1064 = arith.constant 1 : i32
      %scan3A_1065:17 = scf.for %scan3A_1161 = %scan3A_1061 to %scan3A_1063 step %scan3A_1064 iter_args(%scan3A_1162 = %broadcast_in_dim3A_185, %scan3A_1163 = %broadcast_in_dim3A_185, %scan3A_1164 = %broadcast_in_dim3A_185, %scan3A_1165 = %broadcast_in_dim3A_185, %scan3A_1166 = %broadcast_in_dim3A_185, %scan3A_1167 = %broadcast_in_dim3A_185, %scan3A_1168 = %broadcast_in_dim3A_185, %scan3A_1169 = %broadcast_in_dim3A_185, %scan3A_1170 = %broadcast_in_dim3A_185, %scan3A_1171 = %broadcast_in_dim3A_185, %scan3A_1172 = %broadcast_in_dim3A_185, %scan3A_1173 = %broadcast_in_dim3A_185, %scan3A_1174 = %broadcast_in_dim3A_185, %scan3A_1175 = %broadcast_in_dim3A_185, %scan3A_1176 = %broadcast_in_dim3A_185, %scan3A_1177 = %broadcast_in_dim3A_185, %scan3A_1178 = %broadcast_in_dim3A_185) -> (vector<16xf32>, vector<16xf32>, vector<16xf32>, vector<16xf32>, vector<16xf32>, vector<16xf32>, vector<16xf32>, vector<16xf32>, vector<16xf32>, vector<16xf32>, vector<16xf32>, vector<16xf32>, vector<16xf32>, vector<16xf32>, vector<16xf32>, vector<16xf32>, vector<16xf32>)  : i32 {
        %get3A_1179 = arith.index_cast %scan3A_1161 : i32 to index
        %get3A_1180 = arith.constant 0 : index
        %get3A_1181 = tpu.vector_load %arg17[%get3A_1179, %get3A_1180] {strides = array<i32>} : memref<104x128xbf16, #tpu.memory_space<vmem>>, vector<32xbf16>,
        %unpack3A = tpu.unpack_subelements %get3A_1181, 0 {pack_format = #tpu.pack_format<interleaved>} : vector<32xbf16> -> vector<16xf32>
        %unpack3A_1182 = tpu.unpack_subelements %get3A_1181, 1 {pack_format = #tpu.pack_format<interleaved>} : vector<32xbf16> -> vector<16xf32>
        %add3A_1183 = arith.addf %scan3A_1162, %unpack3A : vector<16xf32>
        %mul3A_1184 = arith.mulf %unpack3A, %unpack3A : vector<16xf32>
        %add3A_1185 = arith.addf %scan3A_1170, %mul3A_1184 : vector<16xf32>
        %add3A_1186 = arith.addf %scan3A_1163, %unpack3A_1182 : vector<16xf32>
        %mul3A_1187 = arith.mulf %unpack3A_1182, %unpack3A_1182 : vector<16xf32>
        %add3A_1188 = arith.addf %scan3A_1171, %mul3A_1187 : vector<16xf32>
        %get3A_1189 = arith.index_cast %scan3A_1161 : i32 to index
        %get3A_1190 = arith.constant 32 : index
        %get3A_1191 = tpu.vector_load %arg17[%get3A_1189, %get3A_1190] {strides = array<i32>} : memref<104x128xbf16, #tpu.memory_space<vmem>>, vector<32xbf16>,
        %unpack3A_1192 = tpu.unpack_subelements %get3A_1191, 0 {pack_format = #tpu.pack_format<interleaved>} : vector<32xbf16> -> vector<16xf32>
        %unpack3A_1193 = tpu.unpack_subelements %get3A_1191, 1 {pack_format = #tpu.pack_format<interleaved>} : vector<32xbf16> -> vector<16xf32>
        %add3A_1194 = arith.addf %scan3A_1164, %unpack3A_1192 : vector<16xf32>
        %mul3A_1195 = arith.mulf %unpack3A_1192, %unpack3A_1192 : vector<16xf32>
        %add3A_1196 = arith.addf %scan3A_1172, %mul3A_1195 : vector<16xf32>
        %add3A_1197 = arith.addf %scan3A_1165, %unpack3A_1193 : vector<16xf32>
        %mul3A_1198 = arith.mulf %unpack3A_1193, %unpack3A_1193 : vector<16xf32>
        %add3A_1199 = arith.addf %scan3A_1173, %mul3A_1198 : vector<16xf32>
        %get3A_1200 = arith.index_cast %scan3A_1161 : i32 to index
        %get3A_1201 = arith.constant 64 : index
        %get3A_1202 = tpu.vector_load %arg17[%get3A_1200, %get3A_1201] {strides = array<i32>} : memref<104x128xbf16, #tpu.memory_space<vmem>>, vector<32xbf16>,
        %unpack3A_1203 = tpu.unpack_subelements %get3A_1202, 0 {pack_format = #tpu.pack_format<interleaved>} : vector<32xbf16> -> vector<16xf32>
        %unpack3A_1204 = tpu.unpack_subelements %get3A_1202, 1 {pack_format = #tpu.pack_format<interleaved>} : vector<32xbf16> -> vector<16xf32>
        %add3A_1205 = arith.addf %scan3A_1166, %unpack3A_1203 : vector<16xf32>
        %mul3A_1206 = arith.mulf %unpack3A_1203, %unpack3A_1203 : vector<16xf32>
        %add3A_1207 = arith.addf %scan3A_1174, %mul3A_1206 : vector<16xf32>
        %add3A_1208 = arith.addf %scan3A_1167, %unpack3A_1204 : vector<16xf32>
        %mul3A_1209 = arith.mulf %unpack3A_1204, %unpack3A_1204 : vector<16xf32>
        %add3A_1210 = arith.addf %scan3A_1175, %mul3A_1209 : vector<16xf32>
        %get3A_1211 = arith.index_cast %scan3A_1161 : i32 to index
        %get3A_1212 = arith.constant 96 : index
        %get3A_1213 = tpu.vector_load %arg17[%get3A_1211, %get3A_1212] {strides = array<i32>} : memref<104x128xbf16, #tpu.memory_space<vmem>>, vector<32xbf16>,
        %unpack3A_1214 = tpu.unpack_subelements %get3A_1213, 0 {pack_format = #tpu.pack_format<interleaved>} : vector<32xbf16> -> vector<16xf32>
        %unpack3A_1215 = tpu.unpack_subelements %get3A_1213, 1 {pack_format = #tpu.pack_format<interleaved>} : vector<32xbf16> -> vector<16xf32>
        %add3A_1216 = arith.addf %scan3A_1168, %unpack3A_1214 : vector<16xf32>
        %mul3A_1217 = arith.mulf %unpack3A_1214, %unpack3A_1214 : vector<16xf32>
        %add3A_1218 = arith.addf %scan3A_1176, %mul3A_1217 : vector<16xf32>
        %add3A_1219 = arith.addf %scan3A_1169, %unpack3A_1215 : vector<16xf32>
        %mul3A_1220 = arith.mulf %unpack3A_1215, %unpack3A_1215 : vector<16xf32>
        %add3A_1221 = arith.addf %scan3A_1177, %mul3A_1220 : vector<16xf32>
        %get3A_1222 = arith.index_cast %scan3A_1161 : i32 to index
        %get3A_1223 = arith.constant 0 : index
        %get3A_1224 = tpu.vector_load %arg25[%get3A_1222, %get3A_1223] {strides = array<i32>} : memref<104x16xf32, #tpu.memory_space<vmem>>, vector<16xf32>,
        %add3A_1225 = arith.addf %scan3A_1178, %get3A_1224 : vector<16xf32>
        scf.yield %add3A_1183, %add3A_1186, %add3A_1194, %add3A_1197, %add3A_1205, %add3A_1208, %add3A_1216, %add3A_1219, %add3A_1185, %add3A_1188, %add3A_1196, %add3A_1199, %add3A_1207, %add3A_1210, %add3A_1218, %add3A_1221, %add3A_1225 : vector<16xf32>, vector<16xf32>, vector<16xf32>, vector<16xf32>, vector<16xf32>, vector<16xf32>, vector<16xf32>, vector<16xf32>, vector<16xf32>, vector<16xf32>, vector<16xf32>, vector<16xf32>, vector<16xf32>, vector<16xf32>, vector<16xf32>, vector<16xf32>, vector<16xf32>
      }
      %scan3A_1066 = arith.constant 100 : i32
      %mul3A_1067 = arith.mulf %scan3A_1065#0, %scan3A_1065#0 : vector<16xf32>
      %sub3A_1068 = arith.subf %mul3A_1067, %scan3A_1065#8 : vector<16xf32>
      %add3A_1069 = arith.addf %broadcast_in_dim3A_185, %sub3A_1068 : vector<16xf32>
      %mul3A_1070 = arith.mulf %scan3A_1065#1, %scan3A_1065#1 : vector<16xf32>
      %sub3A_1071 = arith.subf %mul3A_1070, %scan3A_1065#9 : vector<16xf32>
      %add3A_1072 = arith.addf %add3A_1069, %sub3A_1071 : vector<16xf32>
      %mul3A_1073 = arith.mulf %scan3A_1065#2, %scan3A_1065#2 : vector<16xf32>
      %sub3A_1074 = arith.subf %mul3A_1073, %scan3A_1065#10 : vector<16xf32>
      %add3A_1075 = arith.addf %add3A_1072, %sub3A_1074 : vector<16xf32>
      %mul3A_1076 = arith.mulf %scan3A_1065#3, %scan3A_1065#3 : vector<16xf32>
      %sub3A_1077 = arith.subf %mul3A_1076, %scan3A_1065#11 : vector<16xf32>
      %add3A_1078 = arith.addf %add3A_1075, %sub3A_1077 : vector<16xf32>
      %mul3A_1079 = arith.mulf %scan3A_1065#4, %scan3A_1065#4 : vector<16xf32>
      %sub3A_1080 = arith.subf %mul3A_1079, %scan3A_1065#12 : vector<16xf32>
      %add3A_1081 = arith.addf %add3A_1078, %sub3A_1080 : vector<16xf32>
      %mul3A_1082 = arith.mulf %scan3A_1065#5, %scan3A_1065#5 : vector<16xf32>
      %sub3A_1083 = arith.subf %mul3A_1082, %scan3A_1065#13 : vector<16xf32>
      %add3A_1084 = arith.addf %add3A_1081, %sub3A_1083 : vector<16xf32>
      %mul3A_1085 = arith.mulf %scan3A_1065#6, %scan3A_1065#6 : vector<16xf32>
      %sub3A_1086 = arith.subf %mul3A_1085, %scan3A_1065#14 : vector<16xf32>
      %add3A_1087 = arith.addf %add3A_1084, %sub3A_1086 : vector<16xf32>
      %mul3A_1088 = arith.mulf %scan3A_1065#7, %scan3A_1065#7 : vector<16xf32>
      %sub3A_1089 = arith.subf %mul3A_1088, %scan3A_1065#15 : vector<16xf32>
      %add3A_1090 = arith.addf %add3A_1087, %sub3A_1089 : vector<16xf32>
      %mul3A_1091 = arith.constant 5.000000e-01 : f32
      %mul3A_1092 = vector.broadcast %mul3A_1091 : f32 to vector<16xf32>
      %mul3A_1093 = arith.mulf %mul3A_1092, %add3A_1090 : vector<16xf32>
      %add3A_1094 = arith.addf %mul3A_1093, %scan3A_1065#16 : vector<16xf32>
      %slice3A_1095 = vector.extract_strided_slice %add3A_1094 {offsets = [0], sizes = [1], strides = [1]} : vector<16xf32> to vector<1xf32>
      %squeeze3A_1096 = vector.extract %slice3A_1095[0] : f32 from vector<1xf32>
      %add3A_1097 = arith.addf %squeeze3A, %squeeze3A_1096 : f32
      %slice3A_1098 = vector.extract_strided_slice %add3A_1094 {offsets = [1], sizes = [1], strides = [1]} : vector<16xf32> to vector<1xf32>
      %squeeze3A_1099 = vector.extract %slice3A_1098[0] : f32 from vector<1xf32>
      %add3A_1100 = arith.addf %add3A_1097, %squeeze3A_1099 : f32
      %slice3A_1101 = vector.extract_strided_slice %add3A_1094 {offsets = [2], sizes = [1], strides = [1]} : vector<16xf32> to vector<1xf32>
      %squeeze3A_1102 = vector.extract %slice3A_1101[0] : f32 from vector<1xf32>
      %add3A_1103 = arith.addf %add3A_1100, %squeeze3A_1102 : f32
      %slice3A_1104 = vector.extract_strided_slice %add3A_1094 {offsets = [3], sizes = [1], strides = [1]} : vector<16xf32> to vector<1xf32>
      %squeeze3A_1105 = vector.extract %slice3A_1104[0] : f32 from vector<1xf32>
      %add3A_1106 = arith.addf %add3A_1103, %squeeze3A_1105 : f32
      %slice3A_1107 = vector.extract_strided_slice %add3A_1094 {offsets = [4], sizes = [1], strides = [1]} : vector<16xf32> to vector<1xf32>
      %squeeze3A_1108 = vector.extract %slice3A_1107[0] : f32 from vector<1xf32>
      %add3A_1109 = arith.addf %add3A_1106, %squeeze3A_1108 : f32
      %slice3A_1110 = vector.extract_strided_slice %add3A_1094 {offsets = [5], sizes = [1], strides = [1]} : vector<16xf32> to vector<1xf32>
      %squeeze3A_1111 = vector.extract %slice3A_1110[0] : f32 from vector<1xf32>
      %add3A_1112 = arith.addf %add3A_1109, %squeeze3A_1111 : f32
      %slice3A_1113 = vector.extract_strided_slice %add3A_1094 {offsets = [6], sizes = [1], strides = [1]} : vector<16xf32> to vector<1xf32>
      %squeeze3A_1114 = vector.extract %slice3A_1113[0] : f32 from vector<1xf32>
      %add3A_1115 = arith.addf %add3A_1112, %squeeze3A_1114 : f32
      %slice3A_1116 = vector.extract_strided_slice %add3A_1094 {offsets = [7], sizes = [1], strides = [1]} : vector<16xf32> to vector<1xf32>
      %squeeze3A_1117 = vector.extract %slice3A_1116[0] : f32 from vector<1xf32>
      %add3A_1118 = arith.addf %add3A_1115, %squeeze3A_1117 : f32
      %slice3A_1119 = vector.extract_strided_slice %add3A_1094 {offsets = [8], sizes = [1], strides = [1]} : vector<16xf32> to vector<1xf32>
      %squeeze3A_1120 = vector.extract %slice3A_1119[0] : f32 from vector<1xf32>
      %add3A_1121 = arith.addf %add3A_1118, %squeeze3A_1120 : f32
      %slice3A_1122 = vector.extract_strided_slice %add3A_1094 {offsets = [9], sizes = [1], strides = [1]} : vector<16xf32> to vector<1xf32>
      %squeeze3A_1123 = vector.extract %slice3A_1122[0] : f32 from vector<1xf32>
      %add3A_1124 = arith.addf %add3A_1121, %squeeze3A_1123 : f32
      %slice3A_1125 = vector.extract_strided_slice %add3A_1094 {offsets = [10], sizes = [1], strides = [1]} : vector<16xf32> to vector<1xf32>
      %squeeze3A_1126 = vector.extract %slice3A_1125[0] : f32 from vector<1xf32>
      %add3A_1127 = arith.addf %add3A_1124, %squeeze3A_1126 : f32
      %slice3A_1128 = vector.extract_strided_slice %add3A_1094 {offsets = [11], sizes = [1], strides = [1]} : vector<16xf32> to vector<1xf32>
      %squeeze3A_1129 = vector.extract %slice3A_1128[0] : f32 from vector<1xf32>
      %add3A_1130 = arith.addf %add3A_1127, %squeeze3A_1129 : f32
      %slice3A_1131 = vector.extract_strided_slice %add3A_1094 {offsets = [12], sizes = [1], strides = [1]} : vector<16xf32> to vector<1xf32>
      %squeeze3A_1132 = vector.extract %slice3A_1131[0] : f32 from vector<1xf32>
      %add3A_1133 = arith.addf %add3A_1130, %squeeze3A_1132 : f32
      %slice3A_1134 = vector.extract_strided_slice %add3A_1094 {offsets = [13], sizes = [1], strides = [1]} : vector<16xf32> to vector<1xf32>
      %squeeze3A_1135 = vector.extract %slice3A_1134[0] : f32 from vector<1xf32>
      %add3A_1136 = arith.addf %add3A_1133, %squeeze3A_1135 : f32
      %slice3A_1137 = vector.extract_strided_slice %add3A_1094 {offsets = [14], sizes = [1], strides = [1]} : vector<16xf32> to vector<1xf32>
      %squeeze3A_1138 = vector.extract %slice3A_1137[0] : f32 from vector<1xf32>
      %add3A_1139 = arith.addf %add3A_1136, %squeeze3A_1138 : f32
      %slice3A_1140 = vector.extract_strided_slice %add3A_1094 {offsets = [15], sizes = [1], strides = [1]} : vector<16xf32> to vector<1xf32>
      %squeeze3A_1141 = vector.extract %slice3A_1140[0] : f32 from vector<1xf32>
      %add3A_1142 = arith.addf %add3A_1139, %squeeze3A_1141 : f32
      %rem3A_1143 = arith.constant 16 : i32
      %rem3A_1144 = arith.remsi %add3A_1039, %rem3A_1143 : i32
      %eq3A_1145 = vector.broadcast %rem3A_1144 : i32 to vector<16xi32>
      %eq3A_1146 = arith.cmpi eq, %iota3A, %eq3A_1145 : vector<16xi32>
      %broadcast_in_dim3A_1147 = vector.broadcast %add3A_1142 : f32 to vector<16xf32>
      %select_n3A_1148 = arith.select %eq3A_1146, %broadcast_in_dim3A_1147, %select_n3A_1028 : vector<16xi1>, vector<16xf32>
      %eq3A_1149 = arith.constant 15 : i32
      %eq3A_1150 = arith.cmpi eq, %rem3A_1144, %eq3A_1149 : i32
      %convert_element_type3A_1151 = arith.extui %eq3A_1150 : i1 to i32
      %cond3A_1152 = arith.constant 0 : i32
      %cond3A_1153 = arith.cmpi ne, %convert_element_type3A_1151, %cond3A_1152 : i32
      scf.if %cond3A_1153 {
        %sub3A_1161 = arith.constant 15 : i32
        %sub3A_1162 = arith.subi %add3A_1039, %sub3A_1161 : i32
        %swap3A = arith.index_cast %sub3A_1162 : i32 to index
        %swap3A_1163 = tpu.vector_load %arg8[%swap3A] {strides = array<i32>} : memref<512xf32, #tpu.memory_space<vmem>>, vector<16xf32>,
        tpu.vector_store %arg8[%swap3A], %select_n3A_1148 {strides = array<i32>} : memref<512xf32, #tpu.memory_space<vmem>>, vector<16xf32>,
      } else {
      }
      %add3A_1154 = arith.constant 8 : i32
      %add3A_1155 = arith.addi %add3A_1039, %add3A_1154 : i32
      %lt3A_1156 = arith.constant 512 : i32
      %lt3A_1157 = arith.cmpi slt, %add3A_1155, %lt3A_1156 : i32
      %convert_element_type3A_1158 = arith.extui %lt3A_1157 : i1 to i32
      %cond3A_1159 = arith.constant 0 : i32
      %cond3A_1160 = arith.cmpi ne, %convert_element_type3A_1158, %cond3A_1159 : i32
      scf.if %cond3A_1160 {
        %shift_right_logical3A_1161 = arith.constant 5 : i32
        %shift_right_logical3A_1162 = arith.shrui %add3A_1155, %shift_right_logical3A_1161 : i32
        %and3A_1163 = arith.constant 1 : i32
        %and3A_1164 = arith.andi %shift_right_logical3A_1162, %and3A_1163 : i32
        %mul3A_1165 = arith.constant 32 : i32
        %mul3A_1166 = arith.muli %and3A_1164, %mul3A_1165 : i32
        %and3A_1167 = arith.constant 31 : i32
        %and3A_1168 = arith.andi %add3A_1155, %and3A_1167 : i32
        %add3A_1169 = arith.addi %mul3A_1166, %and3A_1168 : i32
        %dma_start3A_1170 = arith.constant 0 : i32
        %dma_start3A_1171 = tpu.memref_slice %arg7[%add3A_1169, %dma_start3A_1170] : memref<64x104xi32, #tpu.memory_space<vmem>> -> memref<1x104xi32, #tpu.memory_space<vmem>>
        %dma_start3A_1172 = tpu.memref_squeeze %dma_start3A_1171 : memref<1x104xi32, #tpu.memory_space<vmem>> -> memref<104xi32, #tpu.memory_space<vmem>>
        %dma_start3A_1173 = arith.constant 0 : i32
        %dma_start3A_1174 = arith.constant 0 : i32
        %dma_start3A_1175 = tpu.memref_slice %arg3[%dma_start3A_1173, %dma_start3A_1174] : memref<100001x128xbf16, #tpu.memory_space<hbm>> -> memref<100001x128xbf16, #tpu.memory_space<hbm>>
        tpu.enqueue_indirect_dma source(%dma_start3A_1175 : memref<100001x128xbf16, #tpu.memory_space<hbm>>) target(%arg17 : memref<104x128xbf16, #tpu.memory_space<vmem>>) offsets(%dma_start3A_1172 : memref<104xi32, #tpu.memory_space<vmem>>) semaphore(%arg33 : memref<!tpu.dma_semaphore, #tpu.memory_space<semaphore_mem>>)
        %dma_start3A_1176 = arith.constant 0 : i32
        %dma_start3A_1177 = tpu.memref_slice %arg7[%add3A_1169, %dma_start3A_1176] : memref<64x104xi32, #tpu.memory_space<vmem>> -> memref<1x104xi32, #tpu.memory_space<vmem>>
        %dma_start3A_1178 = tpu.memref_squeeze %dma_start3A_1177 : memref<1x104xi32, #tpu.memory_space<vmem>> -> memref<104xi32, #tpu.memory_space<vmem>>
        %dma_start3A_1179 = arith.constant 0 : i32
        %dma_start3A_1180 = arith.constant 0 : i32
        %dma_start3A_1181 = tpu.memref_slice %arg4[%dma_start3A_1179, %dma_start3A_1180] : memref<100001x16xf32, #tpu.memory_space<hbm>> -> memref<100001x16xf32, #tpu.memory_space<hbm>>
        tpu.enqueue_indirect_dma source(%dma_start3A_1181 : memref<100001x16xf32, #tpu.memory_space<hbm>>) target(%arg25 : memref<104x16xf32, #tpu.memory_space<vmem>>) offsets(%dma_start3A_1178 : memref<104xi32, #tpu.memory_space<vmem>>) semaphore(%arg41 : memref<!tpu.dma_semaphore, #tpu.memory_space<semaphore_mem>>)
      } else {
      }
      scf.yield %select_n3A_1148 : vector<16xf32>
    }
    %scan3A_190 = arith.constant 64 : i32
    "tpu.region"() ({
      %run_scoped3A = tpu.sem_alloc : memref<!tpu.dma_semaphore, #tpu.memory_space<semaphore_mem>>
      %dma_start3A_191 = tpu.memref_slice %arg6[%mul3A_2] : memref<16384xf32, #tpu.memory_space<hbm>> -> memref<512xf32, #tpu.memory_space<hbm>>
      %dma_start3A_192 = tpu.memref_slice %arg6[%mul3A_2] : memref<16384xf32, #tpu.memory_space<hbm>> -> memref<512xf32, #tpu.memory_space<hbm>>
      tpu.enqueue_dma source(%arg8 : memref<512xf32, #tpu.memory_space<vmem>>) target(%dma_start3A_192 : memref<512xf32, #tpu.memory_space<hbm>>) target_semaphore(%run_scoped3A : memref<!tpu.dma_semaphore, #tpu.memory_space<semaphore_mem>>)
      %dma_wait3A = tpu.memref_slice %arg6[%mul3A_2] : memref<16384xf32, #tpu.memory_space<hbm>> -> memref<512xf32, #tpu.memory_space<hbm>>
      %dma_wait3A_193 = tpu.memref_slice %arg6[%mul3A_2] : memref<16384xf32, #tpu.memory_space<hbm>> -> memref<512xf32, #tpu.memory_space<hbm>>
      tpu.wait_dma2 semaphore(%run_scoped3A : memref<!tpu.dma_semaphore, #tpu.memory_space<semaphore_mem>>) src(%arg8 : memref<512xf32, #tpu.memory_space<vmem>>) dst(%dma_wait3A_193 : memref<512xf32, #tpu.memory_space<hbm>>)
      tpu.yield
    }) : () -> ()
    return
  }
}

</mosaic_0001>

<sc_bundles>
// kernel: kernel.3.cloned.1.call-start
scs
__scs_entry_jumppad:
0x0: {  	(pc) =	sbr.rel $0x88, $3  }
0x1: {  	(tag) =	ssettag $0x0;
	lr =	simm.s32 $0x1  }
0x2: {  	[smem:$0x3F9D] =	sst lr;
	_ =	strace $0xD0000000  }
0x3: {  	_ = 	snop  }
0x4: {  	_ = 	snop  }
0x5: {  	_ = 	snop  }
0x6: {  	_ = 	snop  }
0x7: {  	_ = 	snop  }
__scs_overlays_trampoline_lowered:
0x8: {  	[smem:$0x3FAC] =	sst s0  }
0x9: {  	[smem:$0x3FAD] =	sst s1  }
0xa: {  	[smem:$0x3FAE] =	sst s2  }
0xb: {  	[smem:$0x3FAF] =	sst s3  }
0xc: {  	[smem:$0x3FB0] =	sst s4  }
0xd: {  	[smem:$0x3FB1] =	sst s5  }
0xe: {  	[smem:$0x3FB2] =	sst s6  }
0xf: {  	[smem:$0x3FB3] =	sst s7  }
0x10: {  	[smem:$0x3FB4] =	sst s8  }
0x11: {  	[smem:$0x3FB5] =	sst s9;
	s0 =	simm.s32 @!p0 $0x0  }
0x12: {  	s1 =	sld [smem:$0x3F9B];
	s0 =	simm.s32 @p0 $0x1  }
0x13: {  	[smem:$0x3FB6] =	sst s0;
	s0 =	simm.s32 @!p1 $0x0  }
0x14: {  	s2 =	sld [smem:$0x3F9A];
	s0 =	simm.s32 @p1 $0x1  }
0x15: {  	[smem:$0x3FB7] =	sst s0;
	s0 =	simm.s32 @!p2 $0x0  }
0x16: {  	s3 =	sld [smem:$0x3FDB];
	s0 =	simm.s32 @p2 $0x1  }
0x17: {  	s4 =	simm.s32 $0x1BF5;
	[smem:$0x3FB9] =	sst s0  }
0x18: {  	s0 =	sld [smem:$0x3F9C];
	_ =	swait.ge [sflag:s4], $0x0  }
0x19: {  	s7 =	sld [smem:$0x3F9D]  }
0x1a: {  	s8 =	sadd.s32 $0xFFFFE003, lr  }
0x1b: {  	s9 =	sadd.s32 $0xFFFFFEF7, lr;
	s5 =	simm.s32 $0xFFFFFFFF;
	p2 =	slt.u32 s8, $0xFFFFF086  }
0x1c: {  	p1 =	slt.u32 s9, $0xF7A;
	s5 =	simm.s32 @!p2 $0x0  }
0x1d: {  	s5 =	simm.s32 @p1 $0x1;
	p0 =	seq.s32 s7, s2  }
0x1e: {  	s7 =	smul.u32 @!p0 $0xF7A, s2;
	p2 =	seq.s32 @!p0 s5, $0x0  }
0x1f: {  	s9 =	smul.u32 $0xF7A, s1;
	s8 =	simm.s32 @!p0 $0x1BF5;
	p2 =	por !p2, p0  }
0x20: {  	[sflag:s8] =	ssyncset.s32 @!p0 $0xFFFFF086;
	s6 =	sadd.s32 @!p0 s3, s7;
	s7 =	simm.s32 @!p0 $0x108  }
0x21: {  	s3 =	sadd.s32 s3, s9;
	s6 =	sadd.s32 @!p0 $0x88, s6;
	s7 =	simm.s32 @p2 $0x1082  }
0x22: {  	[simem:s7], [sflag:s8] =	dma.local @!p0 [hbm:s6], $0xF7A  }
0x23: {  	s9 =	sor.u32 $0xD0000000, s2;
	s6 =	simm.s32 $0x108;
	_ =	swait.ge @!p0 [sflag:s8], $0x0  }
0x24: {  	s3 =	sadd.s32 $0x88, s3;
	s6 =	simm.s32 @!p1 $0x1082;
	[sflag:s4] =	ssyncset.s32 $0xFFFFF086  }
0x25: {  	[simem:s6], [sflag:s4] =	dma.local [hbm:s3], $0xF7A  }
0x26: {  	[smem:$0x3F9D] =	sst s1;
	(tag) =	ssettag s2;
	_ =	strace s9  }
0x27: {  	s1 =	sld [smem:$0x3FAD]  }
0x28: {  	s2 =	sld [smem:$0x3FAE]  }
0x29: {  	s4 =	sld [smem:$0x3FB0]  }
0x2a: {  	p0 =	seq.s32 s5, $0x0;
	s5 =	sld [smem:$0x3FB1]  }
0x2b: {  	s6 =	sld [smem:$0x3FB2]  }
0x2c: {  	s7 =	sld [smem:$0x3FB3]  }
0x2d: {  	s3 =	simm.s32 $0x108;
	s8 =	sld [smem:$0x3FB4]  }
0x2e: {  	s3 =	simm.s32 @!p0 $0x1082;
	s9 =	sld [smem:$0x3FB5]  }
0x2f: {  	lr =	sadd.s32 s0, s3;
	s0 =	sld [smem:$0x3FAC]  }
0x30: {  	s3 =	sld [smem:$0x3FAF]  }
0x31: {  	[smem:$0x3FB8] =	sst s10  }
0x32: {  	s10 =	sld [smem:$0x3FB6];
	_ =	sdelay $0x3  }
0x33: {  	p0 =	seq.s32 s10, $0x1;
	s10 =	sld [smem:$0x3FB8];
	_ =	sdelay $0x3  }
0x34: {  	[smem:$0x3FB8] =	sst s10  }
0x35: {  	s10 =	sld [smem:$0x3FB7];
	_ =	sdelay $0x3  }
0x36: {  	p1 =	seq.s32 s10, $0x1;
	s10 =	sld [smem:$0x3FB8];
	_ =	sdelay $0x3  }
0x37: {  	[smem:$0x3FB8] =	sst s10  }
0x38: {  	s10 =	sld [smem:$0x3FB9]  }
0x39: {  	_ = 	snop;
	(pc) =	sbr.ind lr, $3  }
0x3a: {  	_ = 	snop  }
0x3b: {  	_ = 	snop  }
0x3c: {  	p2 =	seq.s32 s10, $0x1;
	s10 =	sld [smem:$0x3FB8]  }
0x3d: {  	_ =	shalt  }
0x3e: {  	_ =	shalt  }
0x3f: {  	_ =	shalt  }
0x40: {  	_ =	shalt  }
0x41: {  	_ =	shalt  }
0x42: {  	_ =	shalt  }
0x43: {  	_ =	shalt  }
0x44: {  	_ =	shalt  }
0x45: {  	_ =	shalt  }
0x46: {  	_ =	shalt  }
0x47: {  	_ =	shalt  }
0x48: {  	_ =	shalt  }
0x49: {  	_ =	shalt  }
0x4a: {  	_ =	shalt  }
0x4b: {  	_ =	shalt  }
0x4c: {  	_ =	shalt  }
0x4d: {  	_ =	shalt  }
0x4e: {  	_ =	shalt  }
0x4f: {  	_ =	shalt  }
0x50: {  	_ =	shalt  }
0x51: {  	_ =	shalt  }
0x52: {  	_ =	shalt  }
0x53: {  	_ =	shalt  }
0x54: {  	_ =	shalt  }
0x55: {  	_ =	shalt  }
0x56: {  	_ =	shalt  }
0x57: {  	_ =	shalt  }
0x58: {  	_ =	shalt  }
0x59: {  	_ =	shalt  }
0x5a: {  	_ =	shalt  }
0x5b: {  	_ =	shalt  }
0x5c: {  	_ =	shalt  }
0x5d: {  	_ =	shalt  }
0x5e: {  	_ =	shalt  }
0x5f: {  	_ =	shalt  }
0x60: {  	_ =	shalt  }
0x61: {  	_ =	shalt  }
0x62: {  	_ =	shalt  }
0x63: {  	_ =	shalt  }
0x64: {  	_ =	shalt  }
0x65: {  	_ =	shalt  }
0x66: {  	_ =	shalt  }
0x67: {  	_ =	shalt  }
0x68: {  	_ =	shalt  }
0x69: {  	_ =	shalt  }
0x6a: {  	_ =	shalt  }
0x6b: {  	_ =	shalt  }
0x6c: {  	_ =	shalt  }
0x6d: {  	_ =	shalt  }
0x6e: {  	_ =	shalt  }
0x6f: {  	_ =	shalt  }
0x70: {  	_ =	shalt  }
0x71: {  	_ =	shalt  }
0x72: {  	_ =	shalt  }
0x73: {  	_ =	shalt  }
0x74: {  	_ =	shalt  }
0x75: {  	_ =	shalt  }
0x76: {  	_ =	shalt  }
0x77: {  	_ =	shalt  }
0x78: {  	_ =	shalt  }
0x79: {  	_ =	shalt  }
0x7a: {  	_ =	shalt  }
0x7b: {  	_ =	shalt  }
0x7c: {  	_ =	shalt  }
0x7d: {  	_ =	shalt  }
0x7e: {  	_ =	shalt  }
0x7f: {  	_ =	shalt  }
0x80: {  	_ =	shalt  }
0x81: {  	_ =	shalt  }
0x82: {  	_ =	shalt  }
0x83: {  	_ =	shalt  }
0x84: {  	_ =	shalt  }
0x85: {  	_ =	shalt  }
0x86: {  	_ =	shalt  }
0x87: {  	_ =	shalt  }
.Lfunc_end0:
.L_simem_size_0:
called_computation_lowered:
.L_overlay_start_0:
0x88: {  	s2 =	sld [smem:$0x3FD9]  }
0x89: {  	s3 =	sld [smem:$0x3FFE];
	_ =	sdelay $0x1  }
0x8a: {  	s1 =	srdreg.scid  }
0x8b: {  	s0 =	sand.u32 $0x1, s1  }
0x8c: {  	s17 =	sshll.u32 s0, $0xA;
	s2 =	sadd.s32 s3, s2  }
0x8d: {  	s2 =	sadd.s32 s2, s17  }
0x8e: {  	[smem:$0x3FC4] =	sst s2  }
0x8f: {  	_ = 	snop  }
0x90: {  	s2 =	sld [smem:$0x3FD0];
	(tm) =	ssettm $0x1  }
0x91: {  	s18 =	sld [smem:$0x3FFB];
	_ =	sdelay $0x3  }
0x92: {  	_ =	strace s18  }
0x93: {  	s3 =	sld [smem:$0x3FFC];
	_ =	sdelay $0x3  }
0x94: {  	_ =	strace s3  }
0x95: {  	s3 =	sld [smem:$0x3FFD];
	_ =	sdelay $0x3  }
0x96: {  	_ =	strace s3  }
0x97: {  	_ =	strace $0x8FFFFFFF  }
0x98: {  	s19 =	sld [smem:$0x3FDB];
	_ =	sdelay $0x1  }
0x99: {  	s4 =	simm.s32 $_scs_section_size  }
0x9a: {  	s5 =	simm.s32 $_size__tile_overlayer_lowered;
	s6 =	simm.s32 $_tile_overlayer_lowered  }
0x9b: {  	s22 =	simm.s32 $0x1BFF;
	s21 =	sshll.u32 s6, $0x1;
	s3 =	sadd.s32 s4, s19  }
0x9c: {  	s7 =	simm.s32 $0x0;
	s20 =	sshll.u32 s5, $0x1;
	s5 =	sadd.s32 s21, s3  }
0x9d: {  	[timem:s7], [sflag:s22] =	dma.local [hbm:s5], s20  }
0x9e: {  	_ =	swait.ge [sflag:s22], s20  }
0x9f: {  	s4 =	ssub.s32 $0x0, s20;
	[sflag:s22] =	ssyncset.done $0x0  }
0xa0: {  	[sflag:s22] =	ssyncadd.s32 s4;
	_ =	sdelay $0x1  }
0xa1: {  	s23 =	simm.s32 $0x1B8B  }
0xa2: {  	_ =	swait.ge [sflag:s23], $0x1  }
0xa3: {  	[sflag:s23] =	ssyncset.done $0x0  }
0xa4: {  	s25 =	simm.s32 $0x1B8E;
	s24 =	sld [smem:$0x3FFE];
	[sflag:s23] =	ssyncadd.s32 $0xFFFFFFFF  }
0xa5: {  	s26 =	simm.s32 $execute0_lowered;
	[smem:$0x3FD2] =	sst s25  }
0xa6: {  	s5 =	sshll.u32 s26, $0x1;
	_ =	strace $0x80000046;
	[dreg:$0x1] =	wrdreg $0xFFFFFFFF  }
0xa7: {  	s28 =	simm.s32 $_size_execute0_lowered;
	s3 =	sadd.s32 s3, s5;
	[dreg:$0x0] =	wrdreg $0x0  }
0xa8: {  	s5 =	sshll.u32 s28, $0x1;
	[dreg:$0x2] =	wrdreg s3  }
0xa9: {  	[dreg:$0x3] =	wrdreg s5  }
0xaa: {  	[dreg:$0x4] =	wrdreg $0xC0  }
0xab: {  	_ =	task [dreg:s7], $0x5FFFF  }
0xac: {  	[dreg:$0x1] =	wrdreg $0xFFFFFFFF  }
0xad: {  	[dreg:$0x0] =	wrdreg $0x60  }
0xae: {  	[dreg:$0x2] =	wrdreg s24  }
0xaf: {  	[dreg:$0x3] =	wrdreg s2  }
0xb0: {  	[dreg:$0x4] =	wrdreg $0x9  }
0xb1: {  	_ =	task.clear_ibuf [dreg:s7], $0x5FFFF;
	_ =	strace $0x90000046  }
0xb2: {  	s29 =	simm.s32 $0x9;
	_ =	strace $0x80000048  }
0xb3: {  	_ =	swait.ge [sflag:s29], $0x1  }
0xb4: {  	[sflag:s29] =	ssyncadd.s32 $0xFFFFFFFF  }
0xb5: {  	_ =	strace $0x90000048  }
0xb6: {  	_ =	sfence  }
0xb7: {  	s30 =	sld [smem:$0x0];
	_ =	sdelay $0x2  }
0xb8: {  	s31 =	sshll.u32 s1, $0xD;
	s1 =	sshrl.u32 s1, $0x2  }
0xb9: {  	s3 =	sand.u32 $0x4000, s31;
	s1 =	sadd.s32 s1, s30  }
0xba: {  	s0 =	sor.u32 s3, s0;
	s1 =	sshll.u32 s1, $0x11  }
0xbb: {  	s0 =	sor.u32 s1, s0  }
0xbc: {  	s0 =	sadd.s32 $0x8F2B, s0  }
0xbd: {  	[sflag:s0] =	ssyncadd.remote.s32 $0x1  }
0xbe: {  	_ =	sfence.sel $0xFFFF  }
0xbf: {  	[dreg:$0x0] =	wrdreg $0xFFFFFFFF;
	(pc) =	sbr.abs _section_cstart, $3  }
0xc0: {  	[dreg:$0x1] =	wrdreg $0xFFFFFFFF  }
0xc1: {  	_ =	task.clear_ibuf [dreg:s7], $0x2FFFF;
	_ =	strace $0x9FFFFFFF  }
0xc2: {  	(tm) =	ssettm $0x7FFFFFFF  }
0xc3: {  	_ =	shalt  }
tec
execute0_lowered:
.L_overlay_start_1:
0x0: {  	(tag) =	ssettag $0x1  }
0x1: {  	s0 =	rddreg [dreg:$0x0]  }
0x2: {  	s1 =	rddreg [dreg:$0x1];
	s2 =	srdreg.scid;
	s8 =	simm.s32 $0x0  }
0x3: {  	s3 =	stileid.u32;
	s13 =	simm.s32 $0x68;
	s16 =	simm.s32 $0x1  }
0x4: {  	s17 =	simm.s32 $0x9;
	s19 =	simm.s32 $0x2;
	s20 =	simm.s32 $0xA  }
0x5: {  	s22 =	simm.s32 $0x3;
	s23 =	simm.s32 $0xB;
	s29 =	simm.s32 $0x5  }
0x6: {  	s30 =	simm.s32 $0xD;
	s18 =	simm.s32 $0x7;
	s21 =	simm.s32 $0xF  }
0x7: {  	s28 =	simm.s32 $0x10;
	s2 =	sand.u32 $0x1, s2;
	[smem:$0x7FF] =	sst s8  }
0x8: {  	s4 =	sshll.u32 s3, $0xA;
	s24 =	sadd.s32 $0xF5000, s0;
	s6 =	sadd.s32 $0xC00, s0  }
0x9: {  	s3 =	simm.s32 $0x11;
	s5 =	sshll.u32 s2, $0x9;
	_ =	strace $0x80000047  }
0xa: {  	s2 =	ssub.s32 $0x2, s2;
	[dreg:$0x3] =	wrdreg s24;
	s9 =	sor.u32 s5, s4  }
0xb: {  	s5 =	sadd.s32 $0x31A00, s0;
	s0 =	sadd.s32 $0x129000, s0;
	s25 =	sshrl.u32 s2, $0x1  }
0xc: {  	s7 =	smul.u32 $0xD, s9;
	[dreg:$0x4] =	wrdreg s0;
	s31 =	sshrl.u32 s9, $0x3  }
.Ltmp0:
0xd: {  	s0 =	ssub.s32 s2, s25;
	s1 =	sadd.s32 s1, s31;
	(pc) =	sbr.rel .LBB2_1-.Ltmp0, $4  }
0xe: {  	s4 =	smov.u32 s9;
	s0 =	smax.u32 s0, $0x1;
	[dreg:$0x6] =	wrdreg s1  }
0xf: {  	s25 =	simm.s32 $0x4;
	s26 =	sadd.s32 s24, s7;
	[dreg:$0x7] =	wrdreg s0  }
0x10: {  	s0 =	simm.s32 $0x6;
	s1 =	simm.s32 $0xE;
	s24 =	simm.s32 $0x8  }
0x11: {  	v0 =	vlaneseq.u32;
	s7 =	simm.s32 $0x0;
	[dreg:$0x5] =	wrdreg s26;
	s26 =	simm.s32 $0xC  }
.LBB2_20:
0x12: {  	s8 =	simm.s32 $0x0;
	s2 =	rddreg [dreg:$0x6];
	s3 =	simm.s32 $0x1A00  }
0x13: {  	[hbm4b:s2+s8] =	stream.linear.scatter [tilespmem:s3], [sflag:$0x11], $0x200, $0x38;
	[tilespmem:$0x12010] =	vst v63  }
0x14: {  	s3 =	simm.s32 $0x11  }
0x15: {  	_ =	swait.ge [sflag:s3], $0x200  }
0x16: {  	s7 =	rddreg [dreg:$0x8]  }
0x17: {  	s31 =	rddreg [dreg:$0x7];
	s7 =	sadd.s32 $0x1, s7  }
0x18: {  	p0 =	sne.s32 s7, s31  }
.Ltmp1:
0x19: {  	_ = 	snop;
	(pc) =	sbr.rel @!p0 .LBB2_21-.Ltmp1, $3  }
0x1a: {  	_ =	sdelay $0x1  }
0x1b: {  	[sflag:s3] =	ssyncset.done $0x0  }
0x1c: {  	[sflag:s3] =	ssyncadd.s32 $0xFFFFFE00  }
.LBB2_1:
0x1d: {  	[dreg:$0x8] =	wrdreg s7  }
0x1e: {  	s2 =	rddreg [dreg:$0x5]  }
0x1f: {  	[tilespmem:s8], [sflag:$0x11] =	stream.linear.gather [hbm4b:s2+s8], $0xD00, $0x38;
	[tilespmem:$0x12010] =	vst v63  }
0x20: {  	_ =	swait.ge [sflag:s3], $0xD00  }
0x21: {  	[sflag:s3] =	ssyncset.done $0x0  }
0x22: {  	s12 =	simm.s32 $0x1C00;
	s11 =	rddreg [dreg:$0x4];
	[sflag:s3] =	ssyncadd.s32 $0xFFFFF300  }
0x23: {  	[tilespmem:s12], [sflag:$0x11] =	stream.linear.gather [hbm4b:s11+s8], $0x10, $0x38;
	[tilespmem:$0x12010] =	vst v63  }
0x24: {  	_ =	swait.ge [sflag:s3], $0x10  }
0x25: {  	[sflag:s3] =	ssyncset.done $0x0  }
0x26: {  	s14 =	simm.s32 $0x1C10;
	[sflag:s3] =	ssyncadd.s32 $0xFFFFFFF0  }
0x27: {  	v1 =	vld [tilespmem:$0x1C00];
	[tilespmem:s14], [sflag:$0x1] =	stream.indirect.gather [hbm4b:s5+s13], $0x40, s8, s13, $0xb8  }
0x28: {  	s15 =	simm.s32 $0xEC10  }
0x29: {  	[tilespmem:s15], [sflag:$0x9] =	stream.indirect.gather [hbm4b:s6+s13], $0x10, s8, s13, $0xb8;
	[tilespmem:$0x12010] =	vst v63  }
0x2a: {  	s31 =	simm.s32 $0x3610  }
0x2b: {  	[tilespmem:s31], [sflag:$0x2] =	stream.indirect.gather [hbm4b:s5+s13], $0x40, s13, s13, $0xb8;
	[tilespmem:$0x12010] =	vst v63  }
0x2c: {  	s3 =	simm.s32 $0xF290  }
0x2d: {  	[tilespmem:s3], [sflag:$0xA] =	stream.indirect.gather [hbm4b:s6+s13], $0x10, s13, s13, $0xb8;
	[tilespmem:$0x12010] =	vst v63  }
0x2e: {  	s7 =	simm.s32 $0xD0;
	s8 =	simm.s32 $0x5010  }
0x2f: {  	[tilespmem:s8], [sflag:$0x3] =	stream.indirect.gather [hbm4b:s5+s13], $0x40, s7, s13, $0xb8;
	[tilespmem:$0x12010] =	vst v63  }
0x30: {  	s9 =	simm.s32 $0xF910  }
0x31: {  	[tilespmem:s9], [sflag:$0xB] =	stream.indirect.gather [hbm4b:s6+s13], $0x10, s7, s13, $0xb8;
	[tilespmem:$0x12010] =	vst v63  }
0x32: {  	s10 =	simm.s32 $0x138;
	s11 =	simm.s32 $0x6A10  }
0x33: {  	[tilespmem:s11], [sflag:$0x4] =	stream.indirect.gather [hbm4b:s5+s13], $0x40, s10, s13, $0xb8;
	[tilespmem:$0x12010] =	vst v63  }
0x34: {  	s12 =	simm.s32 $0xFF90  }
0x35: {  	(v2sf) =	vpush v1, $0x0;
	[tilespmem:s12], [sflag:$0xC] =	stream.indirect.gather [hbm4b:s6+s13], $0x10, s10, s13, $0xb8;
	[tilespmem:$0x12010] =	vst v63  }
0x36: {  	s14 =	simm.s32 $0x1A0;
	s15 =	simm.s32 $0x8410  }
0x37: {  	[tilespmem:s15], [sflag:$0x5] =	stream.indirect.gather [hbm4b:s5+s13], $0x40, s14, s13, $0xb8;
	[tilespmem:$0x12010] =	vst v63  }
0x38: {  	s31 =	simm.s32 $0x10610  }
0x39: {  	[tilespmem:s31], [sflag:$0xD] =	stream.indirect.gather [hbm4b:s6+s13], $0x10, s14, s13, $0xb8;
	[tilespmem:$0x12010] =	vst v63  }
0x3a: {  	s8 =	simm.s32 $0x9E10;
	s7 =	simm.s32 $0x208  }
0x3b: {  	[tilespmem:s8], [sflag:$0x6] =	stream.indirect.gather [hbm4b:s5+s13], $0x40, s7, s13, $0xb8;
	[tilespmem:$0x12010] =	vst v63  }
0x3c: {  	s9 =	simm.s32 $0x10C90  }
0x3d: {  	[tilespmem:s9], [sflag:$0xE] =	stream.indirect.gather [hbm4b:s6+s13], $0x10, s7, s13, $0xb8;
	[tilespmem:$0x12010] =	vst v63  }
0x3e: {  	s11 =	simm.s32 $0xB810;
	s10 =	simm.s32 $0x270  }
0x3f: {  	[tilespmem:s11], [sflag:$0x7] =	stream.indirect.gather [hbm4b:s5+s13], $0x40, s10, s13, $0xb8;
	[tilespmem:$0x12010] =	vst v63  }
0x40: {  	s12 =	simm.s32 $0x11310  }
0x41: {  	[tilespmem:s12], [sflag:$0xF] =	stream.indirect.gather [hbm4b:s6+s13], $0x10, s10, s13, $0xb8;
	[tilespmem:$0x12010] =	vst v63  }
0x42: {  	s15 =	simm.s32 $0xD210;
	s14 =	simm.s32 $0x2D8  }
0x43: {  	[tilespmem:s15], [sflag:$0x8] =	stream.indirect.gather [hbm4b:s5+s13], $0x40, s14, s13, $0xb8;
	[tilespmem:$0x12010] =	vst v63  }
0x44: {  	s31 =	simm.s32 $0x11990;
	s7 =	spop (v2sf);
	s12 =	simm.s32 $0x0  }
0x45: {  	v2 =	vimm.f32 $0.0e+00;
	v1 =	vimm.f32 $0.0e+00;
	[tilespmem:s31], [sflag:$0x10] =	stream.indirect.gather [hbm4b:s6+s13], $0x10, s14, s13, $0xb8;
	[tilespmem:$0x12010] =	vst v63  }
.LBB2_2:
0x46: {  	s2 =	sand.u32 $0x3, s12;
	p0 =	sgt.u32 s12, $0x3B  }
0x47: {  	p1 =	sne.s32 @!p0 s2, $0x0  }
0x48: {  	p0 =	por p1, p0  }
0x49: {  	s2 =	sshll.u32 @!p0 s12, $0x3  }
0x4a: {  	s2 =	sadd.s32 @!p0 $0x20, s2  }
0x4b: {  	s8 =	sand.u32 @!p0 $0x20, s2  }
0x4c: {  	s2 =	sadd.s32 @!p0 s4, s2;
	s8 =	smul.u32 @!p0 $0x1A0, s8  }
0x4d: {  	s2 =	smul.u32 @!p0 $0xD, s2  }
0x4e: {  	s3 =	rddreg [dreg:$0x3]  }
0x4f: {  	s9 =	simm.s32 @!p0 $0x0;
	s8 =	sshrl.u32 @!p0 s8, $0x2;
	s2 =	sadd.s32 @!p0 s3, s2  }
0x50: {  	[tilespmem:s8], [sflag:$0x11] =	stream.linear.gather @!p0 [hbm4b:s2+s9], $0xD00, $0x38;
	[tilespmem:$0x12010] =	vst v63  }
0x51: {  	s2 =	simm.s32 @!p0 $0x11  }
0x52: {  	_ =	swait.ge @!p0 [sflag:s2], $0xD00  }
0x53: {  	[sflag:s2] =	ssyncset.done @!p0 $0x0  }
0x54: {  	[sflag:s2] =	ssyncadd.s32 @!p0 $0xFFFFF300  }
0x55: {  	_ =	swait.ge [sflag:s16], $0x1A00  }
0x56: {  	[sflag:s16] =	ssyncset.done $0x0  }
0x57: {  	[sflag:s16] =	ssyncadd.s32 $0xFFFFE600  }
0x58: {  	_ =	swait.ge [sflag:s17], $0x680  }
0x59: {  	[sflag:s17] =	ssyncset.done $0x0  }
0x5a: {  	s15 =	simm.s32 $0x1C30;
	[sflag:s17] =	ssyncadd.s32 $0xFFFFF980  }
0x5b: {  	s31 =	simm.s32 $0x0;
	v3 =	vld [tilespmem:s15+$0xFFFFFFF0]  }
0x5c: {  	v4 =	vld [tilespmem:s31+$0xEC10]  }
0x5d: {  	v6 =	vld [tilespmem:s15+$0x10]  }
0x5e: {  	v14 =	vimm.f32 $0.0e+00;
	v7 =	vld [tilespmem:s15+$0xFFFFFFE0]  }
0x5f: {  	v22 =	vimm.f32 $0.0e+00;
	v20 =	vimm.f32 $0.0e+00;
	v21 =	vimm.f32 $0.0e+00;
	v10 =	vld [tilespmem:s15+$0x0]  }
0x60: {  	v15 =	vimm.f32 $0.0e+00;
	v18 =	vimm.f32 $0.0e+00;
	v24 =	vimm.f32 $0.0e+00  }
0x61: {  	v16 =	vimm.f32 $0.0e+00;
	v17 =	vimm.f32 $0.0e+00;
	v8 =	vunpack.i.u.bf16.f32 v3  }
0x62: {  	v11 =	vunpack.i.l.bf16.f32 v3;
	v9 =	vunpack.i.u.bf16.f32 v6;
	v13 =	vunpack.i.l.bf16.f32 v6  }
0x63: {  	v3 =	vadd.f32 v4, v1;
	v26 =	vunpack.i.l.bf16.f32 v7;
	v23 =	vunpack.i.u.bf16.f32 v7  }
0x64: {  	v19 =	vunpack.i.u.bf16.f32 v10;
	v6 =	vimm.f32 $0.0e+00;
	v7 =	vimm.f32 $0.0e+00  }
0x65: {  	v5 =	vadd.f32 v8, v1;
	v4 =	vmul.f32 v9, v9;
	v27 =	vmul.f32 v11, v11  }
0x66: {  	v12 =	vadd.f32 v11, v1;
	v25 =	vmul.f32 v8, v8;
	v28 =	vmul.f32 v23, v23  }
0x67: {  	s8 =	simm.s32 $0x40;
	s9 =	simm.s32 $0x1C70;
	v8 =	vimm.f32 $0.0e+00;
	v11 =	vimm.f32 $0.0e+00;
	v4 =	vadd.f32 v4, v1  }
.LBB2_3:
0x68: {  	v29 =	vld [tilespmem:s9+$0xFFFFFFF0];
	s2 =	sshra.s32 s8, $0x2;
	p0 =	sne.s32 s8, $0x18C0;
	s8 =	sadd.s32 $0x40, s8;
	v30 =	vmul.f32 v26, v26;
	v14 =	vadd.f32 v27, v14;
	v8 =	vadd.f32 v13, v8  }
0x69: {  	v22 =	vadd.f32 v26, v22;
	v13 =	vmul.f32 v13, v13;
	v27 =	vld [tilespmem:s2+$0xEC10];
	v20 =	vadd.f32 v28, v20  }
0x6a: {  	v6 =	vadd.f32 v9, v6;
	v28 =	vmul.f32 v19, v19;
	v26 =	vld [tilespmem:s9+$0x10];
	v21 =	vadd.f32 v30, v21  }
0x6b: {  	v15 =	vadd.f32 v25, v15;
	v9 =	vunpack.i.l.bf16.f32 v10;
	v7 =	vadd.f32 v13, v7;
	v30 =	vld [tilespmem:s9+$0xFFFFFFE0]  }
0x6c: {  	v18 =	vadd.f32 v9, v18;
	v9 =	vmul.f32 v9, v9;
	v11 =	vadd.f32 v28, v11;
	v10 =	vld [tilespmem:s9+$0x0]  }
0x6d: {  	v24 =	vadd.f32 v23, v24;
	v16 =	vadd.f32 v19, v16;
	v25 =	vunpack.i.u.bf16.f32 v29  }
.Ltmp2:
0x6e: {  	v17 =	vadd.f32 v9, v17;
	v19 =	vunpack.i.l.bf16.f32 v29;
	v5 =	vadd.f32 v25, v5;
	(pc) =	sbr.rel @p0 .LBB2_3-.Ltmp2, $4  }
0x6f: {  	v3 =	vadd.f32 v27, v3;
	v9 =	vunpack.i.u.bf16.f32 v26;
	v13 =	vunpack.i.l.bf16.f32 v26  }
0x70: {  	v12 =	vadd.f32 v19, v12;
	v26 =	vunpack.i.l.bf16.f32 v30;
	v29 =	vmul.f32 v9, v9  }
0x71: {  	v27 =	vmul.f32 v19, v19;
	v25 =	vmul.f32 v25, v25;
	v23 =	vunpack.i.u.bf16.f32 v30  }
0x72: {  	s9 =	sadd.s32 $0x40, s9;
	v28 =	vmul.f32 v23, v23;
	v19 =	vunpack.i.u.bf16.f32 v10;
	v4 =	vadd.f32 v29, v4  }
0x73: {  	v29 =	vmul.f32 v26, v26;
	v22 =	vadd.f32 v26, v22;
	v23 =	vadd.f32 v23, v24  }
0x74: {  	v20 =	vadd.f32 v28, v20  }
0x75: {  	v21 =	vadd.f32 v29, v21;
	v22 =	vmul.f32 v22, v22;
	v23 =	vmul.f32 v23, v23  }
0x76: {  	v14 =	vadd.f32 v27, v14;
	v10 =	vunpack.i.l.bf16.f32 v10  }
0x77: {  	v12 =	vmul.f32 v12, v12;
	v21 =	vsub.f32 v22, v21;
	v20 =	vsub.f32 v23, v20  }
0x78: {  	v15 =	vadd.f32 v25, v15;
	v5 =	vmul.f32 v5, v5;
	v18 =	vadd.f32 v10, v18  }
0x79: {  	v10 =	vmul.f32 v10, v10;
	v12 =	vsub.f32 v12, v14;
	v20 =	vadd.f32 v20, v21  }
0x7a: {  	v16 =	vadd.f32 v19, v16;
	v14 =	vmul.f32 v19, v19;
	v5 =	vsub.f32 v5, v15  }
0x7b: {  	v10 =	vadd.f32 v10, v17;
	v15 =	vmul.f32 v18, v18;
	v12 =	vadd.f32 v12, v20  }
0x7c: {  	v8 =	vadd.f32 v13, v8;
	v13 =	vmul.f32 v13, v13;
	v11 =	vadd.f32 v14, v11  }
0x7d: {  	v10 =	vsub.f32 v15, v10;
	v5 =	vadd.f32 v5, v12;
	v12 =	vmul.f32 v16, v16  }
0x7e: {  	v6 =	vadd.f32 v9, v6;
	v7 =	vadd.f32 v13, v7  }
0x7f: {  	v8 =	vmul.f32 v8, v8;
	v5 =	vadd.f32 v10, v5;
	v9 =	vsub.f32 v12, v11;
	_ =	sdelay $0x1  }
0x80: {  	v6 =	vmul.f32 v6, v6;
	v7 =	vsub.f32 v8, v7;
	v5 =	vadd.f32 v9, v5;
	_ =	sdelay $0x1  }
0x81: {  	v4 =	vsub.f32 v6, v4;
	v5 =	vadd.f32 v7, v5;
	_ =	sdelay $0x1  }
0x82: {  	v4 =	vadd.f32 v4, v5;
	_ =	sdelay $0x1  }
0x83: {  	v4 =	vmul.f32 $5.000000000e-01, v4;
	_ =	sdelay $0x1  }
0x84: {  	v3 =	vadd.f32 v4, v3;
	_ =	sdelay $0x1  }
0x85: {  	(v2sf) =	vpush v3, $0x0;
	_ =	sdelay $0x1  }
0x86: {  	(v2sf) =	vpush v3, $0x1;
	_ =	sdelay $0x1  }
0x87: {  	(v2sf) =	vpush v3, $0x2;
	_ =	sdelay $0x1  }
0x88: {  	(v2sf) =	vpush v3, $0x3  }
0x89: {  	(v2sf) =	vpush v3, $0x4;
	_ =	sdelay $0x1  }
0x8a: {  	(v2sf) =	vpush v3, $0x5  }
0x8b: {  	(v2sf) =	vpush v3, $0x6  }
0x8c: {  	(v2sf) =	vpush v3, $0x7  }
0x8d: {  	(v2sf) =	vpush v3, $0x8  }
0x8e: {  	(v2sf) =	vpush v3, $0x9;
	_ =	sdelay $0x1  }
0x8f: {  	s2 =	spop (v2sf)  }
0x90: {  	(v2sf) =	vpush v3, $0xA;
	s2 =	sadd.f32 s2, s7  }
0x91: {  	s8 =	spop (v2sf)  }
0x92: {  	(v2sf) =	vpush v3, $0xB;
	s2 =	sadd.f32 s2, s8  }
0x93: {  	s15 =	spop (v2sf);
	(v2sf) =	vpush v3, $0xC  }
0x94: {  	(v2sf) =	vpush v3, $0xD;
	s2 =	sadd.f32 s2, s15  }
0x95: {  	s31 =	spop (v2sf);
	(v2sf) =	vpush v3, $0xE  }
0x96: {  	s9 =	spop (v2sf);
	(v2sf) =	vpush v3, $0xF;
	s2 =	sadd.f32 s2, s31  }
0x97: {  	p0 =	seq.s32 s12, $0x3F  }
0x98: {  	s8 =	sshll.u32 s12, $0x3;
	s10 =	spop (v2sf);
	s2 =	sadd.f32 s2, s9  }
0x99: {  	s11 =	sadd.s32 @!p0 $0x8, s8;
	s3 =	spop (v2sf)  }
0x9a: {  	s31 =	spop (v2sf);
	s2 =	sadd.f32 s2, s10;
	s10 =	sand.u32 @!p0 $0x38, s11  }
0x9b: {  	s11 =	spop (v2sf);
	s10 =	smul.u32 @!p0 $0x1A0, s10  }
0x9c: {  	s15 =	simm.s32 @!p0 $0x1C10;
	s14 =	spop (v2sf)  }
0x9d: {  	s2 =	sadd.f32 s2, s3;
	s9 =	sshrl.u32 @!p0 s10, $0x2;
	s10 =	simm.s32 @!p0 $0x68  }
0x9e: {  	[tilespmem:s15], [sflag:$0x1] =	stream.indirect.gather @!p0 [hbm4b:s5+s10], $0x40, s9, s10, $0xb8;
	[tilespmem:$0x12010] =	vst v63  }
0x9f: {  	s15 =	spop (v2sf);
	s2 =	sadd.f32 s2, s31;
	s31 =	simm.s32 @!p0 $0xEC10  }
0xa0: {  	[tilespmem:s31], [sflag:$0x9] =	stream.indirect.gather @!p0 [hbm4b:s6+s10], $0x10, s9, s10, $0xb8;
	[tilespmem:$0x12010] =	vst v63  }
0xa1: {  	s10 =	spop (v2sf)  }
0xa2: {  	s2 =	sadd.f32 s2, s11;
	s3 =	spop (v2sf)  }
0xa3: {  	s11 =	spop (v2sf)  }
0xa4: {  	s2 =	sadd.f32 s2, s14;
	s31 =	spop (v2sf)  }
0xa5: {  	s14 =	spop (v2sf)  }
0xa6: {  	s2 =	sadd.f32 s2, s15;
	_ =	swait.ge [sflag:s19], $0x1A00  }
0xa7: {  	[sflag:s19] =	ssyncset.done $0x0  }
0xa8: {  	s2 =	sadd.f32 s2, s10;
	[sflag:s19] =	ssyncadd.s32 $0xFFFFE600  }
0xa9: {  	_ =	swait.ge [sflag:s20], $0x680  }
0xaa: {  	s2 =	sadd.f32 s2, s3;
	[sflag:s20] =	ssyncset.done $0x0  }
0xab: {  	s3 =	simm.s32 $0x3630;
	[sflag:s20] =	ssyncadd.s32 $0xFFFFF980  }
0xac: {  	s15 =	simm.s32 $0x0;
	s2 =	sadd.f32 s2, s11;
	v3 =	vld [tilespmem:s3+$0xFFFFFFF0]  }
0xad: {  	v4 =	vld [tilespmem:s15+$0xF290]  }
0xae: {  	v24 =	vimm.f32 $0.0e+00;
	v6 =	vld [tilespmem:s3+$0x10];
	s2 =	sadd.f32 s2, s31  }
0xaf: {  	v18 =	vimm.f32 $0.0e+00;
	v17 =	vimm.f32 $0.0e+00;
	v22 =	vimm.f32 $0.0e+00;
	s9 =	sand.u32 $0x8, s8;
	v8 =	vld [tilespmem:s3+$0xFFFFFFE0]  }
0xb0: {  	v15 =	vimm.f32 $0.0e+00;
	v21 =	vimm.f32 $0.0e+00;
	v5 =	vmov s9;
	v11 =	vld [tilespmem:s3+$0x0];
	s2 =	sadd.f32 s2, s14  }
0xb1: {  	v20 =	vimm.f32 $0.0e+00;
	v16 =	vimm.f32 $0.0e+00;
	vm0 =	veq.s32 v5, v0  }
0xb2: {  	v7 =	vimm.f32 $0.0e+00;
	v9 =	vunpack.i.u.bf16.f32 v3;
	v2 =	vsel vm0, s2, v2  }
0xb3: {  	v13 =	vunpack.i.l.bf16.f32 v3;
	v10 =	vunpack.i.u.bf16.f32 v6;
	v14 =	vunpack.i.l.bf16.f32 v6  }
0xb4: {  	v3 =	vadd.f32 v4, v7;
	v26 =	vunpack.i.l.bf16.f32 v8;
	v23 =	vunpack.i.u.bf16.f32 v8  }
0xb5: {  	v19 =	vunpack.i.u.bf16.f32 v11;
	v6 =	vimm.f32 $0.0e+00;
	v8 =	vimm.f32 $0.0e+00  }
0xb6: {  	v5 =	vadd.f32 v9, v7;
	v4 =	vmul.f32 v10, v10;
	v27 =	vmul.f32 v13, v13  }
0xb7: {  	v12 =	vadd.f32 v13, v7;
	v25 =	vmul.f32 v9, v9;
	v28 =	vmul.f32 v23, v23  }
0xb8: {  	s10 =	simm.s32 $0x40;
	s2 =	simm.s32 $0x3670;
	v9 =	vimm.f32 $0.0e+00;
	v13 =	vimm.f32 $0.0e+00;
	v4 =	vadd.f32 v4, v7  }
.LBB2_5:
0xb9: {  	v29 =	vld [tilespmem:s2+$0xFFFFFFF0];
	s11 =	sshra.s32 s10, $0x2;
	p1 =	sne.s32 s10, $0x18C0;
	s10 =	sadd.s32 $0x40, s10;
	v30 =	vmul.f32 v26, v26;
	v7 =	vadd.f32 v27, v7;
	v9 =	vadd.f32 v14, v9  }
0xba: {  	v22 =	vadd.f32 v26, v22;
	v14 =	vmul.f32 v14, v14;
	v27 =	vld [tilespmem:s11+$0xF290];
	v20 =	vadd.f32 v28, v20  }
0xbb: {  	v6 =	vadd.f32 v10, v6;
	v28 =	vmul.f32 v19, v19;
	v26 =	vld [tilespmem:s2+$0x10];
	v21 =	vadd.f32 v30, v21  }
0xbc: {  	v15 =	vadd.f32 v25, v15;
	v10 =	vunpack.i.l.bf16.f32 v11;
	v8 =	vadd.f32 v14, v8;
	v30 =	vld [tilespmem:s2+$0xFFFFFFE0]  }
0xbd: {  	v18 =	vadd.f32 v10, v18;
	v10 =	vmul.f32 v10, v10;
	v13 =	vadd.f32 v28, v13;
	v11 =	vld [tilespmem:s2+$0x0]  }
0xbe: {  	v24 =	vadd.f32 v23, v24;
	v16 =	vadd.f32 v19, v16;
	v25 =	vunpack.i.u.bf16.f32 v29  }
.Ltmp3:
0xbf: {  	v17 =	vadd.f32 v10, v17;
	v19 =	vunpack.i.l.bf16.f32 v29;
	v5 =	vadd.f32 v25, v5;
	(pc) =	sbr.rel @p1 .LBB2_5-.Ltmp3, $4  }
0xc0: {  	v3 =	vadd.f32 v27, v3;
	v10 =	vunpack.i.u.bf16.f32 v26;
	v14 =	vunpack.i.l.bf16.f32 v26  }
0xc1: {  	v12 =	vadd.f32 v19, v12;
	v26 =	vunpack.i.l.bf16.f32 v30;
	v29 =	vmul.f32 v10, v10  }
0xc2: {  	v27 =	vmul.f32 v19, v19;
	v25 =	vmul.f32 v25, v25;
	v23 =	vunpack.i.u.bf16.f32 v30  }
0xc3: {  	s2 =	sadd.s32 $0x40, s2;
	v28 =	vmul.f32 v23, v23;
	v19 =	vunpack.i.u.bf16.f32 v11;
	v4 =	vadd.f32 v29, v4  }
0xc4: {  	v29 =	vmul.f32 v26, v26;
	v22 =	vadd.f32 v26, v22;
	v23 =	vadd.f32 v23, v24  }
0xc5: {  	v20 =	vadd.f32 v28, v20  }
0xc6: {  	v21 =	vadd.f32 v29, v21;
	v22 =	vmul.f32 v22, v22;
	v23 =	vmul.f32 v23, v23  }
0xc7: {  	v7 =	vadd.f32 v27, v7;
	v11 =	vunpack.i.l.bf16.f32 v11  }
0xc8: {  	v12 =	vmul.f32 v12, v12;
	v21 =	vsub.f32 v22, v21;
	v20 =	vsub.f32 v23, v20  }
0xc9: {  	v15 =	vadd.f32 v25, v15;
	v5 =	vmul.f32 v5, v5;
	v18 =	vadd.f32 v11, v18  }
0xca: {  	v11 =	vmul.f32 v11, v11;
	v7 =	vsub.f32 v12, v7;
	v20 =	vadd.f32 v20, v21  }
0xcb: {  	v16 =	vadd.f32 v19, v16;
	v12 =	vmul.f32 v19, v19;
	v5 =	vsub.f32 v5, v15  }
0xcc: {  	v11 =	vadd.f32 v11, v17;
	v15 =	vmul.f32 v18, v18;
	v7 =	vadd.f32 v7, v20  }
0xcd: {  	v9 =	vadd.f32 v14, v9;
	v14 =	vmul.f32 v14, v14;
	v12 =	vadd.f32 v12, v13  }
0xce: {  	v5 =	vadd.f32 v5, v7;
	v7 =	vsub.f32 v15, v11;
	v11 =	vmul.f32 v16, v16  }
0xcf: {  	v6 =	vadd.f32 v10, v6;
	v8 =	vadd.f32 v14, v8  }
0xd0: {  	v9 =	vmul.f32 v9, v9;
	v5 =	vadd.f32 v7, v5;
	v7 =	vsub.f32 v11, v12;
	_ =	sdelay $0x1  }
0xd1: {  	v6 =	vmul.f32 v6, v6;
	v5 =	vadd.f32 v7, v5;
	v7 =	vsub.f32 v9, v8;
	_ =	sdelay $0x1  }
0xd2: {  	v4 =	vsub.f32 v6, v4;
	v5 =	vadd.f32 v7, v5;
	_ =	sdelay $0x1  }
0xd3: {  	v4 =	vadd.f32 v4, v5;
	_ =	sdelay $0x1  }
0xd4: {  	v4 =	vmul.f32 $5.000000000e-01, v4;
	_ =	sdelay $0x1  }
0xd5: {  	v3 =	vadd.f32 v4, v3;
	_ =	sdelay $0x1  }
0xd6: {  	(v2sf) =	vpush v3, $0x0;
	_ =	sdelay $0x1  }
0xd7: {  	(v2sf) =	vpush v3, $0x1;
	_ =	sdelay $0x1  }
0xd8: {  	(v2sf) =	vpush v3, $0x2;
	_ =	sdelay $0x1  }
0xd9: {  	(v2sf) =	vpush v3, $0x3;
	_ =	sdelay $0x1  }
0xda: {  	(v2sf) =	vpush v3, $0x4  }
0xdb: {  	(v2sf) =	vpush v3, $0x5  }
0xdc: {  	(v2sf) =	vpush v3, $0x6  }
0xdd: {  	(v2sf) =	vpush v3, $0x7  }
0xde: {  	(v2sf) =	vpush v3, $0x8  }
0xdf: {  	(v2sf) =	vpush v3, $0x9;
	_ =	sdelay $0x1  }
0xe0: {  	s2 =	spop (v2sf)  }
0xe1: {  	(v2sf) =	vpush v3, $0xA;
	s2 =	sadd.f32 s2, s7  }
0xe2: {  	s10 =	spop (v2sf)  }
0xe3: {  	(v2sf) =	vpush v3, $0xB;
	s2 =	sadd.f32 s2, s10  }
0xe4: {  	s14 =	spop (v2sf);
	(v2sf) =	vpush v3, $0xC  }
0xe5: {  	(v2sf) =	vpush v3, $0xD;
	s2 =	sadd.f32 s2, s14  }
0xe6: {  	s15 =	spop (v2sf);
	(v2sf) =	vpush v3, $0xE  }
0xe7: {  	(v2sf) =	vpush v3, $0xF;
	s2 =	sadd.f32 s2, s15  }
0xe8: {  	s31 =	spop (v2sf)  }
0xe9: {  	s11 =	spop (v2sf);
	s2 =	sadd.f32 s2, s31  }
0xea: {  	s14 =	sadd.s32 @!p0 $0x9, s8;
	s3 =	spop (v2sf)  }
0xeb: {  	s15 =	spop (v2sf);
	s2 =	sadd.f32 s2, s11;
	s11 =	sand.u32 @!p0 $0x39, s14  }
0xec: {  	s14 =	spop (v2sf);
	s11 =	smul.u32 @!p0 $0x1A0, s11  }
0xed: {  	s31 =	spop (v2sf);
	s2 =	sadd.f32 s2, s3  }
0xee: {  	s3 =	simm.s32 @!p0 $0x3610;
	s10 =	sshrl.u32 @!p0 s11, $0x2;
	s11 =	simm.s32 @!p0 $0x68  }
0xef: {  	[tilespmem:s3], [sflag:$0x2] =	stream.indirect.gather @!p0 [hbm4b:s5+s11], $0x40, s10, s11, $0xb8;
	[tilespmem:$0x12010] =	vst v63  }
0xf0: {  	s3 =	spop (v2sf);
	s2 =	sadd.f32 s2, s15;
	s15 =	simm.s32 @!p0 $0xF290  }
0xf1: {  	[tilespmem:s15], [sflag:$0xA] =	stream.indirect.gather @!p0 [hbm4b:s6+s11], $0x10, s10, s11, $0xb8;
	[tilespmem:$0x12010] =	vst v63  }
0xf2: {  	s10 =	spop (v2sf)  }
0xf3: {  	s2 =	sadd.f32 s2, s14;
	s11 =	spop (v2sf)  }
0xf4: {  	s14 =	spop (v2sf)  }
0xf5: {  	s2 =	sadd.f32 s2, s31;
	s15 =	spop (v2sf)  }
0xf6: {  	s31 =	spop (v2sf)  }
0xf7: {  	s2 =	sadd.f32 s2, s3;
	_ =	swait.ge [sflag:s22], $0x1A00  }
0xf8: {  	[sflag:s22] =	ssyncset.done $0x0  }
0xf9: {  	s2 =	sadd.f32 s2, s10;
	[sflag:s22] =	ssyncadd.s32 $0xFFFFE600  }
0xfa: {  	_ =	swait.ge [sflag:s23], $0x680  }
0xfb: {  	s2 =	sadd.f32 s2, s11;
	[sflag:s23] =	ssyncset.done $0x0  }
0xfc: {  	s11 =	simm.s32 $0x5030;
	[sflag:s23] =	ssyncadd.s32 $0xFFFFF980  }
0xfd: {  	s2 =	sadd.f32 s2, s14;
	s14 =	simm.s32 $0x0;
	v3 =	vld [tilespmem:s11+$0xFFFFFFF0]  }
0xfe: {  	v4 =	vld [tilespmem:s14+$0xF910]  }
0xff: {  	v24 =	vimm.f32 $0.0e+00;
	v6 =	vld [tilespmem:s11+$0x10];
	s2 =	sadd.f32 s2, s15  }
0x100: {  	v18 =	vimm.f32 $0.0e+00;
	v17 =	vimm.f32 $0.0e+00;
	v22 =	vimm.f32 $0.0e+00;
	v8 =	vld [tilespmem:s11+$0xFFFFFFE0];
	s15 =	sor.u32 $0x1, s9  }
0x101: {  	v21 =	vimm.f32 $0.0e+00;
	v20 =	vimm.f32 $0.0e+00;
	v11 =	vld [tilespmem:s11+$0x0];
	v5 =	vmov s15;
	s2 =	sadd.f32 s2, s31  }
0x102: {  	v15 =	vimm.f32 $0.0e+00;
	v16 =	vimm.f32 $0.0e+00;
	vm0 =	veq.s32 v5, v0  }
0x103: {  	v7 =	vimm.f32 $0.0e+00;
	v9 =	vunpack.i.u.bf16.f32 v3;
	v2 =	vsel vm0, s2, v2  }
0x104: {  	v13 =	vunpack.i.l.bf16.f32 v3;
	v10 =	vunpack.i.u.bf16.f32 v6;
	v14 =	vunpack.i.l.bf16.f32 v6  }
0x105: {  	v3 =	vadd.f32 v4, v7;
	v26 =	vunpack.i.l.bf16.f32 v8;
	v23 =	vunpack.i.u.bf16.f32 v8  }
0x106: {  	v19 =	vunpack.i.u.bf16.f32 v11;
	v6 =	vimm.f32 $0.0e+00;
	v8 =	vimm.f32 $0.0e+00  }
0x107: {  	v5 =	vadd.f32 v9, v7;
	v4 =	vmul.f32 v10, v10;
	v27 =	vmul.f32 v13, v13  }
0x108: {  	v12 =	vadd.f32 v13, v7;
	v25 =	vmul.f32 v9, v9;
	v28 =	vmul.f32 v23, v23  }
0x109: {  	s10 =	simm.s32 $0x40;
	s2 =	simm.s32 $0x5070;
	v9 =	vimm.f32 $0.0e+00;
	v13 =	vimm.f32 $0.0e+00;
	v4 =	vadd.f32 v4, v7  }
.LBB2_7:
0x10a: {  	v29 =	vld [tilespmem:s2+$0xFFFFFFF0];
	s3 =	sshra.s32 s10, $0x2;
	p1 =	sne.s32 s10, $0x18C0;
	s10 =	sadd.s32 $0x40, s10;
	v30 =	vmul.f32 v26, v26;
	v7 =	vadd.f32 v27, v7;
	v9 =	vadd.f32 v14, v9  }
0x10b: {  	v22 =	vadd.f32 v26, v22;
	v14 =	vmul.f32 v14, v14;
	v27 =	vld [tilespmem:s3+$0xF910];
	v20 =	vadd.f32 v28, v20  }
0x10c: {  	v6 =	vadd.f32 v10, v6;
	v28 =	vmul.f32 v19, v19;
	v26 =	vld [tilespmem:s2+$0x10];
	v21 =	vadd.f32 v30, v21  }
0x10d: {  	v15 =	vadd.f32 v25, v15;
	v10 =	vunpack.i.l.bf16.f32 v11;
	v8 =	vadd.f32 v14, v8;
	v30 =	vld [tilespmem:s2+$0xFFFFFFE0]  }
0x10e: {  	v18 =	vadd.f32 v10, v18;
	v10 =	vmul.f32 v10, v10;
	v13 =	vadd.f32 v28, v13;
	v11 =	vld [tilespmem:s2+$0x0]  }
0x10f: {  	v24 =	vadd.f32 v23, v24;
	v16 =	vadd.f32 v19, v16;
	v25 =	vunpack.i.u.bf16.f32 v29  }
.Ltmp4:
0x110: {  	v17 =	vadd.f32 v10, v17;
	v19 =	vunpack.i.l.bf16.f32 v29;
	v5 =	vadd.f32 v25, v5;
	(pc) =	sbr.rel @p1 .LBB2_7-.Ltmp4, $4  }
0x111: {  	v3 =	vadd.f32 v27, v3;
	v10 =	vunpack.i.u.bf16.f32 v26;
	v14 =	vunpack.i.l.bf16.f32 v26  }
0x112: {  	v12 =	vadd.f32 v19, v12;
	v26 =	vunpack.i.l.bf16.f32 v30;
	v29 =	vmul.f32 v10, v10  }
0x113: {  	v27 =	vmul.f32 v19, v19;
	v25 =	vmul.f32 v25, v25;
	v23 =	vunpack.i.u.bf16.f32 v30  }
0x114: {  	s2 =	sadd.s32 $0x40, s2;
	v28 =	vmul.f32 v23, v23;
	v19 =	vunpack.i.u.bf16.f32 v11;
	v4 =	vadd.f32 v29, v4  }
0x115: {  	v29 =	vmul.f32 v26, v26;
	v22 =	vadd.f32 v26, v22;
	v23 =	vadd.f32 v23, v24  }
0x116: {  	v20 =	vadd.f32 v28, v20  }
0x117: {  	v21 =	vadd.f32 v29, v21;
	v22 =	vmul.f32 v22, v22;
	v23 =	vmul.f32 v23, v23  }
0x118: {  	v7 =	vadd.f32 v27, v7;
	v11 =	vunpack.i.l.bf16.f32 v11  }
0x119: {  	v12 =	vmul.f32 v12, v12;
	v21 =	vsub.f32 v22, v21;
	v20 =	vsub.f32 v23, v20  }
0x11a: {  	v15 =	vadd.f32 v25, v15;
	v5 =	vmul.f32 v5, v5;
	v18 =	vadd.f32 v11, v18  }
0x11b: {  	v11 =	vmul.f32 v11, v11;
	v7 =	vsub.f32 v12, v7;
	v20 =	vadd.f32 v20, v21  }
0x11c: {  	v16 =	vadd.f32 v19, v16;
	v12 =	vmul.f32 v19, v19;
	v5 =	vsub.f32 v5, v15  }
0x11d: {  	v11 =	vadd.f32 v11, v17;
	v15 =	vmul.f32 v18, v18;
	v7 =	vadd.f32 v7, v20  }
0x11e: {  	v9 =	vadd.f32 v14, v9;
	v14 =	vmul.f32 v14, v14;
	v12 =	vadd.f32 v12, v13  }
0x11f: {  	v5 =	vadd.f32 v5, v7;
	v7 =	vsub.f32 v15, v11;
	v11 =	vmul.f32 v16, v16  }
0x120: {  	v6 =	vadd.f32 v10, v6;
	v8 =	vadd.f32 v14, v8  }
0x121: {  	v9 =	vmul.f32 v9, v9;
	v5 =	vadd.f32 v7, v5;
	v7 =	vsub.f32 v11, v12;
	_ =	sdelay $0x1  }
0x122: {  	v6 =	vmul.f32 v6, v6;
	v5 =	vadd.f32 v7, v5;
	v7 =	vsub.f32 v9, v8;
	_ =	sdelay $0x1  }
0x123: {  	v4 =	vsub.f32 v6, v4;
	v5 =	vadd.f32 v7, v5;
	_ =	sdelay $0x1  }
0x124: {  	v4 =	vadd.f32 v4, v5;
	_ =	sdelay $0x1  }
0x125: {  	v4 =	vmul.f32 $5.000000000e-01, v4;
	_ =	sdelay $0x1  }
0x126: {  	v3 =	vadd.f32 v4, v3;
	_ =	sdelay $0x1  }
0x127: {  	(v2sf) =	vpush v3, $0x0;
	_ =	sdelay $0x1  }
0x128: {  	(v2sf) =	vpush v3, $0x1;
	_ =	sdelay $0x1  }
0x129: {  	(v2sf) =	vpush v3, $0x2;
	_ =	sdelay $0x1  }
0x12a: {  	(v2sf) =	vpush v3, $0x3;
	_ =	sdelay $0x1  }
0x12b: {  	(v2sf) =	vpush v3, $0x4  }
0x12c: {  	(v2sf) =	vpush v3, $0x5  }
0x12d: {  	(v2sf) =	vpush v3, $0x6  }
0x12e: {  	(v2sf) =	vpush v3, $0x7  }
0x12f: {  	(v2sf) =	vpush v3, $0x8  }
0x130: {  	(v2sf) =	vpush v3, $0x9;
	_ =	sdelay $0x1  }
0x131: {  	s2 =	spop (v2sf)  }
0x132: {  	(v2sf) =	vpush v3, $0xA;
	s2 =	sadd.f32 s2, s7  }
0x133: {  	s3 =	spop (v2sf)  }
0x134: {  	(v2sf) =	vpush v3, $0xB;
	s2 =	sadd.f32 s2, s3  }
0x135: {  	s11 =	spop (v2sf);
	(v2sf) =	vpush v3, $0xC  }
0x136: {  	(v2sf) =	vpush v3, $0xD;
	s2 =	sadd.f32 s2, s11  }
0x137: {  	s14 =	spop (v2sf);
	(v2sf) =	vpush v3, $0xE  }
0x138: {  	(v2sf) =	vpush v3, $0xF;
	s2 =	sadd.f32 s2, s14  }
0x139: {  	s15 =	spop (v2sf)  }
0x13a: {  	s10 =	spop (v2sf);
	s2 =	sadd.f32 s2, s15  }
0x13b: {  	s11 =	sadd.s32 @!p0 $0xA, s8;
	s31 =	spop (v2sf)  }
0x13c: {  	s14 =	spop (v2sf);
	s2 =	sadd.f32 s2, s10;
	s10 =	sand.u32 @!p0 $0x3A, s11  }
0x13d: {  	s11 =	spop (v2sf);
	s10 =	smul.u32 @!p0 $0x1A0, s10  }
0x13e: {  	s15 =	spop (v2sf);
	s2 =	sadd.f32 s2, s31  }
0x13f: {  	s31 =	simm.s32 @!p0 $0x5010;
	s3 =	sshrl.u32 @!p0 s10, $0x2;
	s10 =	simm.s32 @!p0 $0x68  }
0x140: {  	[tilespmem:s31], [sflag:$0x3] =	stream.indirect.gather @!p0 [hbm4b:s5+s10], $0x40, s3, s10, $0xb8;
	[tilespmem:$0x12010] =	vst v63  }
0x141: {  	s31 =	spop (v2sf);
	s2 =	sadd.f32 s2, s14;
	s14 =	simm.s32 @!p0 $0xF910  }
0x142: {  	[tilespmem:s14], [sflag:$0xB] =	stream.indirect.gather @!p0 [hbm4b:s6+s10], $0x10, s3, s10, $0xb8;
	[tilespmem:$0x12010] =	vst v63  }
0x143: {  	s3 =	spop (v2sf)  }
0x144: {  	s2 =	sadd.f32 s2, s11;
	s10 =	spop (v2sf)  }
0x145: {  	s11 =	spop (v2sf)  }
0x146: {  	s2 =	sadd.f32 s2, s15;
	s14 =	spop (v2sf)  }
0x147: {  	s15 =	spop (v2sf)  }
0x148: {  	s2 =	sadd.f32 s2, s31;
	_ =	swait.ge [sflag:s25], $0x1A00  }
0x149: {  	[sflag:s25] =	ssyncset.done $0x0  }
0x14a: {  	s2 =	sadd.f32 s2, s3;
	[sflag:s25] =	ssyncadd.s32 $0xFFFFE600  }
0x14b: {  	_ =	swait.ge [sflag:s26], $0x680  }
0x14c: {  	s2 =	sadd.f32 s2, s10;
	[sflag:s26] =	ssyncset.done $0x0  }
0x14d: {  	s3 =	simm.s32 $0x6A30;
	[sflag:s26] =	ssyncadd.s32 $0xFFFFF980  }
0x14e: {  	s2 =	sadd.f32 s2, s11;
	s11 =	simm.s32 $0x0;
	v3 =	vld [tilespmem:s3+$0xFFFFFFF0]  }
0x14f: {  	v4 =	vld [tilespmem:s11+$0xFF90]  }
0x150: {  	v24 =	vimm.f32 $0.0e+00;
	v6 =	vld [tilespmem:s3+$0x10];
	s2 =	sadd.f32 s2, s14  }
0x151: {  	v18 =	vimm.f32 $0.0e+00;
	v17 =	vimm.f32 $0.0e+00;
	v22 =	vimm.f32 $0.0e+00;
	s31 =	sor.u32 $0x2, s9;
	v8 =	vld [tilespmem:s3+$0xFFFFFFE0]  }
0x152: {  	v21 =	vimm.f32 $0.0e+00;
	v20 =	vimm.f32 $0.0e+00;
	v5 =	vmov s31;
	v11 =	vld [tilespmem:s3+$0x0];
	s2 =	sadd.f32 s2, s15  }
0x153: {  	v15 =	vimm.f32 $0.0e+00;
	v16 =	vimm.f32 $0.0e+00;
	vm0 =	veq.s32 v5, v0  }
0x154: {  	v7 =	vimm.f32 $0.0e+00;
	v9 =	vunpack.i.u.bf16.f32 v3;
	v2 =	vsel vm0, s2, v2  }
0x155: {  	v13 =	vunpack.i.l.bf16.f32 v3;
	v10 =	vunpack.i.u.bf16.f32 v6;
	v14 =	vunpack.i.l.bf16.f32 v6  }
0x156: {  	v3 =	vadd.f32 v4, v7;
	v26 =	vunpack.i.l.bf16.f32 v8;
	v23 =	vunpack.i.u.bf16.f32 v8  }
0x157: {  	v19 =	vunpack.i.u.bf16.f32 v11;
	v6 =	vimm.f32 $0.0e+00;
	v8 =	vimm.f32 $0.0e+00  }
0x158: {  	v5 =	vadd.f32 v9, v7;
	v4 =	vmul.f32 v10, v10;
	v27 =	vmul.f32 v13, v13  }
0x159: {  	v12 =	vadd.f32 v13, v7;
	v25 =	vmul.f32 v9, v9;
	v28 =	vmul.f32 v23, v23  }
0x15a: {  	s10 =	simm.s32 $0x40;
	s2 =	simm.s32 $0x6A70;
	v9 =	vimm.f32 $0.0e+00;
	v13 =	vimm.f32 $0.0e+00;
	v4 =	vadd.f32 v4, v7  }
.LBB2_9:
0x15b: {  	v29 =	vld [tilespmem:s2+$0xFFFFFFF0];
	s3 =	sshra.s32 s10, $0x2;
	p1 =	sne.s32 s10, $0x18C0;
	s10 =	sadd.s32 $0x40, s10;
	v30 =	vmul.f32 v26, v26;
	v7 =	vadd.f32 v27, v7;
	v9 =	vadd.f32 v14, v9  }
0x15c: {  	v22 =	vadd.f32 v26, v22;
	v14 =	vmul.f32 v14, v14;
	v27 =	vld [tilespmem:s3+$0xFF90];
	v20 =	vadd.f32 v28, v20  }
0x15d: {  	v6 =	vadd.f32 v10, v6;
	v28 =	vmul.f32 v19, v19;
	v26 =	vld [tilespmem:s2+$0x10];
	v21 =	vadd.f32 v30, v21  }
0x15e: {  	v15 =	vadd.f32 v25, v15;
	v10 =	vunpack.i.l.bf16.f32 v11;
	v8 =	vadd.f32 v14, v8;
	v30 =	vld [tilespmem:s2+$0xFFFFFFE0]  }
0x15f: {  	v18 =	vadd.f32 v10, v18;
	v10 =	vmul.f32 v10, v10;
	v13 =	vadd.f32 v28, v13;
	v11 =	vld [tilespmem:s2+$0x0]  }
0x160: {  	v24 =	vadd.f32 v23, v24;
	v16 =	vadd.f32 v19, v16;
	v25 =	vunpack.i.u.bf16.f32 v29  }
.Ltmp5:
0x161: {  	v17 =	vadd.f32 v10, v17;
	v19 =	vunpack.i.l.bf16.f32 v29;
	v5 =	vadd.f32 v25, v5;
	(pc) =	sbr.rel @p1 .LBB2_9-.Ltmp5, $4  }
0x162: {  	v3 =	vadd.f32 v27, v3;
	v10 =	vunpack.i.u.bf16.f32 v26;
	v14 =	vunpack.i.l.bf16.f32 v26  }
0x163: {  	v12 =	vadd.f32 v19, v12;
	v26 =	vunpack.i.l.bf16.f32 v30;
	v29 =	vmul.f32 v10, v10  }
0x164: {  	v27 =	vmul.f32 v19, v19;
	v25 =	vmul.f32 v25, v25;
	v23 =	vunpack.i.u.bf16.f32 v30  }
0x165: {  	s2 =	sadd.s32 $0x40, s2;
	v28 =	vmul.f32 v23, v23;
	v19 =	vunpack.i.u.bf16.f32 v11;
	v4 =	vadd.f32 v29, v4  }
0x166: {  	v29 =	vmul.f32 v26, v26;
	v22 =	vadd.f32 v26, v22;
	v23 =	vadd.f32 v23, v24  }
0x167: {  	v20 =	vadd.f32 v28, v20  }
0x168: {  	v21 =	vadd.f32 v29, v21;
	v22 =	vmul.f32 v22, v22;
	v23 =	vmul.f32 v23, v23  }
0x169: {  	v7 =	vadd.f32 v27, v7;
	v11 =	vunpack.i.l.bf16.f32 v11  }
0x16a: {  	v12 =	vmul.f32 v12, v12;
	v21 =	vsub.f32 v22, v21;
	v20 =	vsub.f32 v23, v20  }
0x16b: {  	v15 =	vadd.f32 v25, v15;
	v5 =	vmul.f32 v5, v5;
	v18 =	vadd.f32 v11, v18  }
0x16c: {  	v11 =	vmul.f32 v11, v11;
	v7 =	vsub.f32 v12, v7;
	v20 =	vadd.f32 v20, v21  }
0x16d: {  	v16 =	vadd.f32 v19, v16;
	v12 =	vmul.f32 v19, v19;
	v5 =	vsub.f32 v5, v15  }
0x16e: {  	v11 =	vadd.f32 v11, v17;
	v15 =	vmul.f32 v18, v18;
	v7 =	vadd.f32 v7, v20  }
0x16f: {  	v9 =	vadd.f32 v14, v9;
	v14 =	vmul.f32 v14, v14;
	v12 =	vadd.f32 v12, v13  }
0x170: {  	v5 =	vadd.f32 v5, v7;
	v7 =	vsub.f32 v15, v11;
	v11 =	vmul.f32 v16, v16  }
0x171: {  	v6 =	vadd.f32 v10, v6;
	v8 =	vadd.f32 v14, v8  }
0x172: {  	v9 =	vmul.f32 v9, v9;
	v5 =	vadd.f32 v7, v5;
	v7 =	vsub.f32 v11, v12;
	_ =	sdelay $0x1  }
0x173: {  	v6 =	vmul.f32 v6, v6;
	v5 =	vadd.f32 v7, v5;
	v7 =	vsub.f32 v9, v8;
	_ =	sdelay $0x1  }
0x174: {  	v4 =	vsub.f32 v6, v4;
	v5 =	vadd.f32 v7, v5;
	_ =	sdelay $0x1  }
0x175: {  	v4 =	vadd.f32 v4, v5;
	_ =	sdelay $0x1  }
0x176: {  	v4 =	vmul.f32 $5.000000000e-01, v4;
	_ =	sdelay $0x1  }
0x177: {  	v3 =	vadd.f32 v4, v3;
	_ =	sdelay $0x1  }
0x178: {  	(v2sf) =	vpush v3, $0x0;
	_ =	sdelay $0x1  }
0x179: {  	(v2sf) =	vpush v3, $0x1;
	_ =	sdelay $0x1  }
0x17a: {  	(v2sf) =	vpush v3, $0x2;
	_ =	sdelay $0x1  }
0x17b: {  	(v2sf) =	vpush v3, $0x3;
	_ =	sdelay $0x1  }
0x17c: {  	(v2sf) =	vpush v3, $0x4  }
0x17d: {  	(v2sf) =	vpush v3, $0x5  }
0x17e: {  	(v2sf) =	vpush v3, $0x6  }
0x17f: {  	(v2sf) =	vpush v3, $0x7  }
0x180: {  	(v2sf) =	vpush v3, $0x8  }
0x181: {  	(v2sf) =	vpush v3, $0x9;
	_ =	sdelay $0x1  }
0x182: {  	s2 =	spop (v2sf)  }
0x183: {  	(v2sf) =	vpush v3, $0xA;
	s2 =	sadd.f32 s2, s7  }
0x184: {  	s3 =	spop (v2sf)  }
0x185: {  	(v2sf) =	vpush v3, $0xB;
	s2 =	sadd.f32 s2, s3  }
0x186: {  	s11 =	spop (v2sf);
	(v2sf) =	vpush v3, $0xC  }
0x187: {  	(v2sf) =	vpush v3, $0xD;
	s2 =	sadd.f32 s2, s11  }
0x188: {  	s14 =	spop (v2sf);
	(v2sf) =	vpush v3, $0xE  }
0x189: {  	(v2sf) =	vpush v3, $0xF;
	s2 =	sadd.f32 s2, s14  }
0x18a: {  	s15 =	spop (v2sf)  }
0x18b: {  	s10 =	spop (v2sf);
	s2 =	sadd.f32 s2, s15  }
0x18c: {  	s11 =	sadd.s32 @!p0 $0xB, s8;
	s31 =	spop (v2sf)  }
0x18d: {  	s14 =	spop (v2sf);
	s2 =	sadd.f32 s2, s10;
	s10 =	sand.u32 @!p0 $0x3B, s11  }
0x18e: {  	s11 =	spop (v2sf);
	s10 =	smul.u32 @!p0 $0x1A0, s10  }
0x18f: {  	s15 =	spop (v2sf);
	s2 =	sadd.f32 s2, s31  }
0x190: {  	s31 =	simm.s32 @!p0 $0x6A10;
	s3 =	sshrl.u32 @!p0 s10, $0x2;
	s10 =	simm.s32 @!p0 $0x68  }
0x191: {  	[tilespmem:s31], [sflag:$0x4] =	stream.indirect.gather @!p0 [hbm4b:s5+s10], $0x40, s3, s10, $0xb8;
	[tilespmem:$0x12010] =	vst v63  }
0x192: {  	s31 =	spop (v2sf);
	s2 =	sadd.f32 s2, s14;
	s14 =	simm.s32 @!p0 $0xFF90  }
0x193: {  	[tilespmem:s14], [sflag:$0xC] =	stream.indirect.gather @!p0 [hbm4b:s6+s10], $0x10, s3, s10, $0xb8;
	[tilespmem:$0x12010] =	vst v63  }
0x194: {  	s3 =	spop (v2sf)  }
0x195: {  	s2 =	sadd.f32 s2, s11;
	s10 =	spop (v2sf)  }
0x196: {  	s11 =	spop (v2sf)  }
0x197: {  	s2 =	sadd.f32 s2, s15;
	s14 =	spop (v2sf)  }
0x198: {  	s15 =	spop (v2sf)  }
0x199: {  	s2 =	sadd.f32 s2, s31;
	_ =	swait.ge [sflag:s29], $0x1A00  }
0x19a: {  	[sflag:s29] =	ssyncset.done $0x0  }
0x19b: {  	s2 =	sadd.f32 s2, s3;
	[sflag:s29] =	ssyncadd.s32 $0xFFFFE600  }
0x19c: {  	_ =	swait.ge [sflag:s30], $0x680  }
0x19d: {  	s2 =	sadd.f32 s2, s10;
	[sflag:s30] =	ssyncset.done $0x0  }
0x19e: {  	s3 =	simm.s32 $0x8430;
	[sflag:s30] =	ssyncadd.s32 $0xFFFFF980  }
0x19f: {  	s2 =	sadd.f32 s2, s11;
	s11 =	simm.s32 $0x0;
	v3 =	vld [tilespmem:s3+$0xFFFFFFF0]  }
0x1a0: {  	v4 =	vld [tilespmem:s11+$0x10610]  }
0x1a1: {  	v24 =	vimm.f32 $0.0e+00;
	v6 =	vld [tilespmem:s3+$0x10];
	s2 =	sadd.f32 s2, s14  }
0x1a2: {  	v18 =	vimm.f32 $0.0e+00;
	v17 =	vimm.f32 $0.0e+00;
	v22 =	vimm.f32 $0.0e+00;
	s31 =	sor.u32 $0x3, s9;
	v8 =	vld [tilespmem:s3+$0xFFFFFFE0]  }
0x1a3: {  	v21 =	vimm.f32 $0.0e+00;
	v20 =	vimm.f32 $0.0e+00;
	v5 =	vmov s31;
	v11 =	vld [tilespmem:s3+$0x0];
	s2 =	sadd.f32 s2, s15  }
0x1a4: {  	v15 =	vimm.f32 $0.0e+00;
	v16 =	vimm.f32 $0.0e+00;
	vm0 =	veq.s32 v5, v0  }
0x1a5: {  	v7 =	vimm.f32 $0.0e+00;
	v9 =	vunpack.i.u.bf16.f32 v3;
	v2 =	vsel vm0, s2, v2  }
0x1a6: {  	v13 =	vunpack.i.l.bf16.f32 v3;
	v10 =	vunpack.i.u.bf16.f32 v6;
	v14 =	vunpack.i.l.bf16.f32 v6  }
0x1a7: {  	v3 =	vadd.f32 v4, v7;
	v26 =	vunpack.i.l.bf16.f32 v8;
	v23 =	vunpack.i.u.bf16.f32 v8  }
0x1a8: {  	v19 =	vunpack.i.u.bf16.f32 v11;
	v6 =	vimm.f32 $0.0e+00;
	v8 =	vimm.f32 $0.0e+00  }
0x1a9: {  	v5 =	vadd.f32 v9, v7;
	v4 =	vmul.f32 v10, v10;
	v27 =	vmul.f32 v13, v13  }
0x1aa: {  	v12 =	vadd.f32 v13, v7;
	v25 =	vmul.f32 v9, v9;
	v28 =	vmul.f32 v23, v23  }
0x1ab: {  	s10 =	simm.s32 $0x40;
	s2 =	simm.s32 $0x8470;
	v9 =	vimm.f32 $0.0e+00;
	v13 =	vimm.f32 $0.0e+00;
	v4 =	vadd.f32 v4, v7  }
.LBB2_11:
0x1ac: {  	v29 =	vld [tilespmem:s2+$0xFFFFFFF0];
	s3 =	sshra.s32 s10, $0x2;
	p1 =	sne.s32 s10, $0x18C0;
	s10 =	sadd.s32 $0x40, s10;
	v30 =	vmul.f32 v26, v26;
	v7 =	vadd.f32 v27, v7;
	v9 =	vadd.f32 v14, v9  }
0x1ad: {  	v22 =	vadd.f32 v26, v22;
	v14 =	vmul.f32 v14, v14;
	v27 =	vld [tilespmem:s3+$0x10610];
	v20 =	vadd.f32 v28, v20  }
0x1ae: {  	v6 =	vadd.f32 v10, v6;
	v28 =	vmul.f32 v19, v19;
	v26 =	vld [tilespmem:s2+$0x10];
	v21 =	vadd.f32 v30, v21  }
0x1af: {  	v15 =	vadd.f32 v25, v15;
	v10 =	vunpack.i.l.bf16.f32 v11;
	v8 =	vadd.f32 v14, v8;
	v30 =	vld [tilespmem:s2+$0xFFFFFFE0]  }
0x1b0: {  	v18 =	vadd.f32 v10, v18;
	v10 =	vmul.f32 v10, v10;
	v13 =	vadd.f32 v28, v13;
	v11 =	vld [tilespmem:s2+$0x0]  }
0x1b1: {  	v24 =	vadd.f32 v23, v24;
	v16 =	vadd.f32 v19, v16;
	v25 =	vunpack.i.u.bf16.f32 v29  }
.Ltmp6:
0x1b2: {  	v17 =	vadd.f32 v10, v17;
	v19 =	vunpack.i.l.bf16.f32 v29;
	v5 =	vadd.f32 v25, v5;
	(pc) =	sbr.rel @p1 .LBB2_11-.Ltmp6, $4  }
0x1b3: {  	v3 =	vadd.f32 v27, v3;
	v10 =	vunpack.i.u.bf16.f32 v26;
	v14 =	vunpack.i.l.bf16.f32 v26  }
0x1b4: {  	v12 =	vadd.f32 v19, v12;
	v26 =	vunpack.i.l.bf16.f32 v30;
	v29 =	vmul.f32 v10, v10  }
0x1b5: {  	v27 =	vmul.f32 v19, v19;
	v25 =	vmul.f32 v25, v25;
	v23 =	vunpack.i.u.bf16.f32 v30  }
0x1b6: {  	s2 =	sadd.s32 $0x40, s2;
	v28 =	vmul.f32 v23, v23;
	v19 =	vunpack.i.u.bf16.f32 v11;
	v4 =	vadd.f32 v29, v4  }
0x1b7: {  	v29 =	vmul.f32 v26, v26;
	v22 =	vadd.f32 v26, v22;
	v23 =	vadd.f32 v23, v24  }
0x1b8: {  	v20 =	vadd.f32 v28, v20  }
0x1b9: {  	v21 =	vadd.f32 v29, v21;
	v22 =	vmul.f32 v22, v22;
	v23 =	vmul.f32 v23, v23  }
0x1ba: {  	v7 =	vadd.f32 v27, v7;
	v11 =	vunpack.i.l.bf16.f32 v11  }
0x1bb: {  	v12 =	vmul.f32 v12, v12;
	v21 =	vsub.f32 v22, v21;
	v20 =	vsub.f32 v23, v20  }
0x1bc: {  	v15 =	vadd.f32 v25, v15;
	v5 =	vmul.f32 v5, v5;
	v18 =	vadd.f32 v11, v18  }
0x1bd: {  	v11 =	vmul.f32 v11, v11;
	v7 =	vsub.f32 v12, v7;
	v20 =	vadd.f32 v20, v21  }
0x1be: {  	v16 =	vadd.f32 v19, v16;
	v12 =	vmul.f32 v19, v19;
	v5 =	vsub.f32 v5, v15  }
0x1bf: {  	v11 =	vadd.f32 v11, v17;
	v15 =	vmul.f32 v18, v18;
	v7 =	vadd.f32 v7, v20  }
0x1c0: {  	v9 =	vadd.f32 v14, v9;
	v14 =	vmul.f32 v14, v14;
	v12 =	vadd.f32 v12, v13  }
0x1c1: {  	v5 =	vadd.f32 v5, v7;
	v7 =	vsub.f32 v15, v11;
	v11 =	vmul.f32 v16, v16  }
0x1c2: {  	v6 =	vadd.f32 v10, v6;
	v8 =	vadd.f32 v14, v8  }
0x1c3: {  	v9 =	vmul.f32 v9, v9;
	v5 =	vadd.f32 v7, v5;
	v7 =	vsub.f32 v11, v12;
	_ =	sdelay $0x1  }
0x1c4: {  	v6 =	vmul.f32 v6, v6;
	v5 =	vadd.f32 v7, v5;
	v7 =	vsub.f32 v9, v8;
	_ =	sdelay $0x1  }
0x1c5: {  	v4 =	vsub.f32 v6, v4;
	v5 =	vadd.f32 v7, v5;
	_ =	sdelay $0x1  }
0x1c6: {  	v4 =	vadd.f32 v4, v5;
	_ =	sdelay $0x1  }
0x1c7: {  	v4 =	vmul.f32 $5.000000000e-01, v4;
	_ =	sdelay $0x1  }
0x1c8: {  	v3 =	vadd.f32 v4, v3;
	_ =	sdelay $0x1  }
0x1c9: {  	(v2sf) =	vpush v3, $0x0;
	_ =	sdelay $0x1  }
0x1ca: {  	(v2sf) =	vpush v3, $0x1;
	_ =	sdelay $0x1  }
0x1cb: {  	(v2sf) =	vpush v3, $0x2;
	_ =	sdelay $0x1  }
0x1cc: {  	(v2sf) =	vpush v3, $0x3;
	_ =	sdelay $0x1  }
0x1cd: {  	(v2sf) =	vpush v3, $0x4  }
0x1ce: {  	(v2sf) =	vpush v3, $0x5  }
0x1cf: {  	(v2sf) =	vpush v3, $0x6  }
0x1d0: {  	(v2sf) =	vpush v3, $0x7  }
0x1d1: {  	(v2sf) =	vpush v3, $0x8  }
0x1d2: {  	(v2sf) =	vpush v3, $0x9;
	_ =	sdelay $0x1  }
0x1d3: {  	s2 =	spop (v2sf)  }
0x1d4: {  	(v2sf) =	vpush v3, $0xA;
	s2 =	sadd.f32 s2, s7  }
0x1d5: {  	s3 =	spop (v2sf)  }
0x1d6: {  	(v2sf) =	vpush v3, $0xB;
	s2 =	sadd.f32 s2, s3  }
0x1d7: {  	s11 =	spop (v2sf);
	(v2sf) =	vpush v3, $0xC  }
0x1d8: {  	(v2sf) =	vpush v3, $0xD;
	s2 =	sadd.f32 s2, s11  }
0x1d9: {  	s14 =	spop (v2sf);
	(v2sf) =	vpush v3, $0xE  }
0x1da: {  	(v2sf) =	vpush v3, $0xF;
	s2 =	sadd.f32 s2, s14  }
0x1db: {  	s15 =	spop (v2sf)  }
0x1dc: {  	s10 =	spop (v2sf);
	s2 =	sadd.f32 s2, s15  }
0x1dd: {  	s11 =	sadd.s32 @!p0 $0xC, s8;
	s31 =	spop (v2sf)  }
0x1de: {  	s14 =	spop (v2sf);
	s2 =	sadd.f32 s2, s10;
	s10 =	sand.u32 @!p0 $0x3C, s11  }
0x1df: {  	s11 =	spop (v2sf);
	s10 =	smul.u32 @!p0 $0x1A0, s10  }
0x1e0: {  	s15 =	spop (v2sf);
	s2 =	sadd.f32 s2, s31  }
0x1e1: {  	s31 =	simm.s32 @!p0 $0x8410;
	s3 =	sshrl.u32 @!p0 s10, $0x2;
	s10 =	simm.s32 @!p0 $0x68  }
0x1e2: {  	[tilespmem:s31], [sflag:$0x5] =	stream.indirect.gather @!p0 [hbm4b:s5+s10], $0x40, s3, s10, $0xb8;
	[tilespmem:$0x12010] =	vst v63  }
0x1e3: {  	s31 =	spop (v2sf);
	s2 =	sadd.f32 s2, s14;
	s14 =	simm.s32 @!p0 $0x10610  }
0x1e4: {  	[tilespmem:s14], [sflag:$0xD] =	stream.indirect.gather @!p0 [hbm4b:s6+s10], $0x10, s3, s10, $0xb8;
	[tilespmem:$0x12010] =	vst v63  }
0x1e5: {  	s3 =	spop (v2sf)  }
0x1e6: {  	s2 =	sadd.f32 s2, s11;
	s10 =	spop (v2sf)  }
0x1e7: {  	s11 =	spop (v2sf)  }
0x1e8: {  	s2 =	sadd.f32 s2, s15;
	s14 =	spop (v2sf)  }
0x1e9: {  	s15 =	spop (v2sf)  }
0x1ea: {  	s2 =	sadd.f32 s2, s31;
	_ =	swait.ge [sflag:s0], $0x1A00  }
0x1eb: {  	[sflag:s0] =	ssyncset.done $0x0  }
0x1ec: {  	s2 =	sadd.f32 s2, s3;
	[sflag:s0] =	ssyncadd.s32 $0xFFFFE600  }
0x1ed: {  	_ =	swait.ge [sflag:s1], $0x680  }
0x1ee: {  	s2 =	sadd.f32 s2, s10;
	[sflag:s1] =	ssyncset.done $0x0  }
0x1ef: {  	s3 =	simm.s32 $0x9E30;
	[sflag:s1] =	ssyncadd.s32 $0xFFFFF980  }
0x1f0: {  	s2 =	sadd.f32 s2, s11;
	s11 =	simm.s32 $0x0;
	v3 =	vld [tilespmem:s3+$0xFFFFFFF0]  }
0x1f1: {  	v4 =	vld [tilespmem:s11+$0x10C90]  }
0x1f2: {  	v24 =	vimm.f32 $0.0e+00;
	v6 =	vld [tilespmem:s3+$0x10];
	s2 =	sadd.f32 s2, s14  }
0x1f3: {  	v18 =	vimm.f32 $0.0e+00;
	v17 =	vimm.f32 $0.0e+00;
	v22 =	vimm.f32 $0.0e+00;
	s31 =	sor.u32 $0x4, s9;
	v8 =	vld [tilespmem:s3+$0xFFFFFFE0]  }
0x1f4: {  	v21 =	vimm.f32 $0.0e+00;
	v20 =	vimm.f32 $0.0e+00;
	v5 =	vmov s31;
	v11 =	vld [tilespmem:s3+$0x0];
	s2 =	sadd.f32 s2, s15  }
0x1f5: {  	v15 =	vimm.f32 $0.0e+00;
	v16 =	vimm.f32 $0.0e+00;
	vm0 =	veq.s32 v5, v0  }
0x1f6: {  	v7 =	vimm.f32 $0.0e+00;
	v9 =	vunpack.i.u.bf16.f32 v3;
	v2 =	vsel vm0, s2, v2  }
0x1f7: {  	v13 =	vunpack.i.l.bf16.f32 v3;
	v10 =	vunpack.i.u.bf16.f32 v6;
	v14 =	vunpack.i.l.bf16.f32 v6  }
0x1f8: {  	v3 =	vadd.f32 v4, v7;
	v26 =	vunpack.i.l.bf16.f32 v8;
	v23 =	vunpack.i.u.bf16.f32 v8  }
0x1f9: {  	v19 =	vunpack.i.u.bf16.f32 v11;
	v6 =	vimm.f32 $0.0e+00;
	v8 =	vimm.f32 $0.0e+00  }
0x1fa: {  	v5 =	vadd.f32 v9, v7;
	v4 =	vmul.f32 v10, v10;
	v27 =	vmul.f32 v13, v13  }
0x1fb: {  	v12 =	vadd.f32 v13, v7;
	v25 =	vmul.f32 v9, v9;
	v28 =	vmul.f32 v23, v23  }
0x1fc: {  	s10 =	simm.s32 $0x40;
	s2 =	simm.s32 $0x9E70;
	v9 =	vimm.f32 $0.0e+00;
	v13 =	vimm.f32 $0.0e+00;
	v4 =	vadd.f32 v4, v7  }
.LBB2_13:
0x1fd: {  	v29 =	vld [tilespmem:s2+$0xFFFFFFF0];
	s3 =	sshra.s32 s10, $0x2;
	p1 =	sne.s32 s10, $0x18C0;
	s10 =	sadd.s32 $0x40, s10;
	v30 =	vmul.f32 v26, v26;
	v7 =	vadd.f32 v27, v7;
	v9 =	vadd.f32 v14, v9  }
0x1fe: {  	v22 =	vadd.f32 v26, v22;
	v14 =	vmul.f32 v14, v14;
	v27 =	vld [tilespmem:s3+$0x10C90];
	v20 =	vadd.f32 v28, v20  }
0x1ff: {  	v6 =	vadd.f32 v10, v6;
	v28 =	vmul.f32 v19, v19;
	v26 =	vld [tilespmem:s2+$0x10];
	v21 =	vadd.f32 v30, v21  }
0x200: {  	v15 =	vadd.f32 v25, v15;
	v10 =	vunpack.i.l.bf16.f32 v11;
	v8 =	vadd.f32 v14, v8;
	v30 =	vld [tilespmem:s2+$0xFFFFFFE0]  }
0x201: {  	v18 =	vadd.f32 v10, v18;
	v10 =	vmul.f32 v10, v10;
	v13 =	vadd.f32 v28, v13;
	v11 =	vld [tilespmem:s2+$0x0]  }
0x202: {  	v24 =	vadd.f32 v23, v24;
	v16 =	vadd.f32 v19, v16;
	v25 =	vunpack.i.u.bf16.f32 v29  }
.Ltmp7:
0x203: {  	v17 =	vadd.f32 v10, v17;
	v19 =	vunpack.i.l.bf16.f32 v29;
	v5 =	vadd.f32 v25, v5;
	(pc) =	sbr.rel @p1 .LBB2_13-.Ltmp7, $4  }
0x204: {  	v3 =	vadd.f32 v27, v3;
	v10 =	vunpack.i.u.bf16.f32 v26;
	v14 =	vunpack.i.l.bf16.f32 v26  }
0x205: {  	v12 =	vadd.f32 v19, v12;
	v26 =	vunpack.i.l.bf16.f32 v30;
	v29 =	vmul.f32 v10, v10  }
0x206: {  	v27 =	vmul.f32 v19, v19;
	v25 =	vmul.f32 v25, v25;
	v23 =	vunpack.i.u.bf16.f32 v30  }
0x207: {  	s2 =	sadd.s32 $0x40, s2;
	v28 =	vmul.f32 v23, v23;
	v19 =	vunpack.i.u.bf16.f32 v11;
	v4 =	vadd.f32 v29, v4  }
0x208: {  	v29 =	vmul.f32 v26, v26;
	v22 =	vadd.f32 v26, v22;
	v23 =	vadd.f32 v23, v24  }
0x209: {  	v20 =	vadd.f32 v28, v20  }
0x20a: {  	v21 =	vadd.f32 v29, v21;
	v22 =	vmul.f32 v22, v22;
	v23 =	vmul.f32 v23, v23  }
0x20b: {  	v7 =	vadd.f32 v27, v7;
	v11 =	vunpack.i.l.bf16.f32 v11  }
0x20c: {  	v12 =	vmul.f32 v12, v12;
	v21 =	vsub.f32 v22, v21;
	v20 =	vsub.f32 v23, v20  }
0x20d: {  	v15 =	vadd.f32 v25, v15;
	v5 =	vmul.f32 v5, v5;
	v18 =	vadd.f32 v11, v18  }
0x20e: {  	v11 =	vmul.f32 v11, v11;
	v7 =	vsub.f32 v12, v7;
	v20 =	vadd.f32 v20, v21  }
0x20f: {  	v16 =	vadd.f32 v19, v16;
	v12 =	vmul.f32 v19, v19;
	v5 =	vsub.f32 v5, v15  }
0x210: {  	v11 =	vadd.f32 v11, v17;
	v15 =	vmul.f32 v18, v18;
	v7 =	vadd.f32 v7, v20  }
0x211: {  	v9 =	vadd.f32 v14, v9;
	v14 =	vmul.f32 v14, v14;
	v12 =	vadd.f32 v12, v13  }
0x212: {  	v5 =	vadd.f32 v5, v7;
	v7 =	vsub.f32 v15, v11;
	v11 =	vmul.f32 v16, v16  }
0x213: {  	v6 =	vadd.f32 v10, v6;
	v8 =	vadd.f32 v14, v8  }
0x214: {  	v9 =	vmul.f32 v9, v9;
	v5 =	vadd.f32 v7, v5;
	v7 =	vsub.f32 v11, v12;
	_ =	sdelay $0x1  }
0x215: {  	v6 =	vmul.f32 v6, v6;
	v5 =	vadd.f32 v7, v5;
	v7 =	vsub.f32 v9, v8;
	_ =	sdelay $0x1  }
0x216: {  	v4 =	vsub.f32 v6, v4;
	v5 =	vadd.f32 v7, v5;
	_ =	sdelay $0x1  }
0x217: {  	v4 =	vadd.f32 v4, v5;
	_ =	sdelay $0x1  }
0x218: {  	v4 =	vmul.f32 $5.000000000e-01, v4;
	_ =	sdelay $0x1  }
0x219: {  	v3 =	vadd.f32 v4, v3;
	_ =	sdelay $0x1  }
0x21a: {  	(v2sf) =	vpush v3, $0x0;
	_ =	sdelay $0x1  }
0x21b: {  	(v2sf) =	vpush v3, $0x1;
	_ =	sdelay $0x1  }
0x21c: {  	(v2sf) =	vpush v3, $0x2;
	_ =	sdelay $0x1  }
0x21d: {  	(v2sf) =	vpush v3, $0x3;
	_ =	sdelay $0x1  }
0x21e: {  	(v2sf) =	vpush v3, $0x4  }
0x21f: {  	(v2sf) =	vpush v3, $0x5  }
0x220: {  	(v2sf) =	vpush v3, $0x6  }
0x221: {  	(v2sf) =	vpush v3, $0x7  }
0x222: {  	(v2sf) =	vpush v3, $0x8  }
0x223: {  	(v2sf) =	vpush v3, $0x9;
	_ =	sdelay $0x1  }
0x224: {  	s2 =	spop (v2sf)  }
0x225: {  	(v2sf) =	vpush v3, $0xA;
	s2 =	sadd.f32 s2, s7  }
0x226: {  	s3 =	spop (v2sf)  }
0x227: {  	(v2sf) =	vpush v3, $0xB;
	s2 =	sadd.f32 s2, s3  }
0x228: {  	s11 =	spop (v2sf);
	(v2sf) =	vpush v3, $0xC  }
0x229: {  	(v2sf) =	vpush v3, $0xD;
	s2 =	sadd.f32 s2, s11  }
0x22a: {  	s14 =	spop (v2sf);
	(v2sf) =	vpush v3, $0xE  }
0x22b: {  	(v2sf) =	vpush v3, $0xF;
	s2 =	sadd.f32 s2, s14  }
0x22c: {  	s15 =	spop (v2sf)  }
0x22d: {  	s10 =	spop (v2sf);
	s2 =	sadd.f32 s2, s15  }
0x22e: {  	s11 =	sadd.s32 @!p0 $0xD, s8;
	s31 =	spop (v2sf)  }
0x22f: {  	s14 =	spop (v2sf);
	s2 =	sadd.f32 s2, s10;
	s10 =	sand.u32 @!p0 $0x3D, s11  }
0x230: {  	s11 =	spop (v2sf);
	s10 =	smul.u32 @!p0 $0x1A0, s10  }
0x231: {  	s15 =	spop (v2sf);
	s2 =	sadd.f32 s2, s31  }
0x232: {  	s31 =	simm.s32 @!p0 $0x9E10;
	s3 =	sshrl.u32 @!p0 s10, $0x2;
	s10 =	simm.s32 @!p0 $0x68  }
0x233: {  	[tilespmem:s31], [sflag:$0x6] =	stream.indirect.gather @!p0 [hbm4b:s5+s10], $0x40, s3, s10, $0xb8;
	[tilespmem:$0x12010] =	vst v63  }
0x234: {  	s31 =	spop (v2sf);
	s2 =	sadd.f32 s2, s14;
	s14 =	simm.s32 @!p0 $0x10C90  }
0x235: {  	[tilespmem:s14], [sflag:$0xE] =	stream.indirect.gather @!p0 [hbm4b:s6+s10], $0x10, s3, s10, $0xb8;
	[tilespmem:$0x12010] =	vst v63  }
0x236: {  	s3 =	spop (v2sf)  }
0x237: {  	s2 =	sadd.f32 s2, s11;
	s10 =	spop (v2sf)  }
0x238: {  	s11 =	spop (v2sf)  }
0x239: {  	s2 =	sadd.f32 s2, s15;
	s14 =	spop (v2sf)  }
0x23a: {  	s15 =	spop (v2sf)  }
0x23b: {  	s2 =	sadd.f32 s2, s31;
	_ =	swait.ge [sflag:s18], $0x1A00  }
0x23c: {  	[sflag:s18] =	ssyncset.done $0x0  }
0x23d: {  	s2 =	sadd.f32 s2, s3;
	[sflag:s18] =	ssyncadd.s32 $0xFFFFE600  }
0x23e: {  	_ =	swait.ge [sflag:s21], $0x680  }
0x23f: {  	s2 =	sadd.f32 s2, s10;
	[sflag:s21] =	ssyncset.done $0x0  }
0x240: {  	s3 =	simm.s32 $0xB830;
	[sflag:s21] =	ssyncadd.s32 $0xFFFFF980  }
0x241: {  	s2 =	sadd.f32 s2, s11;
	s11 =	simm.s32 $0x0;
	v3 =	vld [tilespmem:s3+$0xFFFFFFF0]  }
0x242: {  	v4 =	vld [tilespmem:s11+$0x11310]  }
0x243: {  	v24 =	vimm.f32 $0.0e+00;
	v6 =	vld [tilespmem:s3+$0x10];
	s2 =	sadd.f32 s2, s14  }
0x244: {  	v18 =	vimm.f32 $0.0e+00;
	v17 =	vimm.f32 $0.0e+00;
	v22 =	vimm.f32 $0.0e+00;
	s31 =	sor.u32 $0x5, s9;
	v8 =	vld [tilespmem:s3+$0xFFFFFFE0]  }
0x245: {  	v21 =	vimm.f32 $0.0e+00;
	v20 =	vimm.f32 $0.0e+00;
	v5 =	vmov s31;
	v11 =	vld [tilespmem:s3+$0x0];
	s2 =	sadd.f32 s2, s15  }
0x246: {  	v15 =	vimm.f32 $0.0e+00;
	v16 =	vimm.f32 $0.0e+00;
	vm0 =	veq.s32 v5, v0  }
0x247: {  	v7 =	vimm.f32 $0.0e+00;
	v9 =	vunpack.i.u.bf16.f32 v3;
	v2 =	vsel vm0, s2, v2  }
0x248: {  	v13 =	vunpack.i.l.bf16.f32 v3;
	v10 =	vunpack.i.u.bf16.f32 v6;
	v14 =	vunpack.i.l.bf16.f32 v6  }
0x249: {  	v3 =	vadd.f32 v4, v7;
	v26 =	vunpack.i.l.bf16.f32 v8;
	v23 =	vunpack.i.u.bf16.f32 v8  }
0x24a: {  	v19 =	vunpack.i.u.bf16.f32 v11;
	v6 =	vimm.f32 $0.0e+00;
	v8 =	vimm.f32 $0.0e+00  }
0x24b: {  	v5 =	vadd.f32 v9, v7;
	v4 =	vmul.f32 v10, v10;
	v27 =	vmul.f32 v13, v13  }
0x24c: {  	v12 =	vadd.f32 v13, v7;
	v25 =	vmul.f32 v9, v9;
	v28 =	vmul.f32 v23, v23  }
0x24d: {  	s10 =	simm.s32 $0x40;
	s2 =	simm.s32 $0xB870;
	v9 =	vimm.f32 $0.0e+00;
	v13 =	vimm.f32 $0.0e+00;
	v4 =	vadd.f32 v4, v7  }
.LBB2_15:
0x24e: {  	v29 =	vld [tilespmem:s2+$0xFFFFFFF0];
	s3 =	sshra.s32 s10, $0x2;
	p1 =	sne.s32 s10, $0x18C0;
	s10 =	sadd.s32 $0x40, s10;
	v30 =	vmul.f32 v26, v26;
	v7 =	vadd.f32 v27, v7;
	v9 =	vadd.f32 v14, v9  }
0x24f: {  	v22 =	vadd.f32 v26, v22;
	v14 =	vmul.f32 v14, v14;
	v27 =	vld [tilespmem:s3+$0x11310];
	v20 =	vadd.f32 v28, v20  }
0x250: {  	v6 =	vadd.f32 v10, v6;
	v28 =	vmul.f32 v19, v19;
	v26 =	vld [tilespmem:s2+$0x10];
	v21 =	vadd.f32 v30, v21  }
0x251: {  	v15 =	vadd.f32 v25, v15;
	v10 =	vunpack.i.l.bf16.f32 v11;
	v8 =	vadd.f32 v14, v8;
	v30 =	vld [tilespmem:s2+$0xFFFFFFE0]  }
0x252: {  	v18 =	vadd.f32 v10, v18;
	v10 =	vmul.f32 v10, v10;
	v13 =	vadd.f32 v28, v13;
	v11 =	vld [tilespmem:s2+$0x0]  }
0x253: {  	v24 =	vadd.f32 v23, v24;
	v16 =	vadd.f32 v19, v16;
	v25 =	vunpack.i.u.bf16.f32 v29  }
.Ltmp8:
0x254: {  	v17 =	vadd.f32 v10, v17;
	v19 =	vunpack.i.l.bf16.f32 v29;
	v5 =	vadd.f32 v25, v5;
	(pc) =	sbr.rel @p1 .LBB2_15-.Ltmp8, $4  }
0x255: {  	v3 =	vadd.f32 v27, v3;
	v10 =	vunpack.i.u.bf16.f32 v26;
	v14 =	vunpack.i.l.bf16.f32 v26  }
0x256: {  	v12 =	vadd.f32 v19, v12;
	v26 =	vunpack.i.l.bf16.f32 v30;
	v29 =	vmul.f32 v10, v10  }
0x257: {  	v27 =	vmul.f32 v19, v19;
	v25 =	vmul.f32 v25, v25;
	v23 =	vunpack.i.u.bf16.f32 v30  }
0x258: {  	s2 =	sadd.s32 $0x40, s2;
	v28 =	vmul.f32 v23, v23;
	v19 =	vunpack.i.u.bf16.f32 v11;
	v4 =	vadd.f32 v29, v4  }
0x259: {  	v29 =	vmul.f32 v26, v26;
	v22 =	vadd.f32 v26, v22;
	v23 =	vadd.f32 v23, v24  }
0x25a: {  	v20 =	vadd.f32 v28, v20  }
0x25b: {  	v21 =	vadd.f32 v29, v21;
	v22 =	vmul.f32 v22, v22;
	v23 =	vmul.f32 v23, v23  }
0x25c: {  	v7 =	vadd.f32 v27, v7;
	v11 =	vunpack.i.l.bf16.f32 v11  }
0x25d: {  	v12 =	vmul.f32 v12, v12;
	v21 =	vsub.f32 v22, v21;
	v20 =	vsub.f32 v23, v20  }
0x25e: {  	v15 =	vadd.f32 v25, v15;
	v5 =	vmul.f32 v5, v5;
	v18 =	vadd.f32 v11, v18  }
0x25f: {  	v11 =	vmul.f32 v11, v11;
	v7 =	vsub.f32 v12, v7;
	v20 =	vadd.f32 v20, v21  }
0x260: {  	v16 =	vadd.f32 v19, v16;
	v12 =	vmul.f32 v19, v19;
	v5 =	vsub.f32 v5, v15  }
0x261: {  	v11 =	vadd.f32 v11, v17;
	v15 =	vmul.f32 v18, v18;
	v7 =	vadd.f32 v7, v20  }
0x262: {  	v9 =	vadd.f32 v14, v9;
	v14 =	vmul.f32 v14, v14;
	v12 =	vadd.f32 v12, v13  }
0x263: {  	v5 =	vadd.f32 v5, v7;
	v7 =	vsub.f32 v15, v11;
	v11 =	vmul.f32 v16, v16  }
0x264: {  	v6 =	vadd.f32 v10, v6;
	v8 =	vadd.f32 v14, v8  }
0x265: {  	v9 =	vmul.f32 v9, v9;
	v5 =	vadd.f32 v7, v5;
	v7 =	vsub.f32 v11, v12;
	_ =	sdelay $0x1  }
0x266: {  	v6 =	vmul.f32 v6, v6;
	v5 =	vadd.f32 v7, v5;
	v7 =	vsub.f32 v9, v8;
	_ =	sdelay $0x1  }
0x267: {  	v4 =	vsub.f32 v6, v4;
	v5 =	vadd.f32 v7, v5;
	_ =	sdelay $0x1  }
0x268: {  	v4 =	vadd.f32 v4, v5;
	_ =	sdelay $0x1  }
0x269: {  	v4 =	vmul.f32 $5.000000000e-01, v4;
	_ =	sdelay $0x1  }
0x26a: {  	v3 =	vadd.f32 v4, v3;
	_ =	sdelay $0x1  }
0x26b: {  	(v2sf) =	vpush v3, $0x0;
	_ =	sdelay $0x1  }
0x26c: {  	(v2sf) =	vpush v3, $0x1;
	_ =	sdelay $0x1  }
0x26d: {  	(v2sf) =	vpush v3, $0x2;
	_ =	sdelay $0x1  }
0x26e: {  	(v2sf) =	vpush v3, $0x3;
	_ =	sdelay $0x1  }
0x26f: {  	(v2sf) =	vpush v3, $0x4  }
0x270: {  	(v2sf) =	vpush v3, $0x5  }
0x271: {  	(v2sf) =	vpush v3, $0x6  }
0x272: {  	(v2sf) =	vpush v3, $0x7  }
0x273: {  	(v2sf) =	vpush v3, $0x8  }
0x274: {  	(v2sf) =	vpush v3, $0x9;
	_ =	sdelay $0x1  }
0x275: {  	s2 =	spop (v2sf)  }
0x276: {  	(v2sf) =	vpush v3, $0xA;
	s2 =	sadd.f32 s2, s7  }
0x277: {  	s3 =	spop (v2sf)  }
0x278: {  	(v2sf) =	vpush v3, $0xB;
	s2 =	sadd.f32 s2, s3  }
0x279: {  	s11 =	spop (v2sf);
	(v2sf) =	vpush v3, $0xC  }
0x27a: {  	(v2sf) =	vpush v3, $0xD;
	s2 =	sadd.f32 s2, s11  }
0x27b: {  	s14 =	spop (v2sf);
	(v2sf) =	vpush v3, $0xE  }
0x27c: {  	(v2sf) =	vpush v3, $0xF;
	s2 =	sadd.f32 s2, s14  }
0x27d: {  	s15 =	spop (v2sf)  }
0x27e: {  	s10 =	spop (v2sf);
	s2 =	sadd.f32 s2, s15  }
0x27f: {  	s11 =	sadd.s32 @!p0 $0xE, s8;
	s31 =	spop (v2sf)  }
0x280: {  	s14 =	spop (v2sf);
	s2 =	sadd.f32 s2, s10;
	s10 =	sand.u32 @!p0 $0x3E, s11  }
0x281: {  	s11 =	spop (v2sf);
	s10 =	smul.u32 @!p0 $0x1A0, s10  }
0x282: {  	s15 =	spop (v2sf);
	s2 =	sadd.f32 s2, s31  }
0x283: {  	s31 =	simm.s32 @!p0 $0xB810;
	s3 =	sshrl.u32 @!p0 s10, $0x2;
	s10 =	simm.s32 @!p0 $0x68  }
0x284: {  	[tilespmem:s31], [sflag:$0x7] =	stream.indirect.gather @!p0 [hbm4b:s5+s10], $0x40, s3, s10, $0xb8;
	[tilespmem:$0x12010] =	vst v63  }
0x285: {  	s31 =	spop (v2sf);
	s2 =	sadd.f32 s2, s14;
	s14 =	simm.s32 @!p0 $0x11310  }
0x286: {  	[tilespmem:s14], [sflag:$0xF] =	stream.indirect.gather @!p0 [hbm4b:s6+s10], $0x10, s3, s10, $0xb8;
	[tilespmem:$0x12010] =	vst v63  }
0x287: {  	s3 =	spop (v2sf)  }
0x288: {  	s2 =	sadd.f32 s2, s11;
	s10 =	spop (v2sf)  }
0x289: {  	s11 =	spop (v2sf)  }
0x28a: {  	s2 =	sadd.f32 s2, s15;
	s14 =	spop (v2sf)  }
0x28b: {  	s15 =	spop (v2sf)  }
0x28c: {  	s2 =	sadd.f32 s2, s31;
	_ =	swait.ge [sflag:s24], $0x1A00  }
0x28d: {  	[sflag:s24] =	ssyncset.done $0x0  }
0x28e: {  	s2 =	sadd.f32 s2, s3;
	[sflag:s24] =	ssyncadd.s32 $0xFFFFE600  }
0x28f: {  	_ =	swait.ge [sflag:s28], $0x680  }
0x290: {  	s2 =	sadd.f32 s2, s10;
	[sflag:s28] =	ssyncset.done $0x0  }
0x291: {  	s3 =	simm.s32 $0xD230;
	[sflag:s28] =	ssyncadd.s32 $0xFFFFF980  }
0x292: {  	s2 =	sadd.f32 s2, s11;
	s11 =	simm.s32 $0x0;
	v3 =	vld [tilespmem:s3+$0xFFFFFFF0]  }
0x293: {  	v4 =	vld [tilespmem:s11+$0x11990]  }
0x294: {  	v24 =	vimm.f32 $0.0e+00;
	v6 =	vld [tilespmem:s3+$0x10];
	s2 =	sadd.f32 s2, s14  }
0x295: {  	v18 =	vimm.f32 $0.0e+00;
	v17 =	vimm.f32 $0.0e+00;
	v22 =	vimm.f32 $0.0e+00;
	s31 =	sor.u32 $0x6, s9;
	v8 =	vld [tilespmem:s3+$0xFFFFFFE0]  }
0x296: {  	v21 =	vimm.f32 $0.0e+00;
	v20 =	vimm.f32 $0.0e+00;
	v5 =	vmov s31;
	v11 =	vld [tilespmem:s3+$0x0];
	s2 =	sadd.f32 s2, s15  }
0x297: {  	v15 =	vimm.f32 $0.0e+00;
	v16 =	vimm.f32 $0.0e+00;
	vm0 =	veq.s32 v5, v0  }
0x298: {  	v7 =	vimm.f32 $0.0e+00;
	v9 =	vunpack.i.u.bf16.f32 v3;
	v2 =	vsel vm0, s2, v2  }
0x299: {  	v13 =	vunpack.i.l.bf16.f32 v3;
	v10 =	vunpack.i.u.bf16.f32 v6;
	v14 =	vunpack.i.l.bf16.f32 v6  }
0x29a: {  	v3 =	vadd.f32 v4, v7;
	v26 =	vunpack.i.l.bf16.f32 v8;
	v23 =	vunpack.i.u.bf16.f32 v8  }
0x29b: {  	v19 =	vunpack.i.u.bf16.f32 v11;
	v6 =	vimm.f32 $0.0e+00;
	v8 =	vimm.f32 $0.0e+00  }
0x29c: {  	v5 =	vadd.f32 v9, v7;
	v4 =	vmul.f32 v10, v10;
	v27 =	vmul.f32 v13, v13  }
0x29d: {  	v12 =	vadd.f32 v13, v7;
	v25 =	vmul.f32 v9, v9;
	v28 =	vmul.f32 v23, v23  }
0x29e: {  	s10 =	simm.s32 $0x40;
	s2 =	simm.s32 $0xD270;
	v9 =	vimm.f32 $0.0e+00;
	v13 =	vimm.f32 $0.0e+00;
	v4 =	vadd.f32 v4, v7  }
.LBB2_17:
0x29f: {  	v29 =	vld [tilespmem:s2+$0xFFFFFFF0];
	s3 =	sshra.s32 s10, $0x2;
	p1 =	sne.s32 s10, $0x18C0;
	s10 =	sadd.s32 $0x40, s10;
	v30 =	vmul.f32 v26, v26;
	v7 =	vadd.f32 v27, v7;
	v9 =	vadd.f32 v14, v9  }
0x2a0: {  	v22 =	vadd.f32 v26, v22;
	v14 =	vmul.f32 v14, v14;
	v27 =	vld [tilespmem:s3+$0x11990];
	v20 =	vadd.f32 v28, v20  }
0x2a1: {  	v6 =	vadd.f32 v10, v6;
	v28 =	vmul.f32 v19, v19;
	v26 =	vld [tilespmem:s2+$0x10];
	v21 =	vadd.f32 v30, v21  }
0x2a2: {  	v15 =	vadd.f32 v25, v15;
	v10 =	vunpack.i.l.bf16.f32 v11;
	v8 =	vadd.f32 v14, v8;
	v30 =	vld [tilespmem:s2+$0xFFFFFFE0]  }
0x2a3: {  	v18 =	vadd.f32 v10, v18;
	v10 =	vmul.f32 v10, v10;
	v13 =	vadd.f32 v28, v13;
	v11 =	vld [tilespmem:s2+$0x0]  }
0x2a4: {  	v24 =	vadd.f32 v23, v24;
	v16 =	vadd.f32 v19, v16;
	v25 =	vunpack.i.u.bf16.f32 v29  }
.Ltmp9:
0x2a5: {  	v17 =	vadd.f32 v10, v17;
	v19 =	vunpack.i.l.bf16.f32 v29;
	v5 =	vadd.f32 v25, v5;
	(pc) =	sbr.rel @p1 .LBB2_17-.Ltmp9, $4  }
0x2a6: {  	v3 =	vadd.f32 v27, v3;
	v10 =	vunpack.i.u.bf16.f32 v26;
	v14 =	vunpack.i.l.bf16.f32 v26  }
0x2a7: {  	v12 =	vadd.f32 v19, v12;
	v26 =	vunpack.i.l.bf16.f32 v30;
	v29 =	vmul.f32 v10, v10  }
0x2a8: {  	v27 =	vmul.f32 v19, v19;
	v25 =	vmul.f32 v25, v25;
	v23 =	vunpack.i.u.bf16.f32 v30  }
0x2a9: {  	s2 =	sadd.s32 $0x40, s2;
	v28 =	vmul.f32 v23, v23;
	v19 =	vunpack.i.u.bf16.f32 v11;
	v4 =	vadd.f32 v29, v4  }
0x2aa: {  	v29 =	vmul.f32 v26, v26;
	v22 =	vadd.f32 v26, v22;
	v23 =	vadd.f32 v23, v24  }
0x2ab: {  	v20 =	vadd.f32 v28, v20  }
0x2ac: {  	v21 =	vadd.f32 v29, v21;
	v22 =	vmul.f32 v22, v22;
	v23 =	vmul.f32 v23, v23  }
0x2ad: {  	v7 =	vadd.f32 v27, v7;
	v11 =	vunpack.i.l.bf16.f32 v11  }
0x2ae: {  	v12 =	vmul.f32 v12, v12;
	v21 =	vsub.f32 v22, v21;
	v20 =	vsub.f32 v23, v20  }
0x2af: {  	v15 =	vadd.f32 v25, v15;
	v5 =	vmul.f32 v5, v5;
	v18 =	vadd.f32 v11, v18  }
0x2b0: {  	v11 =	vmul.f32 v11, v11;
	v7 =	vsub.f32 v12, v7;
	v20 =	vadd.f32 v20, v21  }
0x2b1: {  	v57 =	vmul.f32 v19, v19;
	v16 =	vadd.f32 v19, v16;
	v5 =	vsub.f32 v5, v15  }
0x2b2: {  	v11 =	vadd.f32 v11, v17;
	v58 =	vmul.f32 v18, v18;
	v7 =	vadd.f32 v7, v20  }
0x2b3: {  	v9 =	vadd.f32 v14, v9;
	v59 =	vmul.f32 v14, v14;
	v12 =	vadd.f32 v57, v13  }
0x2b4: {  	v61 =	vmul.f32 v16, v16;
	v60 =	vsub.f32 v58, v11;
	v5 =	vadd.f32 v5, v7  }
0x2b5: {  	v6 =	vadd.f32 v10, v6;
	v8 =	vadd.f32 v59, v8  }
0x2b6: {  	v9 =	vmul.f32 v9, v9;
	v62 =	vsub.f32 v61, v12;
	v5 =	vadd.f32 v60, v5;
	_ =	sdelay $0x1  }
0x2b7: {  	v6 =	vmul.f32 v6, v6;
	v63 =	vsub.f32 v9, v8;
	v5 =	vadd.f32 v62, v5;
	_ =	sdelay $0x1  }
0x2b8: {  	v4 =	vsub.f32 v6, v4;
	v5 =	vadd.f32 v63, v5;
	_ =	sdelay $0x1  }
0x2b9: {  	v4 =	vadd.f32 v4, v5;
	_ =	sdelay $0x1  }
0x2ba: {  	v4 =	vmul.f32 $5.000000000e-01, v4;
	_ =	sdelay $0x1  }
0x2bb: {  	v3 =	vadd.f32 v4, v3;
	_ =	sdelay $0x1  }
0x2bc: {  	(v2sf) =	vpush v3, $0x0;
	_ =	sdelay $0x1  }
0x2bd: {  	(v2sf) =	vpush v3, $0x1;
	_ =	sdelay $0x1  }
0x2be: {  	(v2sf) =	vpush v3, $0x2;
	_ =	sdelay $0x1  }
0x2bf: {  	(v2sf) =	vpush v3, $0x3;
	_ =	sdelay $0x1  }
0x2c0: {  	(v2sf) =	vpush v3, $0x4;
	_ =	sdelay $0x1  }
0x2c1: {  	(v2sf) =	vpush v3, $0x5;
	_ =	sdelay $0x1  }
0x2c2: {  	(v2sf) =	vpush v3, $0x6;
	_ =	sdelay $0x1  }
0x2c3: {  	(v2sf) =	vpush v3, $0x7  }
0x2c4: {  	s2 =	spop (v2sf)  }
0x2c5: {  	(v2sf) =	vpush v3, $0x8;
	s2 =	sadd.f32 s2, s7  }
0x2c6: {  	s3 =	spop (v2sf)  }
0x2c7: {  	(v2sf) =	vpush v3, $0x9;
	s2 =	sadd.f32 s2, s3  }
0x2c8: {  	s11 =	spop (v2sf)  }
0x2c9: {  	(v2sf) =	vpush v3, $0xA;
	s2 =	sadd.f32 s2, s11  }
0x2ca: {  	s14 =	spop (v2sf)  }
0x2cb: {  	(v2sf) =	vpush v3, $0xB;
	s2 =	sadd.f32 s2, s14  }
0x2cc: {  	s15 =	spop (v2sf)  }
0x2cd: {  	(v2sf) =	vpush v3, $0xC;
	s2 =	sadd.f32 s2, s15  }
0x2ce: {  	s31 =	spop (v2sf)  }
0x2cf: {  	(v2sf) =	vpush v3, $0xD;
	s2 =	sadd.f32 s2, s31  }
0x2d0: {  	s10 =	spop (v2sf)  }
0x2d1: {  	(v2sf) =	vpush v3, $0xE;
	s2 =	sadd.f32 s2, s10  }
0x2d2: {  	s11 =	spop (v2sf)  }
0x2d3: {  	(v2sf) =	vpush v3, $0xF;
	s2 =	sadd.f32 s2, s11  }
0x2d4: {  	s14 =	spop (v2sf)  }
0x2d5: {  	s2 =	sadd.f32 s2, s14  }
0x2d6: {  	s15 =	spop (v2sf)  }
0x2d7: {  	s2 =	sadd.f32 s2, s15  }
0x2d8: {  	s31 =	spop (v2sf)  }
0x2d9: {  	s2 =	sadd.f32 s2, s31  }
0x2da: {  	s10 =	spop (v2sf)  }
0x2db: {  	s2 =	sadd.f32 s2, s10  }
0x2dc: {  	s11 =	spop (v2sf)  }
0x2dd: {  	s2 =	sadd.f32 s2, s11  }
0x2de: {  	s14 =	spop (v2sf)  }
0x2df: {  	s2 =	sadd.f32 s2, s14  }
0x2e0: {  	s15 =	spop (v2sf)  }
0x2e1: {  	s2 =	sadd.f32 s2, s15  }
.Ltmp10:
0x2e2: {  	s31 =	spop (v2sf);
	s10 =	sor.u32 $0x7, s9;
	(pc) =	sbr.rel @p0 .LBB2_20-.Ltmp10, $4  }
0x2e3: {  	v3 =	vmov s10;
	s2 =	sadd.f32 s2, s31  }
0x2e4: {  	vm0 =	veq.s32 v3, v0  }
0x2e5: {  	p1 =	seq.s32 s9, $0x0;
	v2 =	vsel vm0, s2, v2  }
0x2e6: {  	[tilespmem:s8+$0x19F8] =	vst @!p1 v2  }
0x2e7: {  	s2 =	sadd.s32 $0xF, s8  }
0x2e8: {  	s2 =	sand.u32 $0x3F, s2  }
0x2e9: {  	s2 =	smul.u32 $0x1A0, s2  }
.Ltmp11:
0x2ea: {  	_ = 	snop;
	(pc) =	sbr.rel .LBB2_2-.Ltmp11, $4  }
0x2eb: {  	s3 =	simm.s32 $0xD210;
	s2 =	sshrl.u32 s2, $0x2  }
0x2ec: {  	[tilespmem:s3], [sflag:$0x8] =	stream.indirect.gather [hbm4b:s5+s13], $0x40, s2, s13, $0xb8;
	[tilespmem:$0x12010] =	vst v63  }
0x2ed: {  	s31 =	simm.s32 $0x11990;
	s12 =	sadd.s32 $0x1, s12  }
0x2ee: {  	[tilespmem:s31], [sflag:$0x10] =	stream.indirect.gather [hbm4b:s6+s13], $0x10, s2, s13, $0xb8;
	[tilespmem:$0x12010] =	vst v63  }
.LBB2_21:
0x2ef: {  	_ =	sfence.sel $0x180000  }
0x2f0: {  	[bflag:$0x0] =	sbarrier.arrive $0xFFFF  }
0x2f1: {  	_ =	strace $0x90000047  }
0x2f2: {  	s0 =	stileid.u32;
	[bflag:$0x2] =	sbarrier.arrive $0xFFFF  }
0x2f3: {  	p0 =	sne.s32 s0, $0x0;
	s0 =	rddreg [dreg:$0x2]  }
0x2f4: {  	s0 =	sadd.s32 @!p0 $0x100000, s0  }
0x2f5: {  	[sflag:s0] =	ssyncadd.tile.s32 @!p0 $0x1;
	_ =	shalt  }
.Lfunc_end2:
_tile_overlayer_lowered:
.L_overlay_start_2:
0x2f6: {  	(tag) =	ssettag $0x2  }
0x2f7: {  	s0 =	rddreg [dreg:$0x0];
	s2 =	stileid.u32  }
0x2f8: {  	s1 =	rddreg [dreg:$0x1];
	p0 =	sne.s32 s2, $0x0  }
0x2f9: {  	s3 =	rddreg [dreg:$0x2];
	[bflag:$0x3] =	sbarrier.arrive $0xFFFF;
	s2 =	simm.s32 @!p0 $0x1C11  }
0x2fa: {  	[timem:s3], [sflag:s2] =	dma.local @!p0 [hbm:s0], s1  }
0x2fb: {  	s0 =	simm.s32 @!p0 $0x11  }
0x2fc: {  	_ =	swait.ge @!p0 [sflag:s0], s1  }
0x2fd: {  	s1 =	ssub.s32 @!p0 $0x0, s1;
	[sflag:s0] =	ssyncset.done @!p0 $0x0  }
0x2fe: {  	[sflag:s0] =	ssyncadd.s32 @!p0 s1  }
0x2ff: {  	[bflag:$0x3] =	sbarrier.arrive $0xFFFF  }
0x300: {  	_ =	shalt  }

</sc_bundles>
